<compile_context>
chip_gen: v7x
topology: tpu7x:2x2x1
jax: 0.10.2.dev20260603
libtpu: 0.0.44.dev20260713+nightly
codegen_flags: <defaults>
</compile_context>

<pallas_src>
import jax
import jax.numpy as jnp
from jax import lax
from jax.experimental import pallas as pl
from jax.experimental.pallas import tpu as pltpu
from jax.experimental.pallas import tpu_sc as plsc

NE = 1_000_000
C = 15
B = 4096
BETA = 0.7
LAMB = 0.5
EPS = 0.0001

NT = 16
RT = B // NT
EPT = RT * C
NJ = EPT // 128
TOTROW = B * C // 128


def _sc_body(idx_hbm, out_hbm, mix_hbm, p_hbm,
             postab, s3sh,
             idxv, mixv, idx2v, wov, wmv, posv, soi, smi,
             outv, s3v, sov, smv, sem, sem_tab):
    cid = lax.axis_index("c")
    wid = lax.axis_index("s")

    @pl.when(cid == 0)
    def _phase1():
        pltpu.sync_copy(idx_hbm.at[pl.ds(wid * RT, RT)], idxv)
        pltpu.sync_copy(mix_hbm.at[pl.ds(wid * RT, RT)], mixv)
        pltpu.async_copy(idx_hbm.at[mixv], idx2v, sem).wait()
        pltpu.sync_copy(out_hbm.at[pl.ds(wid * EPT, EPT)], outv)

        iota = lax.iota(jnp.int32, 16)

        for t in range(RT // 16):
            posv[pl.ds(16 * t, 16)] = wid * RT + 16 * t + iota

        def body_a(j, carry):
            for k in range(8):
                sl = pl.ds(128 * j + 16 * k, 16)
                x = outv[sl]
                sg = 1.0 / (1.0 + jnp.exp(-x))
                s3v[sl] = (1.0 - BETA) * sg
                outv[sl] = jnp.clip(sg, EPS, 1.0 - EPS)
            return carry
        lax.fori_loop(0, NJ, body_a, 0)

        pltpu.sync_copy(s3v, s3sh.at[pl.ds(wid * EPT, EPT)])
        h0 = pltpu.async_copy(posv.at[pl.ds(0, 128)],
                              postab.at[idxv.at[pl.ds(0, 128)]], sem_tab)
        h1 = pltpu.async_copy(posv.at[pl.ds(128, 128)],
                              postab.at[idxv.at[pl.ds(128, 128)]], sem_tab)
        h0.wait()
        h1.wait()

    plsc.subcore_barrier()

    @pl.when(cid == 0)
    def _phase2():
        w0 = pltpu.async_copy(postab.at[idxv], wov, sem)
        w1 = pltpu.async_copy(postab.at[idx2v], wmv, sem)
        w0.wait()
        w1.wait()

        iota = lax.iota(jnp.int32, 16)

        def body_widx(j, carry):
            for k in range(8):
                e = 128 * j + 16 * k + iota
                r = lax.div(e, C)
                c = lax.rem(e, C)
                wo = plsc.load_gather(wov, [r])
                wm = plsc.load_gather(wmv, [r])
                sl = pl.ds(128 * j + 16 * k, 16)
                soi[sl] = C * wo + c
                smi[sl] = C * wm + c
            return carry
        lax.fori_loop(0, NJ, body_widx, 0)

        hs = []
        for j in range(NJ // 2):
            sl = pl.ds(256 * j, 256)
            hs.append(pltpu.async_copy(s3sh.at[soi.at[sl]], sov.at[sl], sem))
            hs.append(pltpu.async_copy(s3sh.at[smi.at[sl]], smv.at[sl], sem))
        for h in hs:
            h.wait()

        def body_b(j, carry):
            for k in range(8):
                sl = pl.ds(128 * j + 16 * k, 16)
                q = LAMB * sov[sl] + (1.0 - LAMB) * smv[sl]
                s3v[sl] = q * outv[sl]
            return carry
        lax.fori_loop(0, NJ, body_b, 0)

        pltpu.sync_copy(s3v, p_hbm.at[pl.ds(wid * EPT, EPT)])


_sc_part = pl.kernel(
    _sc_body,
    out_type=jax.ShapeDtypeStruct((B * C,), jnp.float32),
    scratch_types=[
        pltpu.VMEM_SHARED((NE,), jnp.int32),
        pltpu.VMEM_SHARED((B * C,), jnp.float32),
        pltpu.VMEM((RT,), jnp.int32),
        pltpu.VMEM((RT,), jnp.int32),
        pltpu.VMEM((RT,), jnp.int32),
        pltpu.VMEM((RT,), jnp.int32),
        pltpu.VMEM((RT,), jnp.int32),
        pltpu.VMEM((RT,), jnp.int32),
        pltpu.VMEM((EPT,), jnp.int32),
        pltpu.VMEM((EPT,), jnp.int32),
        pltpu.VMEM((EPT,), jnp.float32),
        pltpu.VMEM((EPT,), jnp.float32),
        pltpu.VMEM((EPT,), jnp.float32),
        pltpu.VMEM((EPT,), jnp.float32),
        pltpu.SemaphoreType.DMA,
        pltpu.SemaphoreType.DMA,
    ],
    mesh=plsc.VectorSubcoreMesh(core_axis_name="c", subcore_axis_name="s"),
    compiler_params=pltpu.CompilerParams(needs_layout_passes=False),
)


def _tc_body(o_ref, l_ref, p_ref, loss_ref, reg_ref):
    o = o_ref[...]
    lab = l_ref[...]
    p = p_ref[...]
    t = jnp.log1p(jnp.exp(-jnp.abs(o)))
    ls_pos = jnp.minimum(o, 0.0) - t
    ls_neg = jnp.minimum(-o, 0.0) - t
    per = -(lab * ls_pos + (1.0 - lab) * ls_neg)
    loss_ref[0, 0] = jnp.sum(per) / (B * C)
    reg_ref[0, 0] = jnp.sum(jnp.log(1.0 - p)) / (B * C)


_tc_part = pl.pallas_call(
    _tc_body,
    out_shape=(
        jax.ShapeDtypeStruct((1, 1), jnp.float32),
        jax.ShapeDtypeStruct((1, 1), jnp.float32),
    ),
    out_specs=(
        pl.BlockSpec(memory_space=pltpu.SMEM),
        pl.BlockSpec(memory_space=pltpu.SMEM),
    ),
)


def kernel(pred_hist, index, output, label, mix_index):
    del pred_hist
    out_flat = output.reshape(B * C)
    p_flat = _sc_part(index, out_flat, mix_index)
    out2d = output.reshape(TOTROW, 128)
    lab2d = label.reshape(TOTROW, 128)
    p2d = p_flat.reshape(TOTROW, 128)
    loss, reg = _tc_part(out2d, lab2d, p2d)
    return loss[0, 0], reg[0, 0]

# --- scband reference (transcript-rebuilt; emitter-appended) ---
"""Pipeline reference for scband-elr-plus-17910013624935 (READ-ONLY COPY).

The authoritative reference and input builder live on the scoring server;
editing this copy changes nothing except your own understanding.
"""

import jax, jax.numpy as jnp
import numpy as np

NUM_EXAMP = 1000000
NUM_CLASSES = 15
BATCH = 4096
BETA = 0.7
LAMB = 0.5


def setup_inputs(seed: int = 0) -> dict:
    key = jax.random.key(seed)
    k1, k2, k3, k4 = jax.random.split(key, 4)
    index = jax.random.randint(k1, (BATCH,), 0, NUM_EXAMP, dtype=jnp.int32)
    output = jax.random.normal(k2, (BATCH, NUM_CLASSES), dtype=jnp.float32)
    label = jax.random.uniform(k3, (BATCH, NUM_CLASSES), dtype=jnp.float32)
    mix_index = jax.random.randint(k4, (BATCH,), 0, BATCH, dtype=jnp.int32)
    pred_hist = jnp.zeros((NUM_EXAMP, NUM_CLASSES), dtype=jnp.float32)
    return {"pred_hist": pred_hist, "index": index, "output": output, "label": label, "mix_index": mix_index}


def reference(pred_hist, index, output, label, mix_index):
    # --- update_hist (EMA scatter-overwrite into memory table) ---
    y_pred_det = jax.lax.stop_gradient(jax.nn.sigmoid(output))
    gathered = pred_hist[index]                      # gather rows [B, C]
    new_rows = BETA * gathered + (1.0 - BETA) * y_pred_det
    new_hist = pred_hist.at[index].set(new_rows)     # scatter-overwrite
    h = new_hist[index]                              # re-gather updated rows
    q = LAMB * h + (1.0 - LAMB) * h[mix_index]
    # --- forward ---
    y_pred = jnp.clip(jax.nn.sigmoid(output), 0.0001, 1.0 - 0.0001)
    # nn.MultiLabelSoftMarginLoss: mean over classes of BCE-with-logits, then mean over batch
    per_elem = -(label * jax.nn.log_sigmoid(output) + (1.0 - label) * jax.nn.log_sigmoid(-output))
    loss = per_elem.mean(axis=1).mean()
    reg = jnp.log(1.0 - q * y_pred).mean()
    return (loss, reg)

if __name__ == "__main__":
    import jax
    _d = setup_inputs()
    print(jax.jit(kernel)(*tuple(_d.values())))

</pallas_src>

<mosaic_0001>
#map = affine_map<(d0, d1) -> (0)>
module attributes {stable_mosaic.version = 14 : i64} {
  func.func @_sc_body(%arg0: i32, %arg1: i32, %arg2: memref<4096xi32, #tpu.memory_space<hbm>>, %arg3: memref<61440xf32, #tpu.memory_space<hbm>>, %arg4: memref<4096xi32, #tpu.memory_space<hbm>>, %arg5: memref<61440xf32, #tpu.memory_space<hbm>>, %arg6: memref<1000000xi32, #tpu.memory_space<vmem_shared>>, %arg7: memref<61440xf32, #tpu.memory_space<vmem_shared>>, %arg8: memref<256xi32, #tpu.memory_space<vmem>>, %arg9: memref<256xi32, #tpu.memory_space<vmem>>, %arg10: memref<256xi32, #tpu.memory_space<vmem>>, %arg11: memref<256xi32, #tpu.memory_space<vmem>>, %arg12: memref<256xi32, #tpu.memory_space<vmem>>, %arg13: memref<256xi32, #tpu.memory_space<vmem>>, %arg14: memref<3840xi32, #tpu.memory_space<vmem>>, %arg15: memref<3840xi32, #tpu.memory_space<vmem>>, %arg16: memref<3840xf32, #tpu.memory_space<vmem>>, %arg17: memref<3840xf32, #tpu.memory_space<vmem>>, %arg18: memref<3840xf32, #tpu.memory_space<vmem>>, %arg19: memref<3840xf32, #tpu.memory_space<vmem>>, %arg20: memref<!tpu.dma_semaphore, #tpu.memory_space<semaphore_mem>>, %arg21: memref<!tpu.dma_semaphore, #tpu.memory_space<semaphore_mem>>) attributes {dimension_semantics = [#tpu.dimension_semantics<core_parallel>, #tpu.dimension_semantics<subcore_parallel>], iteration_bounds = array<i64: 2, 16>, scalar_prefetch = 0 : i64, scratch_operands = 16 : i64, tpu.core_type = #tpu.core_type<sc_vector_subcore>, window_params = [{transform_indices = #map}, {transform_indices = #map}, {transform_indices = #map}, {transform_indices = #map}]} {
    %eq3A = arith.constant 0 : i32
    %eq3A_0 = arith.cmpi eq, %arg0, %eq3A : i32
    %convert_element_type3A = arith.extui %eq3A_0 : i1 to i32
    %cond3A = arith.constant 0 : i32
    %cond3A_1 = arith.cmpi ne, %convert_element_type3A, %cond3A : i32
    scf.if %cond3A_1 {
      %mul3A = arith.constant 256 : i32
      %mul3A_7 = arith.muli %arg1, %mul3A : i32
      "tpu.region"() ({
        %run_scoped3A = tpu.sem_alloc : memref<!tpu.dma_semaphore, #tpu.memory_space<semaphore_mem>>
        %dma_start3A_171 = tpu.memref_slice %arg2[%mul3A_7] : memref<4096xi32, #tpu.memory_space<hbm>> -> memref<256xi32, #tpu.memory_space<hbm>>
        %dma_start3A_172 = tpu.memref_slice %arg2[%mul3A_7] : memref<4096xi32, #tpu.memory_space<hbm>> -> memref<256xi32, #tpu.memory_space<hbm>>
        tpu.enqueue_dma source(%dma_start3A_172 : memref<256xi32, #tpu.memory_space<hbm>>) target(%arg8 : memref<256xi32, #tpu.memory_space<vmem>>) target_semaphore(%run_scoped3A : memref<!tpu.dma_semaphore, #tpu.memory_space<semaphore_mem>>)
        %dma_wait3A_173 = tpu.memref_slice %arg2[%mul3A_7] : memref<4096xi32, #tpu.memory_space<hbm>> -> memref<256xi32, #tpu.memory_space<hbm>>
        %dma_wait3A_174 = tpu.memref_slice %arg2[%mul3A_7] : memref<4096xi32, #tpu.memory_space<hbm>> -> memref<256xi32, #tpu.memory_space<hbm>>
        tpu.wait_dma2 semaphore(%run_scoped3A : memref<!tpu.dma_semaphore, #tpu.memory_space<semaphore_mem>>) src(%dma_wait3A_174 : memref<256xi32, #tpu.memory_space<hbm>>) dst(%arg8 : memref<256xi32, #tpu.memory_space<vmem>>)
        tpu.yield
      }) : () -> ()
      %mul3A_8 = arith.constant 256 : i32
      %mul3A_9 = arith.muli %arg1, %mul3A_8 : i32
      "tpu.region"() ({
        %run_scoped3A = tpu.sem_alloc : memref<!tpu.dma_semaphore, #tpu.memory_space<semaphore_mem>>
        %dma_start3A_171 = tpu.memref_slice %arg4[%mul3A_9] : memref<4096xi32, #tpu.memory_space<hbm>> -> memref<256xi32, #tpu.memory_space<hbm>>
        %dma_start3A_172 = tpu.memref_slice %arg4[%mul3A_9] : memref<4096xi32, #tpu.memory_space<hbm>> -> memref<256xi32, #tpu.memory_space<hbm>>
        tpu.enqueue_dma source(%dma_start3A_172 : memref<256xi32, #tpu.memory_space<hbm>>) target(%arg9 : memref<256xi32, #tpu.memory_space<vmem>>) target_semaphore(%run_scoped3A : memref<!tpu.dma_semaphore, #tpu.memory_space<semaphore_mem>>)
        %dma_wait3A_173 = tpu.memref_slice %arg4[%mul3A_9] : memref<4096xi32, #tpu.memory_space<hbm>> -> memref<256xi32, #tpu.memory_space<hbm>>
        %dma_wait3A_174 = tpu.memref_slice %arg4[%mul3A_9] : memref<4096xi32, #tpu.memory_space<hbm>> -> memref<256xi32, #tpu.memory_space<hbm>>
        tpu.wait_dma2 semaphore(%run_scoped3A : memref<!tpu.dma_semaphore, #tpu.memory_space<semaphore_mem>>) src(%dma_wait3A_174 : memref<256xi32, #tpu.memory_space<hbm>>) dst(%arg9 : memref<256xi32, #tpu.memory_space<vmem>>)
        tpu.yield
      }) : () -> ()
      %dma_start3A = arith.constant 0 : i32
      %dma_start3A_10 = tpu.memref_slice %arg2[%dma_start3A] : memref<4096xi32, #tpu.memory_space<hbm>> -> memref<4096xi32, #tpu.memory_space<hbm>>
      tpu.enqueue_indirect_dma source(%dma_start3A_10 : memref<4096xi32, #tpu.memory_space<hbm>>) target(%arg10 : memref<256xi32, #tpu.memory_space<vmem>>) offsets(%arg9 : memref<256xi32, #tpu.memory_space<vmem>>) semaphore(%arg20 : memref<!tpu.dma_semaphore, #tpu.memory_space<semaphore_mem>>)
      %dma_wait3A = arith.constant 0 : i32
      %dma_wait3A_11 = tpu.memref_slice %arg2[%dma_wait3A] : memref<4096xi32, #tpu.memory_space<hbm>> -> memref<4096xi32, #tpu.memory_space<hbm>>
      tpu.wait_indirect_dma semaphore(%arg20 : memref<!tpu.dma_semaphore, #tpu.memory_space<semaphore_mem>>) src(%dma_wait3A_11 : memref<4096xi32, #tpu.memory_space<hbm>>) dst(%arg10 : memref<256xi32, #tpu.memory_space<vmem>>)
      %mul3A_12 = arith.constant 3840 : i32
      %mul3A_13 = arith.muli %arg1, %mul3A_12 : i32
      "tpu.region"() ({
        %run_scoped3A = tpu.sem_alloc : memref<!tpu.dma_semaphore, #tpu.memory_space<semaphore_mem>>
        %dma_start3A_171 = tpu.memref_slice %arg3[%mul3A_13] : memref<61440xf32, #tpu.memory_space<hbm>> -> memref<3840xf32, #tpu.memory_space<hbm>>
        %dma_start3A_172 = tpu.memref_slice %arg3[%mul3A_13] : memref<61440xf32, #tpu.memory_space<hbm>> -> memref<3840xf32, #tpu.memory_space<hbm>>
        tpu.enqueue_dma source(%dma_start3A_172 : memref<3840xf32, #tpu.memory_space<hbm>>) target(%arg16 : memref<3840xf32, #tpu.memory_space<vmem>>) target_semaphore(%run_scoped3A : memref<!tpu.dma_semaphore, #tpu.memory_space<semaphore_mem>>)
        %dma_wait3A_173 = tpu.memref_slice %arg3[%mul3A_13] : memref<61440xf32, #tpu.memory_space<hbm>> -> memref<3840xf32, #tpu.memory_space<hbm>>
        %dma_wait3A_174 = tpu.memref_slice %arg3[%mul3A_13] : memref<61440xf32, #tpu.memory_space<hbm>> -> memref<3840xf32, #tpu.memory_space<hbm>>
        tpu.wait_dma2 semaphore(%run_scoped3A : memref<!tpu.dma_semaphore, #tpu.memory_space<semaphore_mem>>) src(%dma_wait3A_174 : memref<3840xf32, #tpu.memory_space<hbm>>) dst(%arg16 : memref<3840xf32, #tpu.memory_space<vmem>>)
        tpu.yield
      }) : () -> ()
      %iota3A = tpu.iota {dimensions = array<i32: 0>} : vector<16xi32>
      %mul3A_14 = arith.constant 256 : i32
      %mul3A_15 = arith.muli %arg1, %mul3A_14 : i32
      %add3A = arith.constant 0 : i32
      %add3A_16 = arith.addi %mul3A_15, %add3A : i32
      %add3A_17 = vector.broadcast %add3A_16 : i32 to vector<16xi32>
      %add3A_18 = arith.addi %add3A_17, %iota3A : vector<16xi32>
      %swap3A = arith.constant 0 : index
      %swap3A_19 = tpu.vector_load %arg13[%swap3A] {strides = array<i32>} : memref<256xi32, #tpu.memory_space<vmem>>, vector<16xi32>,
      tpu.vector_store %arg13[%swap3A], %add3A_18 {strides = array<i32>} : memref<256xi32, #tpu.memory_space<vmem>>, vector<16xi32>,
      %mul3A_20 = arith.constant 256 : i32
      %mul3A_21 = arith.muli %arg1, %mul3A_20 : i32
      %add3A_22 = arith.constant 16 : i32
      %add3A_23 = arith.addi %mul3A_21, %add3A_22 : i32
      %add3A_24 = vector.broadcast %add3A_23 : i32 to vector<16xi32>
      %add3A_25 = arith.addi %add3A_24, %iota3A : vector<16xi32>
      %swap3A_26 = arith.constant 16 : index
      %swap3A_27 = tpu.vector_load %arg13[%swap3A_26] {strides = array<i32>} : memref<256xi32, #tpu.memory_space<vmem>>, vector<16xi32>,
      tpu.vector_store %arg13[%swap3A_26], %add3A_25 {strides = array<i32>} : memref<256xi32, #tpu.memory_space<vmem>>, vector<16xi32>,
      %mul3A_28 = arith.constant 256 : i32
      %mul3A_29 = arith.muli %arg1, %mul3A_28 : i32
      %add3A_30 = arith.constant 32 : i32
      %add3A_31 = arith.addi %mul3A_29, %add3A_30 : i32
      %add3A_32 = vector.broadcast %add3A_31 : i32 to vector<16xi32>
      %add3A_33 = arith.addi %add3A_32, %iota3A : vector<16xi32>
      %swap3A_34 = arith.constant 32 : index
      %swap3A_35 = tpu.vector_load %arg13[%swap3A_34] {strides = array<i32>} : memref<256xi32, #tpu.memory_space<vmem>>, vector<16xi32>,
      tpu.vector_store %arg13[%swap3A_34], %add3A_33 {strides = array<i32>} : memref<256xi32, #tpu.memory_space<vmem>>, vector<16xi32>,
      %mul3A_36 = arith.constant 256 : i32
      %mul3A_37 = arith.muli %arg1, %mul3A_36 : i32
      %add3A_38 = arith.constant 48 : i32
      %add3A_39 = arith.addi %mul3A_37, %add3A_38 : i32
      %add3A_40 = vector.broadcast %add3A_39 : i32 to vector<16xi32>
      %add3A_41 = arith.addi %add3A_40, %iota3A : vector<16xi32>
      %swap3A_42 = arith.constant 48 : index
      %swap3A_43 = tpu.vector_load %arg13[%swap3A_42] {strides = array<i32>} : memref<256xi32, #tpu.memory_space<vmem>>, vector<16xi32>,
      tpu.vector_store %arg13[%swap3A_42], %add3A_41 {strides = array<i32>} : memref<256xi32, #tpu.memory_space<vmem>>, vector<16xi32>,
      %mul3A_44 = arith.constant 256 : i32
      %mul3A_45 = arith.muli %arg1, %mul3A_44 : i32
      %add3A_46 = arith.constant 64 : i32
      %add3A_47 = arith.addi %mul3A_45, %add3A_46 : i32
      %add3A_48 = vector.broadcast %add3A_47 : i32 to vector<16xi32>
      %add3A_49 = arith.addi %add3A_48, %iota3A : vector<16xi32>
      %swap3A_50 = arith.constant 64 : index
      %swap3A_51 = tpu.vector_load %arg13[%swap3A_50] {strides = array<i32>} : memref<256xi32, #tpu.memory_space<vmem>>, vector<16xi32>,
      tpu.vector_store %arg13[%swap3A_50], %add3A_49 {strides = array<i32>} : memref<256xi32, #tpu.memory_space<vmem>>, vector<16xi32>,
      %mul3A_52 = arith.constant 256 : i32
      %mul3A_53 = arith.muli %arg1, %mul3A_52 : i32
      %add3A_54 = arith.constant 80 : i32
      %add3A_55 = arith.addi %mul3A_53, %add3A_54 : i32
      %add3A_56 = vector.broadcast %add3A_55 : i32 to vector<16xi32>
      %add3A_57 = arith.addi %add3A_56, %iota3A : vector<16xi32>
      %swap3A_58 = arith.constant 80 : index
      %swap3A_59 = tpu.vector_load %arg13[%swap3A_58] {strides = array<i32>} : memref<256xi32, #tpu.memory_space<vmem>>, vector<16xi32>,
      tpu.vector_store %arg13[%swap3A_58], %add3A_57 {strides = array<i32>} : memref<256xi32, #tpu.memory_space<vmem>>, vector<16xi32>,
      %mul3A_60 = arith.constant 256 : i32
      %mul3A_61 = arith.muli %arg1, %mul3A_60 : i32
      %add3A_62 = arith.constant 96 : i32
      %add3A_63 = arith.addi %mul3A_61, %add3A_62 : i32
      %add3A_64 = vector.broadcast %add3A_63 : i32 to vector<16xi32>
      %add3A_65 = arith.addi %add3A_64, %iota3A : vector<16xi32>
      %swap3A_66 = arith.constant 96 : index
      %swap3A_67 = tpu.vector_load %arg13[%swap3A_66] {strides = array<i32>} : memref<256xi32, #tpu.memory_space<vmem>>, vector<16xi32>,
      tpu.vector_store %arg13[%swap3A_66], %add3A_65 {strides = array<i32>} : memref<256xi32, #tpu.memory_space<vmem>>, vector<16xi32>,
      %mul3A_68 = arith.constant 256 : i32
      %mul3A_69 = arith.muli %arg1, %mul3A_68 : i32
      %add3A_70 = arith.constant 112 : i32
      %add3A_71 = arith.addi %mul3A_69, %add3A_70 : i32
      %add3A_72 = vector.broadcast %add3A_71 : i32 to vector<16xi32>
      %add3A_73 = arith.addi %add3A_72, %iota3A : vector<16xi32>
      %swap3A_74 = arith.constant 112 : index
      %swap3A_75 = tpu.vector_load %arg13[%swap3A_74] {strides = array<i32>} : memref<256xi32, #tpu.memory_space<vmem>>, vector<16xi32>,
      tpu.vector_store %arg13[%swap3A_74], %add3A_73 {strides = array<i32>} : memref<256xi32, #tpu.memory_space<vmem>>, vector<16xi32>,
      %mul3A_76 = arith.constant 256 : i32
      %mul3A_77 = arith.muli %arg1, %mul3A_76 : i32
      %add3A_78 = arith.constant 128 : i32
      %add3A_79 = arith.addi %mul3A_77, %add3A_78 : i32
      %add3A_80 = vector.broadcast %add3A_79 : i32 to vector<16xi32>
      %add3A_81 = arith.addi %add3A_80, %iota3A : vector<16xi32>
      %swap3A_82 = arith.constant 128 : index
      %swap3A_83 = tpu.vector_load %arg13[%swap3A_82] {strides = array<i32>} : memref<256xi32, #tpu.memory_space<vmem>>, vector<16xi32>,
      tpu.vector_store %arg13[%swap3A_82], %add3A_81 {strides = array<i32>} : memref<256xi32, #tpu.memory_space<vmem>>, vector<16xi32>,
      %mul3A_84 = arith.constant 256 : i32
      %mul3A_85 = arith.muli %arg1, %mul3A_84 : i32
      %add3A_86 = arith.constant 144 : i32
      %add3A_87 = arith.addi %mul3A_85, %add3A_86 : i32
      %add3A_88 = vector.broadcast %add3A_87 : i32 to vector<16xi32>
      %add3A_89 = arith.addi %add3A_88, %iota3A : vector<16xi32>
      %swap3A_90 = arith.constant 144 : index
      %swap3A_91 = tpu.vector_load %arg13[%swap3A_90] {strides = array<i32>} : memref<256xi32, #tpu.memory_space<vmem>>, vector<16xi32>,
      tpu.vector_store %arg13[%swap3A_90], %add3A_89 {strides = array<i32>} : memref<256xi32, #tpu.memory_space<vmem>>, vector<16xi32>,
      %mul3A_92 = arith.constant 256 : i32
      %mul3A_93 = arith.muli %arg1, %mul3A_92 : i32
      %add3A_94 = arith.constant 160 : i32
      %add3A_95 = arith.addi %mul3A_93, %add3A_94 : i32
      %add3A_96 = vector.broadcast %add3A_95 : i32 to vector<16xi32>
      %add3A_97 = arith.addi %add3A_96, %iota3A : vector<16xi32>
      %swap3A_98 = arith.constant 160 : index
      %swap3A_99 = tpu.vector_load %arg13[%swap3A_98] {strides = array<i32>} : memref<256xi32, #tpu.memory_space<vmem>>, vector<16xi32>,
      tpu.vector_store %arg13[%swap3A_98], %add3A_97 {strides = array<i32>} : memref<256xi32, #tpu.memory_space<vmem>>, vector<16xi32>,
      %mul3A_100 = arith.constant 256 : i32
      %mul3A_101 = arith.muli %arg1, %mul3A_100 : i32
      %add3A_102 = arith.constant 176 : i32
      %add3A_103 = arith.addi %mul3A_101, %add3A_102 : i32
      %add3A_104 = vector.broadcast %add3A_103 : i32 to vector<16xi32>
      %add3A_105 = arith.addi %add3A_104, %iota3A : vector<16xi32>
      %swap3A_106 = arith.constant 176 : index
      %swap3A_107 = tpu.vector_load %arg13[%swap3A_106] {strides = array<i32>} : memref<256xi32, #tpu.memory_space<vmem>>, vector<16xi32>,
      tpu.vector_store %arg13[%swap3A_106], %add3A_105 {strides = array<i32>} : memref<256xi32, #tpu.memory_space<vmem>>, vector<16xi32>,
      %mul3A_108 = arith.constant 256 : i32
      %mul3A_109 = arith.muli %arg1, %mul3A_108 : i32
      %add3A_110 = arith.constant 192 : i32
      %add3A_111 = arith.addi %mul3A_109, %add3A_110 : i32
      %add3A_112 = vector.broadcast %add3A_111 : i32 to vector<16xi32>
      %add3A_113 = arith.addi %add3A_112, %iota3A : vector<16xi32>
      %swap3A_114 = arith.constant 192 : index
      %swap3A_115 = tpu.vector_load %arg13[%swap3A_114] {strides = array<i32>} : memref<256xi32, #tpu.memory_space<vmem>>, vector<16xi32>,
      tpu.vector_store %arg13[%swap3A_114], %add3A_113 {strides = array<i32>} : memref<256xi32, #tpu.memory_space<vmem>>, vector<16xi32>,
      %mul3A_116 = arith.constant 256 : i32
      %mul3A_117 = arith.muli %arg1, %mul3A_116 : i32
      %add3A_118 = arith.constant 208 : i32
      %add3A_119 = arith.addi %mul3A_117, %add3A_118 : i32
      %add3A_120 = vector.broadcast %add3A_119 : i32 to vector<16xi32>
      %add3A_121 = arith.addi %add3A_120, %iota3A : vector<16xi32>
      %swap3A_122 = arith.constant 208 : index
      %swap3A_123 = tpu.vector_load %arg13[%swap3A_122] {strides = array<i32>} : memref<256xi32, #tpu.memory_space<vmem>>, vector<16xi32>,
      tpu.vector_store %arg13[%swap3A_122], %add3A_121 {strides = array<i32>} : memref<256xi32, #tpu.memory_space<vmem>>, vector<16xi32>,
      %mul3A_124 = arith.constant 256 : i32
      %mul3A_125 = arith.muli %arg1, %mul3A_124 : i32
      %add3A_126 = arith.constant 224 : i32
      %add3A_127 = arith.addi %mul3A_125, %add3A_126 : i32
      %add3A_128 = vector.broadcast %add3A_127 : i32 to vector<16xi32>
      %add3A_129 = arith.addi %add3A_128, %iota3A : vector<16xi32>
      %swap3A_130 = arith.constant 224 : index
      %swap3A_131 = tpu.vector_load %arg13[%swap3A_130] {strides = array<i32>} : memref<256xi32, #tpu.memory_space<vmem>>, vector<16xi32>,
      tpu.vector_store %arg13[%swap3A_130], %add3A_129 {strides = array<i32>} : memref<256xi32, #tpu.memory_space<vmem>>, vector<16xi32>,
      %mul3A_132 = arith.constant 256 : i32
      %mul3A_133 = arith.muli %arg1, %mul3A_132 : i32
      %add3A_134 = arith.constant 240 : i32
      %add3A_135 = arith.addi %mul3A_133, %add3A_134 : i32
      %add3A_136 = vector.broadcast %add3A_135 : i32 to vector<16xi32>
      %add3A_137 = arith.addi %add3A_136, %iota3A : vector<16xi32>
      %swap3A_138 = arith.constant 240 : index
      %swap3A_139 = tpu.vector_load %arg13[%swap3A_138] {strides = array<i32>} : memref<256xi32, #tpu.memory_space<vmem>>, vector<16xi32>,
      tpu.vector_store %arg13[%swap3A_138], %add3A_137 {strides = array<i32>} : memref<256xi32, #tpu.memory_space<vmem>>, vector<16xi32>,
      %scan3A = arith.constant 0 : i32
      %scan3A_140 = arith.constant 0 : i32
      %scan3A_141 = arith.constant 30 : i32
      %scan3A_142 = arith.addi %scan3A_140, %scan3A_141 : i32
      %scan3A_143 = arith.constant 1 : i32
      scf.for %scan3A_171 = %scan3A_140 to %scan3A_142 step %scan3A_143  : i32 {
        %mul3A_172 = arith.constant 128 : i32
        %mul3A_173 = arith.muli %mul3A_172, %scan3A_171 : i32
        %add3A_174 = arith.constant 0 : i32
        %add3A_175 = arith.addi %mul3A_173, %add3A_174 : i32
        %get3A = arith.index_cast %add3A_175 : i32 to index
        %get3A_176 = tpu.vector_load %arg16[%get3A] {strides = array<i32>} : memref<3840xf32, #tpu.memory_space<vmem>>, vector<16xf32>,
        %neg3A = arith.constant 0.000000e+00 : f32
        %neg3A_177 = vector.broadcast %neg3A : f32 to vector<16xf32>
        %neg3A_178 = arith.subf %neg3A_177, %get3A_176 : vector<16xf32>
        %exp3A = math.exp %neg3A_178 : vector<16xf32>
        %add3A_179 = arith.constant 1.000000e+00 : f32
        %add3A_180 = vector.broadcast %add3A_179 : f32 to vector<16xf32>
        %add3A_181 = arith.addf %add3A_180, %exp3A : vector<16xf32>
        %div3A = arith.constant 1.000000e+00 : f32
        %div3A_182 = vector.broadcast %div3A : f32 to vector<16xf32>
        %div3A_183 = arith.divf %div3A_182, %add3A_181 : vector<16xf32>
        %mul3A_184 = arith.constant 3.000000e-01 : f32
        %mul3A_185 = vector.broadcast %mul3A_184 : f32 to vector<16xf32>
        %mul3A_186 = arith.mulf %mul3A_185, %div3A_183 : vector<16xf32>
        %swap3A_187 = arith.index_cast %add3A_175 : i32 to index
        %swap3A_188 = tpu.vector_load %arg17[%swap3A_187] {strides = array<i32>} : memref<3840xf32, #tpu.memory_space<vmem>>, vector<16xf32>,
        tpu.vector_store %arg17[%swap3A_187], %mul3A_186 {strides = array<i32>} : memref<3840xf32, #tpu.memory_space<vmem>>, vector<16xf32>,
        %jit3A = arith.constant 9.99999974E-5 : f32
        %jit3A_189 = arith.constant 0.999899983 : f32
        %max3A = vector.broadcast %jit3A : f32 to vector<16xf32>
        %max3A_190 = arith.maximumf %max3A, %div3A_183 : vector<16xf32>
        %min3A = vector.broadcast %jit3A_189 : f32 to vector<16xf32>
        %min3A_191 = arith.minimumf %min3A, %max3A_190 : vector<16xf32>
        %swap3A_192 = arith.index_cast %add3A_175 : i32 to index
        %swap3A_193 = tpu.vector_load %arg16[%swap3A_192] {strides = array<i32>} : memref<3840xf32, #tpu.memory_space<vmem>>, vector<16xf32>,
        tpu.vector_store %arg16[%swap3A_192], %min3A_191 {strides = array<i32>} : memref<3840xf32, #tpu.memory_space<vmem>>, vector<16xf32>,
        %mul3A_194 = arith.constant 128 : i32
        %mul3A_195 = arith.muli %mul3A_194, %scan3A_171 : i32
        %add3A_196 = arith.constant 16 : i32
        %add3A_197 = arith.addi %mul3A_195, %add3A_196 : i32
        %get3A_198 = arith.index_cast %add3A_197 : i32 to index
        %get3A_199 = tpu.vector_load %arg16[%get3A_198] {strides = array<i32>} : memref<3840xf32, #tpu.memory_space<vmem>>, vector<16xf32>,
        %neg3A_200 = arith.constant 0.000000e+00 : f32
        %neg3A_201 = vector.broadcast %neg3A_200 : f32 to vector<16xf32>
        %neg3A_202 = arith.subf %neg3A_201, %get3A_199 : vector<16xf32>
        %exp3A_203 = math.exp %neg3A_202 : vector<16xf32>
        %add3A_204 = arith.constant 1.000000e+00 : f32
        %add3A_205 = vector.broadcast %add3A_204 : f32 to vector<16xf32>
        %add3A_206 = arith.addf %add3A_205, %exp3A_203 : vector<16xf32>
        %div3A_207 = arith.constant 1.000000e+00 : f32
        %div3A_208 = vector.broadcast %div3A_207 : f32 to vector<16xf32>
        %div3A_209 = arith.divf %div3A_208, %add3A_206 : vector<16xf32>
        %mul3A_210 = arith.constant 3.000000e-01 : f32
        %mul3A_211 = vector.broadcast %mul3A_210 : f32 to vector<16xf32>
        %mul3A_212 = arith.mulf %mul3A_211, %div3A_209 : vector<16xf32>
        %swap3A_213 = arith.index_cast %add3A_197 : i32 to index
        %swap3A_214 = tpu.vector_load %arg17[%swap3A_213] {strides = array<i32>} : memref<3840xf32, #tpu.memory_space<vmem>>, vector<16xf32>,
        tpu.vector_store %arg17[%swap3A_213], %mul3A_212 {strides = array<i32>} : memref<3840xf32, #tpu.memory_space<vmem>>, vector<16xf32>,
        %jit3A_215 = arith.constant 9.99999974E-5 : f32
        %jit3A_216 = arith.constant 0.999899983 : f32
        %max3A_217 = vector.broadcast %jit3A_215 : f32 to vector<16xf32>
        %max3A_218 = arith.maximumf %max3A_217, %div3A_209 : vector<16xf32>
        %min3A_219 = vector.broadcast %jit3A_216 : f32 to vector<16xf32>
        %min3A_220 = arith.minimumf %min3A_219, %max3A_218 : vector<16xf32>
        %swap3A_221 = arith.index_cast %add3A_197 : i32 to index
        %swap3A_222 = tpu.vector_load %arg16[%swap3A_221] {strides = array<i32>} : memref<3840xf32, #tpu.memory_space<vmem>>, vector<16xf32>,
        tpu.vector_store %arg16[%swap3A_221], %min3A_220 {strides = array<i32>} : memref<3840xf32, #tpu.memory_space<vmem>>, vector<16xf32>,
        %mul3A_223 = arith.constant 128 : i32
        %mul3A_224 = arith.muli %mul3A_223, %scan3A_171 : i32
        %add3A_225 = arith.constant 32 : i32
        %add3A_226 = arith.addi %mul3A_224, %add3A_225 : i32
        %get3A_227 = arith.index_cast %add3A_226 : i32 to index
        %get3A_228 = tpu.vector_load %arg16[%get3A_227] {strides = array<i32>} : memref<3840xf32, #tpu.memory_space<vmem>>, vector<16xf32>,
        %neg3A_229 = arith.constant 0.000000e+00 : f32
        %neg3A_230 = vector.broadcast %neg3A_229 : f32 to vector<16xf32>
        %neg3A_231 = arith.subf %neg3A_230, %get3A_228 : vector<16xf32>
        %exp3A_232 = math.exp %neg3A_231 : vector<16xf32>
        %add3A_233 = arith.constant 1.000000e+00 : f32
        %add3A_234 = vector.broadcast %add3A_233 : f32 to vector<16xf32>
        %add3A_235 = arith.addf %add3A_234, %exp3A_232 : vector<16xf32>
        %div3A_236 = arith.constant 1.000000e+00 : f32
        %div3A_237 = vector.broadcast %div3A_236 : f32 to vector<16xf32>
        %div3A_238 = arith.divf %div3A_237, %add3A_235 : vector<16xf32>
        %mul3A_239 = arith.constant 3.000000e-01 : f32
        %mul3A_240 = vector.broadcast %mul3A_239 : f32 to vector<16xf32>
        %mul3A_241 = arith.mulf %mul3A_240, %div3A_238 : vector<16xf32>
        %swap3A_242 = arith.index_cast %add3A_226 : i32 to index
        %swap3A_243 = tpu.vector_load %arg17[%swap3A_242] {strides = array<i32>} : memref<3840xf32, #tpu.memory_space<vmem>>, vector<16xf32>,
        tpu.vector_store %arg17[%swap3A_242], %mul3A_241 {strides = array<i32>} : memref<3840xf32, #tpu.memory_space<vmem>>, vector<16xf32>,
        %jit3A_244 = arith.constant 9.99999974E-5 : f32
        %jit3A_245 = arith.constant 0.999899983 : f32
        %max3A_246 = vector.broadcast %jit3A_244 : f32 to vector<16xf32>
        %max3A_247 = arith.maximumf %max3A_246, %div3A_238 : vector<16xf32>
        %min3A_248 = vector.broadcast %jit3A_245 : f32 to vector<16xf32>
        %min3A_249 = arith.minimumf %min3A_248, %max3A_247 : vector<16xf32>
        %swap3A_250 = arith.index_cast %add3A_226 : i32 to index
        %swap3A_251 = tpu.vector_load %arg16[%swap3A_250] {strides = array<i32>} : memref<3840xf32, #tpu.memory_space<vmem>>, vector<16xf32>,
        tpu.vector_store %arg16[%swap3A_250], %min3A_249 {strides = array<i32>} : memref<3840xf32, #tpu.memory_space<vmem>>, vector<16xf32>,
        %mul3A_252 = arith.constant 128 : i32
        %mul3A_253 = arith.muli %mul3A_252, %scan3A_171 : i32
        %add3A_254 = arith.constant 48 : i32
        %add3A_255 = arith.addi %mul3A_253, %add3A_254 : i32
        %get3A_256 = arith.index_cast %add3A_255 : i32 to index
        %get3A_257 = tpu.vector_load %arg16[%get3A_256] {strides = array<i32>} : memref<3840xf32, #tpu.memory_space<vmem>>, vector<16xf32>,
        %neg3A_258 = arith.constant 0.000000e+00 : f32
        %neg3A_259 = vector.broadcast %neg3A_258 : f32 to vector<16xf32>
        %neg3A_260 = arith.subf %neg3A_259, %get3A_257 : vector<16xf32>
        %exp3A_261 = math.exp %neg3A_260 : vector<16xf32>
        %add3A_262 = arith.constant 1.000000e+00 : f32
        %add3A_263 = vector.broadcast %add3A_262 : f32 to vector<16xf32>
        %add3A_264 = arith.addf %add3A_263, %exp3A_261 : vector<16xf32>
        %div3A_265 = arith.constant 1.000000e+00 : f32
        %div3A_266 = vector.broadcast %div3A_265 : f32 to vector<16xf32>
        %div3A_267 = arith.divf %div3A_266, %add3A_264 : vector<16xf32>
        %mul3A_268 = arith.constant 3.000000e-01 : f32
        %mul3A_269 = vector.broadcast %mul3A_268 : f32 to vector<16xf32>
        %mul3A_270 = arith.mulf %mul3A_269, %div3A_267 : vector<16xf32>
        %swap3A_271 = arith.index_cast %add3A_255 : i32 to index
        %swap3A_272 = tpu.vector_load %arg17[%swap3A_271] {strides = array<i32>} : memref<3840xf32, #tpu.memory_space<vmem>>, vector<16xf32>,
        tpu.vector_store %arg17[%swap3A_271], %mul3A_270 {strides = array<i32>} : memref<3840xf32, #tpu.memory_space<vmem>>, vector<16xf32>,
        %jit3A_273 = arith.constant 9.99999974E-5 : f32
        %jit3A_274 = arith.constant 0.999899983 : f32
        %max3A_275 = vector.broadcast %jit3A_273 : f32 to vector<16xf32>
        %max3A_276 = arith.maximumf %max3A_275, %div3A_267 : vector<16xf32>
        %min3A_277 = vector.broadcast %jit3A_274 : f32 to vector<16xf32>
        %min3A_278 = arith.minimumf %min3A_277, %max3A_276 : vector<16xf32>
        %swap3A_279 = arith.index_cast %add3A_255 : i32 to index
        %swap3A_280 = tpu.vector_load %arg16[%swap3A_279] {strides = array<i32>} : memref<3840xf32, #tpu.memory_space<vmem>>, vector<16xf32>,
        tpu.vector_store %arg16[%swap3A_279], %min3A_278 {strides = array<i32>} : memref<3840xf32, #tpu.memory_space<vmem>>, vector<16xf32>,
        %mul3A_281 = arith.constant 128 : i32
        %mul3A_282 = arith.muli %mul3A_281, %scan3A_171 : i32
        %add3A_283 = arith.constant 64 : i32
        %add3A_284 = arith.addi %mul3A_282, %add3A_283 : i32
        %get3A_285 = arith.index_cast %add3A_284 : i32 to index
        %get3A_286 = tpu.vector_load %arg16[%get3A_285] {strides = array<i32>} : memref<3840xf32, #tpu.memory_space<vmem>>, vector<16xf32>,
        %neg3A_287 = arith.constant 0.000000e+00 : f32
        %neg3A_288 = vector.broadcast %neg3A_287 : f32 to vector<16xf32>
        %neg3A_289 = arith.subf %neg3A_288, %get3A_286 : vector<16xf32>
        %exp3A_290 = math.exp %neg3A_289 : vector<16xf32>
        %add3A_291 = arith.constant 1.000000e+00 : f32
        %add3A_292 = vector.broadcast %add3A_291 : f32 to vector<16xf32>
        %add3A_293 = arith.addf %add3A_292, %exp3A_290 : vector<16xf32>
        %div3A_294 = arith.constant 1.000000e+00 : f32
        %div3A_295 = vector.broadcast %div3A_294 : f32 to vector<16xf32>
        %div3A_296 = arith.divf %div3A_295, %add3A_293 : vector<16xf32>
        %mul3A_297 = arith.constant 3.000000e-01 : f32
        %mul3A_298 = vector.broadcast %mul3A_297 : f32 to vector<16xf32>
        %mul3A_299 = arith.mulf %mul3A_298, %div3A_296 : vector<16xf32>
        %swap3A_300 = arith.index_cast %add3A_284 : i32 to index
        %swap3A_301 = tpu.vector_load %arg17[%swap3A_300] {strides = array<i32>} : memref<3840xf32, #tpu.memory_space<vmem>>, vector<16xf32>,
        tpu.vector_store %arg17[%swap3A_300], %mul3A_299 {strides = array<i32>} : memref<3840xf32, #tpu.memory_space<vmem>>, vector<16xf32>,
        %jit3A_302 = arith.constant 9.99999974E-5 : f32
        %jit3A_303 = arith.constant 0.999899983 : f32
        %max3A_304 = vector.broadcast %jit3A_302 : f32 to vector<16xf32>
        %max3A_305 = arith.maximumf %max3A_304, %div3A_296 : vector<16xf32>
        %min3A_306 = vector.broadcast %jit3A_303 : f32 to vector<16xf32>
        %min3A_307 = arith.minimumf %min3A_306, %max3A_305 : vector<16xf32>
        %swap3A_308 = arith.index_cast %add3A_284 : i32 to index
        %swap3A_309 = tpu.vector_load %arg16[%swap3A_308] {strides = array<i32>} : memref<3840xf32, #tpu.memory_space<vmem>>, vector<16xf32>,
        tpu.vector_store %arg16[%swap3A_308], %min3A_307 {strides = array<i32>} : memref<3840xf32, #tpu.memory_space<vmem>>, vector<16xf32>,
        %mul3A_310 = arith.constant 128 : i32
        %mul3A_311 = arith.muli %mul3A_310, %scan3A_171 : i32
        %add3A_312 = arith.constant 80 : i32
        %add3A_313 = arith.addi %mul3A_311, %add3A_312 : i32
        %get3A_314 = arith.index_cast %add3A_313 : i32 to index
        %get3A_315 = tpu.vector_load %arg16[%get3A_314] {strides = array<i32>} : memref<3840xf32, #tpu.memory_space<vmem>>, vector<16xf32>,
        %neg3A_316 = arith.constant 0.000000e+00 : f32
        %neg3A_317 = vector.broadcast %neg3A_316 : f32 to vector<16xf32>
        %neg3A_318 = arith.subf %neg3A_317, %get3A_315 : vector<16xf32>
        %exp3A_319 = math.exp %neg3A_318 : vector<16xf32>
        %add3A_320 = arith.constant 1.000000e+00 : f32
        %add3A_321 = vector.broadcast %add3A_320 : f32 to vector<16xf32>
        %add3A_322 = arith.addf %add3A_321, %exp3A_319 : vector<16xf32>
        %div3A_323 = arith.constant 1.000000e+00 : f32
        %div3A_324 = vector.broadcast %div3A_323 : f32 to vector<16xf32>
        %div3A_325 = arith.divf %div3A_324, %add3A_322 : vector<16xf32>
        %mul3A_326 = arith.constant 3.000000e-01 : f32
        %mul3A_327 = vector.broadcast %mul3A_326 : f32 to vector<16xf32>
        %mul3A_328 = arith.mulf %mul3A_327, %div3A_325 : vector<16xf32>
        %swap3A_329 = arith.index_cast %add3A_313 : i32 to index
        %swap3A_330 = tpu.vector_load %arg17[%swap3A_329] {strides = array<i32>} : memref<3840xf32, #tpu.memory_space<vmem>>, vector<16xf32>,
        tpu.vector_store %arg17[%swap3A_329], %mul3A_328 {strides = array<i32>} : memref<3840xf32, #tpu.memory_space<vmem>>, vector<16xf32>,
        %jit3A_331 = arith.constant 9.99999974E-5 : f32
        %jit3A_332 = arith.constant 0.999899983 : f32
        %max3A_333 = vector.broadcast %jit3A_331 : f32 to vector<16xf32>
        %max3A_334 = arith.maximumf %max3A_333, %div3A_325 : vector<16xf32>
        %min3A_335 = vector.broadcast %jit3A_332 : f32 to vector<16xf32>
        %min3A_336 = arith.minimumf %min3A_335, %max3A_334 : vector<16xf32>
        %swap3A_337 = arith.index_cast %add3A_313 : i32 to index
        %swap3A_338 = tpu.vector_load %arg16[%swap3A_337] {strides = array<i32>} : memref<3840xf32, #tpu.memory_space<vmem>>, vector<16xf32>,
        tpu.vector_store %arg16[%swap3A_337], %min3A_336 {strides = array<i32>} : memref<3840xf32, #tpu.memory_space<vmem>>, vector<16xf32>,
        %mul3A_339 = arith.constant 128 : i32
        %mul3A_340 = arith.muli %mul3A_339, %scan3A_171 : i32
        %add3A_341 = arith.constant 96 : i32
        %add3A_342 = arith.addi %mul3A_340, %add3A_341 : i32
        %get3A_343 = arith.index_cast %add3A_342 : i32 to index
        %get3A_344 = tpu.vector_load %arg16[%get3A_343] {strides = array<i32>} : memref<3840xf32, #tpu.memory_space<vmem>>, vector<16xf32>,
        %neg3A_345 = arith.constant 0.000000e+00 : f32
        %neg3A_346 = vector.broadcast %neg3A_345 : f32 to vector<16xf32>
        %neg3A_347 = arith.subf %neg3A_346, %get3A_344 : vector<16xf32>
        %exp3A_348 = math.exp %neg3A_347 : vector<16xf32>
        %add3A_349 = arith.constant 1.000000e+00 : f32
        %add3A_350 = vector.broadcast %add3A_349 : f32 to vector<16xf32>
        %add3A_351 = arith.addf %add3A_350, %exp3A_348 : vector<16xf32>
        %div3A_352 = arith.constant 1.000000e+00 : f32
        %div3A_353 = vector.broadcast %div3A_352 : f32 to vector<16xf32>
        %div3A_354 = arith.divf %div3A_353, %add3A_351 : vector<16xf32>
        %mul3A_355 = arith.constant 3.000000e-01 : f32
        %mul3A_356 = vector.broadcast %mul3A_355 : f32 to vector<16xf32>
        %mul3A_357 = arith.mulf %mul3A_356, %div3A_354 : vector<16xf32>
        %swap3A_358 = arith.index_cast %add3A_342 : i32 to index
        %swap3A_359 = tpu.vector_load %arg17[%swap3A_358] {strides = array<i32>} : memref<3840xf32, #tpu.memory_space<vmem>>, vector<16xf32>,
        tpu.vector_store %arg17[%swap3A_358], %mul3A_357 {strides = array<i32>} : memref<3840xf32, #tpu.memory_space<vmem>>, vector<16xf32>,
        %jit3A_360 = arith.constant 9.99999974E-5 : f32
        %jit3A_361 = arith.constant 0.999899983 : f32
        %max3A_362 = vector.broadcast %jit3A_360 : f32 to vector<16xf32>
        %max3A_363 = arith.maximumf %max3A_362, %div3A_354 : vector<16xf32>
        %min3A_364 = vector.broadcast %jit3A_361 : f32 to vector<16xf32>
        %min3A_365 = arith.minimumf %min3A_364, %max3A_363 : vector<16xf32>
        %swap3A_366 = arith.index_cast %add3A_342 : i32 to index
        %swap3A_367 = tpu.vector_load %arg16[%swap3A_366] {strides = array<i32>} : memref<3840xf32, #tpu.memory_space<vmem>>, vector<16xf32>,
        tpu.vector_store %arg16[%swap3A_366], %min3A_365 {strides = array<i32>} : memref<3840xf32, #tpu.memory_space<vmem>>, vector<16xf32>,
        %mul3A_368 = arith.constant 128 : i32
        %mul3A_369 = arith.muli %mul3A_368, %scan3A_171 : i32
        %add3A_370 = arith.constant 112 : i32
        %add3A_371 = arith.addi %mul3A_369, %add3A_370 : i32
        %get3A_372 = arith.index_cast %add3A_371 : i32 to index
        %get3A_373 = tpu.vector_load %arg16[%get3A_372] {strides = array<i32>} : memref<3840xf32, #tpu.memory_space<vmem>>, vector<16xf32>,
        %neg3A_374 = arith.constant 0.000000e+00 : f32
        %neg3A_375 = vector.broadcast %neg3A_374 : f32 to vector<16xf32>
        %neg3A_376 = arith.subf %neg3A_375, %get3A_373 : vector<16xf32>
        %exp3A_377 = math.exp %neg3A_376 : vector<16xf32>
        %add3A_378 = arith.constant 1.000000e+00 : f32
        %add3A_379 = vector.broadcast %add3A_378 : f32 to vector<16xf32>
        %add3A_380 = arith.addf %add3A_379, %exp3A_377 : vector<16xf32>
        %div3A_381 = arith.constant 1.000000e+00 : f32
        %div3A_382 = vector.broadcast %div3A_381 : f32 to vector<16xf32>
        %div3A_383 = arith.divf %div3A_382, %add3A_380 : vector<16xf32>
        %mul3A_384 = arith.constant 3.000000e-01 : f32
        %mul3A_385 = vector.broadcast %mul3A_384 : f32 to vector<16xf32>
        %mul3A_386 = arith.mulf %mul3A_385, %div3A_383 : vector<16xf32>
        %swap3A_387 = arith.index_cast %add3A_371 : i32 to index
        %swap3A_388 = tpu.vector_load %arg17[%swap3A_387] {strides = array<i32>} : memref<3840xf32, #tpu.memory_space<vmem>>, vector<16xf32>,
        tpu.vector_store %arg17[%swap3A_387], %mul3A_386 {strides = array<i32>} : memref<3840xf32, #tpu.memory_space<vmem>>, vector<16xf32>,
        %jit3A_389 = arith.constant 9.99999974E-5 : f32
        %jit3A_390 = arith.constant 0.999899983 : f32
        %max3A_391 = vector.broadcast %jit3A_389 : f32 to vector<16xf32>
        %max3A_392 = arith.maximumf %max3A_391, %div3A_383 : vector<16xf32>
        %min3A_393 = vector.broadcast %jit3A_390 : f32 to vector<16xf32>
        %min3A_394 = arith.minimumf %min3A_393, %max3A_392 : vector<16xf32>
        %swap3A_395 = arith.index_cast %add3A_371 : i32 to index
        %swap3A_396 = tpu.vector_load %arg16[%swap3A_395] {strides = array<i32>} : memref<3840xf32, #tpu.memory_space<vmem>>, vector<16xf32>,
        tpu.vector_store %arg16[%swap3A_395], %min3A_394 {strides = array<i32>} : memref<3840xf32, #tpu.memory_space<vmem>>, vector<16xf32>,
      }
      %scan3A_144 = arith.constant 30 : i32
      %mul3A_145 = arith.constant 3840 : i32
      %mul3A_146 = arith.muli %arg1, %mul3A_145 : i32
      "tpu.region"() ({
        %run_scoped3A = tpu.sem_alloc : memref<!tpu.dma_semaphore, #tpu.memory_space<semaphore_mem>>
        %dma_start3A_171 = tpu.memref_slice %arg7[%mul3A_146] : memref<61440xf32, #tpu.memory_space<vmem_shared>> -> memref<3840xf32, #tpu.memory_space<vmem_shared>>
        %dma_start3A_172 = tpu.memref_slice %arg7[%mul3A_146] : memref<61440xf32, #tpu.memory_space<vmem_shared>> -> memref<3840xf32, #tpu.memory_space<vmem_shared>>
        tpu.enqueue_dma source(%arg17 : memref<3840xf32, #tpu.memory_space<vmem>>) target(%dma_start3A_172 : memref<3840xf32, #tpu.memory_space<vmem_shared>>) target_semaphore(%run_scoped3A : memref<!tpu.dma_semaphore, #tpu.memory_space<semaphore_mem>>)
        %dma_wait3A_173 = tpu.memref_slice %arg7[%mul3A_146] : memref<61440xf32, #tpu.memory_space<vmem_shared>> -> memref<3840xf32, #tpu.memory_space<vmem_shared>>
        %dma_wait3A_174 = tpu.memref_slice %arg7[%mul3A_146] : memref<61440xf32, #tpu.memory_space<vmem_shared>> -> memref<3840xf32, #tpu.memory_space<vmem_shared>>
        tpu.wait_dma2 semaphore(%run_scoped3A : memref<!tpu.dma_semaphore, #tpu.memory_space<semaphore_mem>>) src(%arg17 : memref<3840xf32, #tpu.memory_space<vmem>>) dst(%dma_wait3A_174 : memref<3840xf32, #tpu.memory_space<vmem_shared>>)
        tpu.yield
      }) : () -> ()
      %dma_start3A_147 = arith.constant 0 : i32
      %dma_start3A_148 = tpu.memref_slice %arg13[%dma_start3A_147] : memref<256xi32, #tpu.memory_space<vmem>> -> memref<128xi32, #tpu.memory_space<vmem>>
      %dma_start3A_149 = arith.constant 0 : i32
      %dma_start3A_150 = tpu.memref_slice %arg8[%dma_start3A_149] : memref<256xi32, #tpu.memory_space<vmem>> -> memref<128xi32, #tpu.memory_space<vmem>>
      %dma_start3A_151 = arith.constant 0 : i32
      %dma_start3A_152 = tpu.memref_slice %arg6[%dma_start3A_151] : memref<1000000xi32, #tpu.memory_space<vmem_shared>> -> memref<1000000xi32, #tpu.memory_space<vmem_shared>>
      tpu.enqueue_indirect_dma source(%dma_start3A_148 : memref<128xi32, #tpu.memory_space<vmem>>) target(%dma_start3A_152 : memref<1000000xi32, #tpu.memory_space<vmem_shared>>) offsets(%dma_start3A_150 : memref<128xi32, #tpu.memory_space<vmem>>) semaphore(%arg21 : memref<!tpu.dma_semaphore, #tpu.memory_space<semaphore_mem>>)
      %dma_start3A_153 = arith.constant 128 : i32
      %dma_start3A_154 = tpu.memref_slice %arg13[%dma_start3A_153] : memref<256xi32, #tpu.memory_space<vmem>> -> memref<128xi32, #tpu.memory_space<vmem>>
      %dma_start3A_155 = arith.constant 128 : i32
      %dma_start3A_156 = tpu.memref_slice %arg8[%dma_start3A_155] : memref<256xi32, #tpu.memory_space<vmem>> -> memref<128xi32, #tpu.memory_space<vmem>>
      %dma_start3A_157 = arith.constant 0 : i32
      %dma_start3A_158 = tpu.memref_slice %arg6[%dma_start3A_157] : memref<1000000xi32, #tpu.memory_space<vmem_shared>> -> memref<1000000xi32, #tpu.memory_space<vmem_shared>>
      tpu.enqueue_indirect_dma source(%dma_start3A_154 : memref<128xi32, #tpu.memory_space<vmem>>) target(%dma_start3A_158 : memref<1000000xi32, #tpu.memory_space<vmem_shared>>) offsets(%dma_start3A_156 : memref<128xi32, #tpu.memory_space<vmem>>) semaphore(%arg21 : memref<!tpu.dma_semaphore, #tpu.memory_space<semaphore_mem>>)
      %dma_wait3A_159 = arith.constant 0 : i32
      %dma_wait3A_160 = tpu.memref_slice %arg13[%dma_wait3A_159] : memref<256xi32, #tpu.memory_space<vmem>> -> memref<128xi32, #tpu.memory_space<vmem>>
      %dma_wait3A_161 = arith.constant 0 : i32
      %dma_wait3A_162 = tpu.memref_slice %arg8[%dma_wait3A_161] : memref<256xi32, #tpu.memory_space<vmem>> -> memref<128xi32, #tpu.memory_space<vmem>>
      %dma_wait3A_163 = arith.constant 0 : i32
      %dma_wait3A_164 = tpu.memref_slice %arg6[%dma_wait3A_163] : memref<1000000xi32, #tpu.memory_space<vmem_shared>> -> memref<1000000xi32, #tpu.memory_space<vmem_shared>>
      tpu.wait_indirect_dma semaphore(%arg21 : memref<!tpu.dma_semaphore, #tpu.memory_space<semaphore_mem>>) src(%dma_wait3A_160 : memref<128xi32, #tpu.memory_space<vmem>>) dst(%dma_wait3A_164 : memref<1000000xi32, #tpu.memory_space<vmem_shared>>)
      %dma_wait3A_165 = arith.constant 128 : i32
      %dma_wait3A_166 = tpu.memref_slice %arg13[%dma_wait3A_165] : memref<256xi32, #tpu.memory_space<vmem>> -> memref<128xi32, #tpu.memory_space<vmem>>
      %dma_wait3A_167 = arith.constant 128 : i32
      %dma_wait3A_168 = tpu.memref_slice %arg8[%dma_wait3A_167] : memref<256xi32, #tpu.memory_space<vmem>> -> memref<128xi32, #tpu.memory_space<vmem>>
      %dma_wait3A_169 = arith.constant 0 : i32
      %dma_wait3A_170 = tpu.memref_slice %arg6[%dma_wait3A_169] : memref<1000000xi32, #tpu.memory_space<vmem_shared>> -> memref<1000000xi32, #tpu.memory_space<vmem_shared>>
      tpu.wait_indirect_dma semaphore(%arg21 : memref<!tpu.dma_semaphore, #tpu.memory_space<semaphore_mem>>) src(%dma_wait3A_166 : memref<128xi32, #tpu.memory_space<vmem>>) dst(%dma_wait3A_170 : memref<1000000xi32, #tpu.memory_space<vmem_shared>>)
    } else {
    }
    %barrier3A = arith.constant 0 : index
    tpu.barrier barrier_id(%barrier3A)
    %eq3A_2 = arith.constant 0 : i32
    %eq3A_3 = arith.cmpi eq, %arg0, %eq3A_2 : i32
    %convert_element_type3A_4 = arith.extui %eq3A_3 : i1 to i32
    %cond3A_5 = arith.constant 0 : i32
    %cond3A_6 = arith.cmpi ne, %convert_element_type3A_4, %cond3A_5 : i32
    scf.if %cond3A_6 {
      %dma_start3A = arith.constant 0 : i32
      %dma_start3A_7 = tpu.memref_slice %arg6[%dma_start3A] : memref<1000000xi32, #tpu.memory_space<vmem_shared>> -> memref<1000000xi32, #tpu.memory_space<vmem_shared>>
      tpu.enqueue_indirect_dma source(%dma_start3A_7 : memref<1000000xi32, #tpu.memory_space<vmem_shared>>) target(%arg11 : memref<256xi32, #tpu.memory_space<vmem>>) offsets(%arg8 : memref<256xi32, #tpu.memory_space<vmem>>) semaphore(%arg20 : memref<!tpu.dma_semaphore, #tpu.memory_space<semaphore_mem>>)
      %dma_start3A_8 = arith.constant 0 : i32
      %dma_start3A_9 = tpu.memref_slice %arg6[%dma_start3A_8] : memref<1000000xi32, #tpu.memory_space<vmem_shared>> -> memref<1000000xi32, #tpu.memory_space<vmem_shared>>
      tpu.enqueue_indirect_dma source(%dma_start3A_9 : memref<1000000xi32, #tpu.memory_space<vmem_shared>>) target(%arg12 : memref<256xi32, #tpu.memory_space<vmem>>) offsets(%arg10 : memref<256xi32, #tpu.memory_space<vmem>>) semaphore(%arg20 : memref<!tpu.dma_semaphore, #tpu.memory_space<semaphore_mem>>)
      %dma_wait3A = arith.constant 0 : i32
      %dma_wait3A_10 = tpu.memref_slice %arg6[%dma_wait3A] : memref<1000000xi32, #tpu.memory_space<vmem_shared>> -> memref<1000000xi32, #tpu.memory_space<vmem_shared>>
      tpu.wait_indirect_dma semaphore(%arg20 : memref<!tpu.dma_semaphore, #tpu.memory_space<semaphore_mem>>) src(%dma_wait3A_10 : memref<1000000xi32, #tpu.memory_space<vmem_shared>>) dst(%arg11 : memref<256xi32, #tpu.memory_space<vmem>>)
      %dma_wait3A_11 = arith.constant 0 : i32
      %dma_wait3A_12 = tpu.memref_slice %arg6[%dma_wait3A_11] : memref<1000000xi32, #tpu.memory_space<vmem_shared>> -> memref<1000000xi32, #tpu.memory_space<vmem_shared>>
      tpu.wait_indirect_dma semaphore(%arg20 : memref<!tpu.dma_semaphore, #tpu.memory_space<semaphore_mem>>) src(%dma_wait3A_12 : memref<1000000xi32, #tpu.memory_space<vmem_shared>>) dst(%arg12 : memref<256xi32, #tpu.memory_space<vmem>>)
      %iota3A = tpu.iota {dimensions = array<i32: 0>} : vector<16xi32>
      %scan3A = arith.constant 0 : i32
      %scan3A_13 = arith.constant 0 : i32
      %scan3A_14 = arith.constant 30 : i32
      %scan3A_15 = arith.addi %scan3A_13, %scan3A_14 : i32
      %scan3A_16 = arith.constant 1 : i32
      scf.for %scan3A_385 = %scan3A_13 to %scan3A_15 step %scan3A_16  : i32 {
        %mul3A_386 = arith.constant 128 : i32
        %mul3A_387 = arith.muli %mul3A_386, %scan3A_385 : i32
        %add3A = arith.constant 0 : i32
        %add3A_388 = arith.addi %mul3A_387, %add3A : i32
        %add3A_389 = vector.broadcast %add3A_388 : i32 to vector<16xi32>
        %add3A_390 = arith.addi %add3A_389, %iota3A : vector<16xi32>
        %div3A = arith.constant 15 : i32
        %div3A_391 = vector.broadcast %div3A : i32 to vector<16xi32>
        %div3A_392 = arith.divsi %add3A_390, %div3A_391 : vector<16xi32>
        %rem3A = arith.constant 15 : i32
        %rem3A_393 = vector.broadcast %rem3A : i32 to vector<16xi32>
        %rem3A_394 = arith.remsi %add3A_390, %rem3A_393 : vector<16xi32>
        %gather3A = tpu.vector_load_idx %arg11[%div3A_392] : memref<256xi32, #tpu.memory_space<vmem>>[vector<16xi32>], vector<16xi32>,
        %gather3A_395 = tpu.vector_load_idx %arg12[%div3A_392] : memref<256xi32, #tpu.memory_space<vmem>>[vector<16xi32>], vector<16xi32>,
        %mul3A_396 = arith.constant 128 : i32
        %mul3A_397 = arith.muli %mul3A_396, %scan3A_385 : i32
        %add3A_398 = arith.constant 0 : i32
        %add3A_399 = arith.addi %mul3A_397, %add3A_398 : i32
        %mul3A_400 = arith.constant 15 : i32
        %mul3A_401 = vector.broadcast %mul3A_400 : i32 to vector<16xi32>
        %mul3A_402 = arith.muli %mul3A_401, %gather3A : vector<16xi32>
        %add3A_403 = arith.addi %mul3A_402, %rem3A_394 : vector<16xi32>
        %swap3A = arith.index_cast %add3A_399 : i32 to index
        %swap3A_404 = tpu.vector_load %arg14[%swap3A] {strides = array<i32>} : memref<3840xi32, #tpu.memory_space<vmem>>, vector<16xi32>,
        tpu.vector_store %arg14[%swap3A], %add3A_403 {strides = array<i32>} : memref<3840xi32, #tpu.memory_space<vmem>>, vector<16xi32>,
        %mul3A_405 = arith.constant 15 : i32
        %mul3A_406 = vector.broadcast %mul3A_405 : i32 to vector<16xi32>
        %mul3A_407 = arith.muli %mul3A_406, %gather3A_395 : vector<16xi32>
        %add3A_408 = arith.addi %mul3A_407, %rem3A_394 : vector<16xi32>
        %swap3A_409 = arith.index_cast %add3A_399 : i32 to index
        %swap3A_410 = tpu.vector_load %arg15[%swap3A_409] {strides = array<i32>} : memref<3840xi32, #tpu.memory_space<vmem>>, vector<16xi32>,
        tpu.vector_store %arg15[%swap3A_409], %add3A_408 {strides = array<i32>} : memref<3840xi32, #tpu.memory_space<vmem>>, vector<16xi32>,
        %mul3A_411 = arith.constant 128 : i32
        %mul3A_412 = arith.muli %mul3A_411, %scan3A_385 : i32
        %add3A_413 = arith.constant 16 : i32
        %add3A_414 = arith.addi %mul3A_412, %add3A_413 : i32
        %add3A_415 = vector.broadcast %add3A_414 : i32 to vector<16xi32>
        %add3A_416 = arith.addi %add3A_415, %iota3A : vector<16xi32>
        %div3A_417 = arith.constant 15 : i32
        %div3A_418 = vector.broadcast %div3A_417 : i32 to vector<16xi32>
        %div3A_419 = arith.divsi %add3A_416, %div3A_418 : vector<16xi32>
        %rem3A_420 = arith.constant 15 : i32
        %rem3A_421 = vector.broadcast %rem3A_420 : i32 to vector<16xi32>
        %rem3A_422 = arith.remsi %add3A_416, %rem3A_421 : vector<16xi32>
        %gather3A_423 = tpu.vector_load_idx %arg11[%div3A_419] : memref<256xi32, #tpu.memory_space<vmem>>[vector<16xi32>], vector<16xi32>,
        %gather3A_424 = tpu.vector_load_idx %arg12[%div3A_419] : memref<256xi32, #tpu.memory_space<vmem>>[vector<16xi32>], vector<16xi32>,
        %mul3A_425 = arith.constant 128 : i32
        %mul3A_426 = arith.muli %mul3A_425, %scan3A_385 : i32
        %add3A_427 = arith.constant 16 : i32
        %add3A_428 = arith.addi %mul3A_426, %add3A_427 : i32
        %mul3A_429 = arith.constant 15 : i32
        %mul3A_430 = vector.broadcast %mul3A_429 : i32 to vector<16xi32>
        %mul3A_431 = arith.muli %mul3A_430, %gather3A_423 : vector<16xi32>
        %add3A_432 = arith.addi %mul3A_431, %rem3A_422 : vector<16xi32>
        %swap3A_433 = arith.index_cast %add3A_428 : i32 to index
        %swap3A_434 = tpu.vector_load %arg14[%swap3A_433] {strides = array<i32>} : memref<3840xi32, #tpu.memory_space<vmem>>, vector<16xi32>,
        tpu.vector_store %arg14[%swap3A_433], %add3A_432 {strides = array<i32>} : memref<3840xi32, #tpu.memory_space<vmem>>, vector<16xi32>,
        %mul3A_435 = arith.constant 15 : i32
        %mul3A_436 = vector.broadcast %mul3A_435 : i32 to vector<16xi32>
        %mul3A_437 = arith.muli %mul3A_436, %gather3A_424 : vector<16xi32>
        %add3A_438 = arith.addi %mul3A_437, %rem3A_422 : vector<16xi32>
        %swap3A_439 = arith.index_cast %add3A_428 : i32 to index
        %swap3A_440 = tpu.vector_load %arg15[%swap3A_439] {strides = array<i32>} : memref<3840xi32, #tpu.memory_space<vmem>>, vector<16xi32>,
        tpu.vector_store %arg15[%swap3A_439], %add3A_438 {strides = array<i32>} : memref<3840xi32, #tpu.memory_space<vmem>>, vector<16xi32>,
        %mul3A_441 = arith.constant 128 : i32
        %mul3A_442 = arith.muli %mul3A_441, %scan3A_385 : i32
        %add3A_443 = arith.constant 32 : i32
        %add3A_444 = arith.addi %mul3A_442, %add3A_443 : i32
        %add3A_445 = vector.broadcast %add3A_444 : i32 to vector<16xi32>
        %add3A_446 = arith.addi %add3A_445, %iota3A : vector<16xi32>
        %div3A_447 = arith.constant 15 : i32
        %div3A_448 = vector.broadcast %div3A_447 : i32 to vector<16xi32>
        %div3A_449 = arith.divsi %add3A_446, %div3A_448 : vector<16xi32>
        %rem3A_450 = arith.constant 15 : i32
        %rem3A_451 = vector.broadcast %rem3A_450 : i32 to vector<16xi32>
        %rem3A_452 = arith.remsi %add3A_446, %rem3A_451 : vector<16xi32>
        %gather3A_453 = tpu.vector_load_idx %arg11[%div3A_449] : memref<256xi32, #tpu.memory_space<vmem>>[vector<16xi32>], vector<16xi32>,
        %gather3A_454 = tpu.vector_load_idx %arg12[%div3A_449] : memref<256xi32, #tpu.memory_space<vmem>>[vector<16xi32>], vector<16xi32>,
        %mul3A_455 = arith.constant 128 : i32
        %mul3A_456 = arith.muli %mul3A_455, %scan3A_385 : i32
        %add3A_457 = arith.constant 32 : i32
        %add3A_458 = arith.addi %mul3A_456, %add3A_457 : i32
        %mul3A_459 = arith.constant 15 : i32
        %mul3A_460 = vector.broadcast %mul3A_459 : i32 to vector<16xi32>
        %mul3A_461 = arith.muli %mul3A_460, %gather3A_453 : vector<16xi32>
        %add3A_462 = arith.addi %mul3A_461, %rem3A_452 : vector<16xi32>
        %swap3A_463 = arith.index_cast %add3A_458 : i32 to index
        %swap3A_464 = tpu.vector_load %arg14[%swap3A_463] {strides = array<i32>} : memref<3840xi32, #tpu.memory_space<vmem>>, vector<16xi32>,
        tpu.vector_store %arg14[%swap3A_463], %add3A_462 {strides = array<i32>} : memref<3840xi32, #tpu.memory_space<vmem>>, vector<16xi32>,
        %mul3A_465 = arith.constant 15 : i32
        %mul3A_466 = vector.broadcast %mul3A_465 : i32 to vector<16xi32>
        %mul3A_467 = arith.muli %mul3A_466, %gather3A_454 : vector<16xi32>
        %add3A_468 = arith.addi %mul3A_467, %rem3A_452 : vector<16xi32>
        %swap3A_469 = arith.index_cast %add3A_458 : i32 to index
        %swap3A_470 = tpu.vector_load %arg15[%swap3A_469] {strides = array<i32>} : memref<3840xi32, #tpu.memory_space<vmem>>, vector<16xi32>,
        tpu.vector_store %arg15[%swap3A_469], %add3A_468 {strides = array<i32>} : memref<3840xi32, #tpu.memory_space<vmem>>, vector<16xi32>,
        %mul3A_471 = arith.constant 128 : i32
        %mul3A_472 = arith.muli %mul3A_471, %scan3A_385 : i32
        %add3A_473 = arith.constant 48 : i32
        %add3A_474 = arith.addi %mul3A_472, %add3A_473 : i32
        %add3A_475 = vector.broadcast %add3A_474 : i32 to vector<16xi32>
        %add3A_476 = arith.addi %add3A_475, %iota3A : vector<16xi32>
        %div3A_477 = arith.constant 15 : i32
        %div3A_478 = vector.broadcast %div3A_477 : i32 to vector<16xi32>
        %div3A_479 = arith.divsi %add3A_476, %div3A_478 : vector<16xi32>
        %rem3A_480 = arith.constant 15 : i32
        %rem3A_481 = vector.broadcast %rem3A_480 : i32 to vector<16xi32>
        %rem3A_482 = arith.remsi %add3A_476, %rem3A_481 : vector<16xi32>
        %gather3A_483 = tpu.vector_load_idx %arg11[%div3A_479] : memref<256xi32, #tpu.memory_space<vmem>>[vector<16xi32>], vector<16xi32>,
        %gather3A_484 = tpu.vector_load_idx %arg12[%div3A_479] : memref<256xi32, #tpu.memory_space<vmem>>[vector<16xi32>], vector<16xi32>,
        %mul3A_485 = arith.constant 128 : i32
        %mul3A_486 = arith.muli %mul3A_485, %scan3A_385 : i32
        %add3A_487 = arith.constant 48 : i32
        %add3A_488 = arith.addi %mul3A_486, %add3A_487 : i32
        %mul3A_489 = arith.constant 15 : i32
        %mul3A_490 = vector.broadcast %mul3A_489 : i32 to vector<16xi32>
        %mul3A_491 = arith.muli %mul3A_490, %gather3A_483 : vector<16xi32>
        %add3A_492 = arith.addi %mul3A_491, %rem3A_482 : vector<16xi32>
        %swap3A_493 = arith.index_cast %add3A_488 : i32 to index
        %swap3A_494 = tpu.vector_load %arg14[%swap3A_493] {strides = array<i32>} : memref<3840xi32, #tpu.memory_space<vmem>>, vector<16xi32>,
        tpu.vector_store %arg14[%swap3A_493], %add3A_492 {strides = array<i32>} : memref<3840xi32, #tpu.memory_space<vmem>>, vector<16xi32>,
        %mul3A_495 = arith.constant 15 : i32
        %mul3A_496 = vector.broadcast %mul3A_495 : i32 to vector<16xi32>
        %mul3A_497 = arith.muli %mul3A_496, %gather3A_484 : vector<16xi32>
        %add3A_498 = arith.addi %mul3A_497, %rem3A_482 : vector<16xi32>
        %swap3A_499 = arith.index_cast %add3A_488 : i32 to index
        %swap3A_500 = tpu.vector_load %arg15[%swap3A_499] {strides = array<i32>} : memref<3840xi32, #tpu.memory_space<vmem>>, vector<16xi32>,
        tpu.vector_store %arg15[%swap3A_499], %add3A_498 {strides = array<i32>} : memref<3840xi32, #tpu.memory_space<vmem>>, vector<16xi32>,
        %mul3A_501 = arith.constant 128 : i32
        %mul3A_502 = arith.muli %mul3A_501, %scan3A_385 : i32
        %add3A_503 = arith.constant 64 : i32
        %add3A_504 = arith.addi %mul3A_502, %add3A_503 : i32
        %add3A_505 = vector.broadcast %add3A_504 : i32 to vector<16xi32>
        %add3A_506 = arith.addi %add3A_505, %iota3A : vector<16xi32>
        %div3A_507 = arith.constant 15 : i32
        %div3A_508 = vector.broadcast %div3A_507 : i32 to vector<16xi32>
        %div3A_509 = arith.divsi %add3A_506, %div3A_508 : vector<16xi32>
        %rem3A_510 = arith.constant 15 : i32
        %rem3A_511 = vector.broadcast %rem3A_510 : i32 to vector<16xi32>
        %rem3A_512 = arith.remsi %add3A_506, %rem3A_511 : vector<16xi32>
        %gather3A_513 = tpu.vector_load_idx %arg11[%div3A_509] : memref<256xi32, #tpu.memory_space<vmem>>[vector<16xi32>], vector<16xi32>,
        %gather3A_514 = tpu.vector_load_idx %arg12[%div3A_509] : memref<256xi32, #tpu.memory_space<vmem>>[vector<16xi32>], vector<16xi32>,
        %mul3A_515 = arith.constant 128 : i32
        %mul3A_516 = arith.muli %mul3A_515, %scan3A_385 : i32
        %add3A_517 = arith.constant 64 : i32
        %add3A_518 = arith.addi %mul3A_516, %add3A_517 : i32
        %mul3A_519 = arith.constant 15 : i32
        %mul3A_520 = vector.broadcast %mul3A_519 : i32 to vector<16xi32>
        %mul3A_521 = arith.muli %mul3A_520, %gather3A_513 : vector<16xi32>
        %add3A_522 = arith.addi %mul3A_521, %rem3A_512 : vector<16xi32>
        %swap3A_523 = arith.index_cast %add3A_518 : i32 to index
        %swap3A_524 = tpu.vector_load %arg14[%swap3A_523] {strides = array<i32>} : memref<3840xi32, #tpu.memory_space<vmem>>, vector<16xi32>,
        tpu.vector_store %arg14[%swap3A_523], %add3A_522 {strides = array<i32>} : memref<3840xi32, #tpu.memory_space<vmem>>, vector<16xi32>,
        %mul3A_525 = arith.constant 15 : i32
        %mul3A_526 = vector.broadcast %mul3A_525 : i32 to vector<16xi32>
        %mul3A_527 = arith.muli %mul3A_526, %gather3A_514 : vector<16xi32>
        %add3A_528 = arith.addi %mul3A_527, %rem3A_512 : vector<16xi32>
        %swap3A_529 = arith.index_cast %add3A_518 : i32 to index
        %swap3A_530 = tpu.vector_load %arg15[%swap3A_529] {strides = array<i32>} : memref<3840xi32, #tpu.memory_space<vmem>>, vector<16xi32>,
        tpu.vector_store %arg15[%swap3A_529], %add3A_528 {strides = array<i32>} : memref<3840xi32, #tpu.memory_space<vmem>>, vector<16xi32>,
        %mul3A_531 = arith.constant 128 : i32
        %mul3A_532 = arith.muli %mul3A_531, %scan3A_385 : i32
        %add3A_533 = arith.constant 80 : i32
        %add3A_534 = arith.addi %mul3A_532, %add3A_533 : i32
        %add3A_535 = vector.broadcast %add3A_534 : i32 to vector<16xi32>
        %add3A_536 = arith.addi %add3A_535, %iota3A : vector<16xi32>
        %div3A_537 = arith.constant 15 : i32
        %div3A_538 = vector.broadcast %div3A_537 : i32 to vector<16xi32>
        %div3A_539 = arith.divsi %add3A_536, %div3A_538 : vector<16xi32>
        %rem3A_540 = arith.constant 15 : i32
        %rem3A_541 = vector.broadcast %rem3A_540 : i32 to vector<16xi32>
        %rem3A_542 = arith.remsi %add3A_536, %rem3A_541 : vector<16xi32>
        %gather3A_543 = tpu.vector_load_idx %arg11[%div3A_539] : memref<256xi32, #tpu.memory_space<vmem>>[vector<16xi32>], vector<16xi32>,
        %gather3A_544 = tpu.vector_load_idx %arg12[%div3A_539] : memref<256xi32, #tpu.memory_space<vmem>>[vector<16xi32>], vector<16xi32>,
        %mul3A_545 = arith.constant 128 : i32
        %mul3A_546 = arith.muli %mul3A_545, %scan3A_385 : i32
        %add3A_547 = arith.constant 80 : i32
        %add3A_548 = arith.addi %mul3A_546, %add3A_547 : i32
        %mul3A_549 = arith.constant 15 : i32
        %mul3A_550 = vector.broadcast %mul3A_549 : i32 to vector<16xi32>
        %mul3A_551 = arith.muli %mul3A_550, %gather3A_543 : vector<16xi32>
        %add3A_552 = arith.addi %mul3A_551, %rem3A_542 : vector<16xi32>
        %swap3A_553 = arith.index_cast %add3A_548 : i32 to index
        %swap3A_554 = tpu.vector_load %arg14[%swap3A_553] {strides = array<i32>} : memref<3840xi32, #tpu.memory_space<vmem>>, vector<16xi32>,
        tpu.vector_store %arg14[%swap3A_553], %add3A_552 {strides = array<i32>} : memref<3840xi32, #tpu.memory_space<vmem>>, vector<16xi32>,
        %mul3A_555 = arith.constant 15 : i32
        %mul3A_556 = vector.broadcast %mul3A_555 : i32 to vector<16xi32>
        %mul3A_557 = arith.muli %mul3A_556, %gather3A_544 : vector<16xi32>
        %add3A_558 = arith.addi %mul3A_557, %rem3A_542 : vector<16xi32>
        %swap3A_559 = arith.index_cast %add3A_548 : i32 to index
        %swap3A_560 = tpu.vector_load %arg15[%swap3A_559] {strides = array<i32>} : memref<3840xi32, #tpu.memory_space<vmem>>, vector<16xi32>,
        tpu.vector_store %arg15[%swap3A_559], %add3A_558 {strides = array<i32>} : memref<3840xi32, #tpu.memory_space<vmem>>, vector<16xi32>,
        %mul3A_561 = arith.constant 128 : i32
        %mul3A_562 = arith.muli %mul3A_561, %scan3A_385 : i32
        %add3A_563 = arith.constant 96 : i32
        %add3A_564 = arith.addi %mul3A_562, %add3A_563 : i32
        %add3A_565 = vector.broadcast %add3A_564 : i32 to vector<16xi32>
        %add3A_566 = arith.addi %add3A_565, %iota3A : vector<16xi32>
        %div3A_567 = arith.constant 15 : i32
        %div3A_568 = vector.broadcast %div3A_567 : i32 to vector<16xi32>
        %div3A_569 = arith.divsi %add3A_566, %div3A_568 : vector<16xi32>
        %rem3A_570 = arith.constant 15 : i32
        %rem3A_571 = vector.broadcast %rem3A_570 : i32 to vector<16xi32>
        %rem3A_572 = arith.remsi %add3A_566, %rem3A_571 : vector<16xi32>
        %gather3A_573 = tpu.vector_load_idx %arg11[%div3A_569] : memref<256xi32, #tpu.memory_space<vmem>>[vector<16xi32>], vector<16xi32>,
        %gather3A_574 = tpu.vector_load_idx %arg12[%div3A_569] : memref<256xi32, #tpu.memory_space<vmem>>[vector<16xi32>], vector<16xi32>,
        %mul3A_575 = arith.constant 128 : i32
        %mul3A_576 = arith.muli %mul3A_575, %scan3A_385 : i32
        %add3A_577 = arith.constant 96 : i32
        %add3A_578 = arith.addi %mul3A_576, %add3A_577 : i32
        %mul3A_579 = arith.constant 15 : i32
        %mul3A_580 = vector.broadcast %mul3A_579 : i32 to vector<16xi32>
        %mul3A_581 = arith.muli %mul3A_580, %gather3A_573 : vector<16xi32>
        %add3A_582 = arith.addi %mul3A_581, %rem3A_572 : vector<16xi32>
        %swap3A_583 = arith.index_cast %add3A_578 : i32 to index
        %swap3A_584 = tpu.vector_load %arg14[%swap3A_583] {strides = array<i32>} : memref<3840xi32, #tpu.memory_space<vmem>>, vector<16xi32>,
        tpu.vector_store %arg14[%swap3A_583], %add3A_582 {strides = array<i32>} : memref<3840xi32, #tpu.memory_space<vmem>>, vector<16xi32>,
        %mul3A_585 = arith.constant 15 : i32
        %mul3A_586 = vector.broadcast %mul3A_585 : i32 to vector<16xi32>
        %mul3A_587 = arith.muli %mul3A_586, %gather3A_574 : vector<16xi32>
        %add3A_588 = arith.addi %mul3A_587, %rem3A_572 : vector<16xi32>
        %swap3A_589 = arith.index_cast %add3A_578 : i32 to index
        %swap3A_590 = tpu.vector_load %arg15[%swap3A_589] {strides = array<i32>} : memref<3840xi32, #tpu.memory_space<vmem>>, vector<16xi32>,
        tpu.vector_store %arg15[%swap3A_589], %add3A_588 {strides = array<i32>} : memref<3840xi32, #tpu.memory_space<vmem>>, vector<16xi32>,
        %mul3A_591 = arith.constant 128 : i32
        %mul3A_592 = arith.muli %mul3A_591, %scan3A_385 : i32
        %add3A_593 = arith.constant 112 : i32
        %add3A_594 = arith.addi %mul3A_592, %add3A_593 : i32
        %add3A_595 = vector.broadcast %add3A_594 : i32 to vector<16xi32>
        %add3A_596 = arith.addi %add3A_595, %iota3A : vector<16xi32>
        %div3A_597 = arith.constant 15 : i32
        %div3A_598 = vector.broadcast %div3A_597 : i32 to vector<16xi32>
        %div3A_599 = arith.divsi %add3A_596, %div3A_598 : vector<16xi32>
        %rem3A_600 = arith.constant 15 : i32
        %rem3A_601 = vector.broadcast %rem3A_600 : i32 to vector<16xi32>
        %rem3A_602 = arith.remsi %add3A_596, %rem3A_601 : vector<16xi32>
        %gather3A_603 = tpu.vector_load_idx %arg11[%div3A_599] : memref<256xi32, #tpu.memory_space<vmem>>[vector<16xi32>], vector<16xi32>,
        %gather3A_604 = tpu.vector_load_idx %arg12[%div3A_599] : memref<256xi32, #tpu.memory_space<vmem>>[vector<16xi32>], vector<16xi32>,
        %mul3A_605 = arith.constant 128 : i32
        %mul3A_606 = arith.muli %mul3A_605, %scan3A_385 : i32
        %add3A_607 = arith.constant 112 : i32
        %add3A_608 = arith.addi %mul3A_606, %add3A_607 : i32
        %mul3A_609 = arith.constant 15 : i32
        %mul3A_610 = vector.broadcast %mul3A_609 : i32 to vector<16xi32>
        %mul3A_611 = arith.muli %mul3A_610, %gather3A_603 : vector<16xi32>
        %add3A_612 = arith.addi %mul3A_611, %rem3A_602 : vector<16xi32>
        %swap3A_613 = arith.index_cast %add3A_608 : i32 to index
        %swap3A_614 = tpu.vector_load %arg14[%swap3A_613] {strides = array<i32>} : memref<3840xi32, #tpu.memory_space<vmem>>, vector<16xi32>,
        tpu.vector_store %arg14[%swap3A_613], %add3A_612 {strides = array<i32>} : memref<3840xi32, #tpu.memory_space<vmem>>, vector<16xi32>,
        %mul3A_615 = arith.constant 15 : i32
        %mul3A_616 = vector.broadcast %mul3A_615 : i32 to vector<16xi32>
        %mul3A_617 = arith.muli %mul3A_616, %gather3A_604 : vector<16xi32>
        %add3A_618 = arith.addi %mul3A_617, %rem3A_602 : vector<16xi32>
        %swap3A_619 = arith.index_cast %add3A_608 : i32 to index
        %swap3A_620 = tpu.vector_load %arg15[%swap3A_619] {strides = array<i32>} : memref<3840xi32, #tpu.memory_space<vmem>>, vector<16xi32>,
        tpu.vector_store %arg15[%swap3A_619], %add3A_618 {strides = array<i32>} : memref<3840xi32, #tpu.memory_space<vmem>>, vector<16xi32>,
      }
      %scan3A_17 = arith.constant 30 : i32
      %dma_start3A_18 = arith.constant 0 : i32
      %dma_start3A_19 = tpu.memref_slice %arg18[%dma_start3A_18] : memref<3840xf32, #tpu.memory_space<vmem>> -> memref<256xf32, #tpu.memory_space<vmem>>
      %dma_start3A_20 = arith.constant 0 : i32
      %dma_start3A_21 = tpu.memref_slice %arg14[%dma_start3A_20] : memref<3840xi32, #tpu.memory_space<vmem>> -> memref<256xi32, #tpu.memory_space<vmem>>
      %dma_start3A_22 = arith.constant 0 : i32
      %dma_start3A_23 = tpu.memref_slice %arg7[%dma_start3A_22] : memref<61440xf32, #tpu.memory_space<vmem_shared>> -> memref<61440xf32, #tpu.memory_space<vmem_shared>>
      tpu.enqueue_indirect_dma source(%dma_start3A_23 : memref<61440xf32, #tpu.memory_space<vmem_shared>>) target(%dma_start3A_19 : memref<256xf32, #tpu.memory_space<vmem>>) offsets(%dma_start3A_21 : memref<256xi32, #tpu.memory_space<vmem>>) semaphore(%arg20 : memref<!tpu.dma_semaphore, #tpu.memory_space<semaphore_mem>>)
      %dma_start3A_24 = arith.constant 0 : i32
      %dma_start3A_25 = tpu.memref_slice %arg19[%dma_start3A_24] : memref<3840xf32, #tpu.memory_space<vmem>> -> memref<256xf32, #tpu.memory_space<vmem>>
      %dma_start3A_26 = arith.constant 0 : i32
      %dma_start3A_27 = tpu.memref_slice %arg15[%dma_start3A_26] : memref<3840xi32, #tpu.memory_space<vmem>> -> memref<256xi32, #tpu.memory_space<vmem>>
      %dma_start3A_28 = arith.constant 0 : i32
      %dma_start3A_29 = tpu.memref_slice %arg7[%dma_start3A_28] : memref<61440xf32, #tpu.memory_space<vmem_shared>> -> memref<61440xf32, #tpu.memory_space<vmem_shared>>
      tpu.enqueue_indirect_dma source(%dma_start3A_29 : memref<61440xf32, #tpu.memory_space<vmem_shared>>) target(%dma_start3A_25 : memref<256xf32, #tpu.memory_space<vmem>>) offsets(%dma_start3A_27 : memref<256xi32, #tpu.memory_space<vmem>>) semaphore(%arg20 : memref<!tpu.dma_semaphore, #tpu.memory_space<semaphore_mem>>)
      %dma_start3A_30 = arith.constant 256 : i32
      %dma_start3A_31 = tpu.memref_slice %arg18[%dma_start3A_30] : memref<3840xf32, #tpu.memory_space<vmem>> -> memref<256xf32, #tpu.memory_space<vmem>>
      %dma_start3A_32 = arith.constant 256 : i32
      %dma_start3A_33 = tpu.memref_slice %arg14[%dma_start3A_32] : memref<3840xi32, #tpu.memory_space<vmem>> -> memref<256xi32, #tpu.memory_space<vmem>>
      %dma_start3A_34 = arith.constant 0 : i32
      %dma_start3A_35 = tpu.memref_slice %arg7[%dma_start3A_34] : memref<61440xf32, #tpu.memory_space<vmem_shared>> -> memref<61440xf32, #tpu.memory_space<vmem_shared>>
      tpu.enqueue_indirect_dma source(%dma_start3A_35 : memref<61440xf32, #tpu.memory_space<vmem_shared>>) target(%dma_start3A_31 : memref<256xf32, #tpu.memory_space<vmem>>) offsets(%dma_start3A_33 : memref<256xi32, #tpu.memory_space<vmem>>) semaphore(%arg20 : memref<!tpu.dma_semaphore, #tpu.memory_space<semaphore_mem>>)
      %dma_start3A_36 = arith.constant 256 : i32
      %dma_start3A_37 = tpu.memref_slice %arg19[%dma_start3A_36] : memref<3840xf32, #tpu.memory_space<vmem>> -> memref<256xf32, #tpu.memory_space<vmem>>
      %dma_start3A_38 = arith.constant 256 : i32
      %dma_start3A_39 = tpu.memref_slice %arg15[%dma_start3A_38] : memref<3840xi32, #tpu.memory_space<vmem>> -> memref<256xi32, #tpu.memory_space<vmem>>
      %dma_start3A_40 = arith.constant 0 : i32
      %dma_start3A_41 = tpu.memref_slice %arg7[%dma_start3A_40] : memref<61440xf32, #tpu.memory_space<vmem_shared>> -> memref<61440xf32, #tpu.memory_space<vmem_shared>>
      tpu.enqueue_indirect_dma source(%dma_start3A_41 : memref<61440xf32, #tpu.memory_space<vmem_shared>>) target(%dma_start3A_37 : memref<256xf32, #tpu.memory_space<vmem>>) offsets(%dma_start3A_39 : memref<256xi32, #tpu.memory_space<vmem>>) semaphore(%arg20 : memref<!tpu.dma_semaphore, #tpu.memory_space<semaphore_mem>>)
      %dma_start3A_42 = arith.constant 512 : i32
      %dma_start3A_43 = tpu.memref_slice %arg18[%dma_start3A_42] : memref<3840xf32, #tpu.memory_space<vmem>> -> memref<256xf32, #tpu.memory_space<vmem>>
      %dma_start3A_44 = arith.constant 512 : i32
      %dma_start3A_45 = tpu.memref_slice %arg14[%dma_start3A_44] : memref<3840xi32, #tpu.memory_space<vmem>> -> memref<256xi32, #tpu.memory_space<vmem>>
      %dma_start3A_46 = arith.constant 0 : i32
      %dma_start3A_47 = tpu.memref_slice %arg7[%dma_start3A_46] : memref<61440xf32, #tpu.memory_space<vmem_shared>> -> memref<61440xf32, #tpu.memory_space<vmem_shared>>
      tpu.enqueue_indirect_dma source(%dma_start3A_47 : memref<61440xf32, #tpu.memory_space<vmem_shared>>) target(%dma_start3A_43 : memref<256xf32, #tpu.memory_space<vmem>>) offsets(%dma_start3A_45 : memref<256xi32, #tpu.memory_space<vmem>>) semaphore(%arg20 : memref<!tpu.dma_semaphore, #tpu.memory_space<semaphore_mem>>)
      %dma_start3A_48 = arith.constant 512 : i32
      %dma_start3A_49 = tpu.memref_slice %arg19[%dma_start3A_48] : memref<3840xf32, #tpu.memory_space<vmem>> -> memref<256xf32, #tpu.memory_space<vmem>>
      %dma_start3A_50 = arith.constant 512 : i32
      %dma_start3A_51 = tpu.memref_slice %arg15[%dma_start3A_50] : memref<3840xi32, #tpu.memory_space<vmem>> -> memref<256xi32, #tpu.memory_space<vmem>>
      %dma_start3A_52 = arith.constant 0 : i32
      %dma_start3A_53 = tpu.memref_slice %arg7[%dma_start3A_52] : memref<61440xf32, #tpu.memory_space<vmem_shared>> -> memref<61440xf32, #tpu.memory_space<vmem_shared>>
      tpu.enqueue_indirect_dma source(%dma_start3A_53 : memref<61440xf32, #tpu.memory_space<vmem_shared>>) target(%dma_start3A_49 : memref<256xf32, #tpu.memory_space<vmem>>) offsets(%dma_start3A_51 : memref<256xi32, #tpu.memory_space<vmem>>) semaphore(%arg20 : memref<!tpu.dma_semaphore, #tpu.memory_space<semaphore_mem>>)
      %dma_start3A_54 = arith.constant 768 : i32
      %dma_start3A_55 = tpu.memref_slice %arg18[%dma_start3A_54] : memref<3840xf32, #tpu.memory_space<vmem>> -> memref<256xf32, #tpu.memory_space<vmem>>
      %dma_start3A_56 = arith.constant 768 : i32
      %dma_start3A_57 = tpu.memref_slice %arg14[%dma_start3A_56] : memref<3840xi32, #tpu.memory_space<vmem>> -> memref<256xi32, #tpu.memory_space<vmem>>
      %dma_start3A_58 = arith.constant 0 : i32
      %dma_start3A_59 = tpu.memref_slice %arg7[%dma_start3A_58] : memref<61440xf32, #tpu.memory_space<vmem_shared>> -> memref<61440xf32, #tpu.memory_space<vmem_shared>>
      tpu.enqueue_indirect_dma source(%dma_start3A_59 : memref<61440xf32, #tpu.memory_space<vmem_shared>>) target(%dma_start3A_55 : memref<256xf32, #tpu.memory_space<vmem>>) offsets(%dma_start3A_57 : memref<256xi32, #tpu.memory_space<vmem>>) semaphore(%arg20 : memref<!tpu.dma_semaphore, #tpu.memory_space<semaphore_mem>>)
      %dma_start3A_60 = arith.constant 768 : i32
      %dma_start3A_61 = tpu.memref_slice %arg19[%dma_start3A_60] : memref<3840xf32, #tpu.memory_space<vmem>> -> memref<256xf32, #tpu.memory_space<vmem>>
      %dma_start3A_62 = arith.constant 768 : i32
      %dma_start3A_63 = tpu.memref_slice %arg15[%dma_start3A_62] : memref<3840xi32, #tpu.memory_space<vmem>> -> memref<256xi32, #tpu.memory_space<vmem>>
      %dma_start3A_64 = arith.constant 0 : i32
      %dma_start3A_65 = tpu.memref_slice %arg7[%dma_start3A_64] : memref<61440xf32, #tpu.memory_space<vmem_shared>> -> memref<61440xf32, #tpu.memory_space<vmem_shared>>
      tpu.enqueue_indirect_dma source(%dma_start3A_65 : memref<61440xf32, #tpu.memory_space<vmem_shared>>) target(%dma_start3A_61 : memref<256xf32, #tpu.memory_space<vmem>>) offsets(%dma_start3A_63 : memref<256xi32, #tpu.memory_space<vmem>>) semaphore(%arg20 : memref<!tpu.dma_semaphore, #tpu.memory_space<semaphore_mem>>)
      %dma_start3A_66 = arith.constant 1024 : i32
      %dma_start3A_67 = tpu.memref_slice %arg18[%dma_start3A_66] : memref<3840xf32, #tpu.memory_space<vmem>> -> memref<256xf32, #tpu.memory_space<vmem>>
      %dma_start3A_68 = arith.constant 1024 : i32
      %dma_start3A_69 = tpu.memref_slice %arg14[%dma_start3A_68] : memref<3840xi32, #tpu.memory_space<vmem>> -> memref<256xi32, #tpu.memory_space<vmem>>
      %dma_start3A_70 = arith.constant 0 : i32
      %dma_start3A_71 = tpu.memref_slice %arg7[%dma_start3A_70] : memref<61440xf32, #tpu.memory_space<vmem_shared>> -> memref<61440xf32, #tpu.memory_space<vmem_shared>>
      tpu.enqueue_indirect_dma source(%dma_start3A_71 : memref<61440xf32, #tpu.memory_space<vmem_shared>>) target(%dma_start3A_67 : memref<256xf32, #tpu.memory_space<vmem>>) offsets(%dma_start3A_69 : memref<256xi32, #tpu.memory_space<vmem>>) semaphore(%arg20 : memref<!tpu.dma_semaphore, #tpu.memory_space<semaphore_mem>>)
      %dma_start3A_72 = arith.constant 1024 : i32
      %dma_start3A_73 = tpu.memref_slice %arg19[%dma_start3A_72] : memref<3840xf32, #tpu.memory_space<vmem>> -> memref<256xf32, #tpu.memory_space<vmem>>
      %dma_start3A_74 = arith.constant 1024 : i32
      %dma_start3A_75 = tpu.memref_slice %arg15[%dma_start3A_74] : memref<3840xi32, #tpu.memory_space<vmem>> -> memref<256xi32, #tpu.memory_space<vmem>>
      %dma_start3A_76 = arith.constant 0 : i32
      %dma_start3A_77 = tpu.memref_slice %arg7[%dma_start3A_76] : memref<61440xf32, #tpu.memory_space<vmem_shared>> -> memref<61440xf32, #tpu.memory_space<vmem_shared>>
      tpu.enqueue_indirect_dma source(%dma_start3A_77 : memref<61440xf32, #tpu.memory_space<vmem_shared>>) target(%dma_start3A_73 : memref<256xf32, #tpu.memory_space<vmem>>) offsets(%dma_start3A_75 : memref<256xi32, #tpu.memory_space<vmem>>) semaphore(%arg20 : memref<!tpu.dma_semaphore, #tpu.memory_space<semaphore_mem>>)
      %dma_start3A_78 = arith.constant 1280 : i32
      %dma_start3A_79 = tpu.memref_slice %arg18[%dma_start3A_78] : memref<3840xf32, #tpu.memory_space<vmem>> -> memref<256xf32, #tpu.memory_space<vmem>>
      %dma_start3A_80 = arith.constant 1280 : i32
      %dma_start3A_81 = tpu.memref_slice %arg14[%dma_start3A_80] : memref<3840xi32, #tpu.memory_space<vmem>> -> memref<256xi32, #tpu.memory_space<vmem>>
      %dma_start3A_82 = arith.constant 0 : i32
      %dma_start3A_83 = tpu.memref_slice %arg7[%dma_start3A_82] : memref<61440xf32, #tpu.memory_space<vmem_shared>> -> memref<61440xf32, #tpu.memory_space<vmem_shared>>
      tpu.enqueue_indirect_dma source(%dma_start3A_83 : memref<61440xf32, #tpu.memory_space<vmem_shared>>) target(%dma_start3A_79 : memref<256xf32, #tpu.memory_space<vmem>>) offsets(%dma_start3A_81 : memref<256xi32, #tpu.memory_space<vmem>>) semaphore(%arg20 : memref<!tpu.dma_semaphore, #tpu.memory_space<semaphore_mem>>)
      %dma_start3A_84 = arith.constant 1280 : i32
      %dma_start3A_85 = tpu.memref_slice %arg19[%dma_start3A_84] : memref<3840xf32, #tpu.memory_space<vmem>> -> memref<256xf32, #tpu.memory_space<vmem>>
      %dma_start3A_86 = arith.constant 1280 : i32
      %dma_start3A_87 = tpu.memref_slice %arg15[%dma_start3A_86] : memref<3840xi32, #tpu.memory_space<vmem>> -> memref<256xi32, #tpu.memory_space<vmem>>
      %dma_start3A_88 = arith.constant 0 : i32
      %dma_start3A_89 = tpu.memref_slice %arg7[%dma_start3A_88] : memref<61440xf32, #tpu.memory_space<vmem_shared>> -> memref<61440xf32, #tpu.memory_space<vmem_shared>>
      tpu.enqueue_indirect_dma source(%dma_start3A_89 : memref<61440xf32, #tpu.memory_space<vmem_shared>>) target(%dma_start3A_85 : memref<256xf32, #tpu.memory_space<vmem>>) offsets(%dma_start3A_87 : memref<256xi32, #tpu.memory_space<vmem>>) semaphore(%arg20 : memref<!tpu.dma_semaphore, #tpu.memory_space<semaphore_mem>>)
      %dma_start3A_90 = arith.constant 1536 : i32
      %dma_start3A_91 = tpu.memref_slice %arg18[%dma_start3A_90] : memref<3840xf32, #tpu.memory_space<vmem>> -> memref<256xf32, #tpu.memory_space<vmem>>
      %dma_start3A_92 = arith.constant 1536 : i32
      %dma_start3A_93 = tpu.memref_slice %arg14[%dma_start3A_92] : memref<3840xi32, #tpu.memory_space<vmem>> -> memref<256xi32, #tpu.memory_space<vmem>>
      %dma_start3A_94 = arith.constant 0 : i32
      %dma_start3A_95 = tpu.memref_slice %arg7[%dma_start3A_94] : memref<61440xf32, #tpu.memory_space<vmem_shared>> -> memref<61440xf32, #tpu.memory_space<vmem_shared>>
      tpu.enqueue_indirect_dma source(%dma_start3A_95 : memref<61440xf32, #tpu.memory_space<vmem_shared>>) target(%dma_start3A_91 : memref<256xf32, #tpu.memory_space<vmem>>) offsets(%dma_start3A_93 : memref<256xi32, #tpu.memory_space<vmem>>) semaphore(%arg20 : memref<!tpu.dma_semaphore, #tpu.memory_space<semaphore_mem>>)
      %dma_start3A_96 = arith.constant 1536 : i32
      %dma_start3A_97 = tpu.memref_slice %arg19[%dma_start3A_96] : memref<3840xf32, #tpu.memory_space<vmem>> -> memref<256xf32, #tpu.memory_space<vmem>>
      %dma_start3A_98 = arith.constant 1536 : i32
      %dma_start3A_99 = tpu.memref_slice %arg15[%dma_start3A_98] : memref<3840xi32, #tpu.memory_space<vmem>> -> memref<256xi32, #tpu.memory_space<vmem>>
      %dma_start3A_100 = arith.constant 0 : i32
      %dma_start3A_101 = tpu.memref_slice %arg7[%dma_start3A_100] : memref<61440xf32, #tpu.memory_space<vmem_shared>> -> memref<61440xf32, #tpu.memory_space<vmem_shared>>
      tpu.enqueue_indirect_dma source(%dma_start3A_101 : memref<61440xf32, #tpu.memory_space<vmem_shared>>) target(%dma_start3A_97 : memref<256xf32, #tpu.memory_space<vmem>>) offsets(%dma_start3A_99 : memref<256xi32, #tpu.memory_space<vmem>>) semaphore(%arg20 : memref<!tpu.dma_semaphore, #tpu.memory_space<semaphore_mem>>)
      %dma_start3A_102 = arith.constant 1792 : i32
      %dma_start3A_103 = tpu.memref_slice %arg18[%dma_start3A_102] : memref<3840xf32, #tpu.memory_space<vmem>> -> memref<256xf32, #tpu.memory_space<vmem>>
      %dma_start3A_104 = arith.constant 1792 : i32
      %dma_start3A_105 = tpu.memref_slice %arg14[%dma_start3A_104] : memref<3840xi32, #tpu.memory_space<vmem>> -> memref<256xi32, #tpu.memory_space<vmem>>
      %dma_start3A_106 = arith.constant 0 : i32
      %dma_start3A_107 = tpu.memref_slice %arg7[%dma_start3A_106] : memref<61440xf32, #tpu.memory_space<vmem_shared>> -> memref<61440xf32, #tpu.memory_space<vmem_shared>>
      tpu.enqueue_indirect_dma source(%dma_start3A_107 : memref<61440xf32, #tpu.memory_space<vmem_shared>>) target(%dma_start3A_103 : memref<256xf32, #tpu.memory_space<vmem>>) offsets(%dma_start3A_105 : memref<256xi32, #tpu.memory_space<vmem>>) semaphore(%arg20 : memref<!tpu.dma_semaphore, #tpu.memory_space<semaphore_mem>>)
      %dma_start3A_108 = arith.constant 1792 : i32
      %dma_start3A_109 = tpu.memref_slice %arg19[%dma_start3A_108] : memref<3840xf32, #tpu.memory_space<vmem>> -> memref<256xf32, #tpu.memory_space<vmem>>
      %dma_start3A_110 = arith.constant 1792 : i32
      %dma_start3A_111 = tpu.memref_slice %arg15[%dma_start3A_110] : memref<3840xi32, #tpu.memory_space<vmem>> -> memref<256xi32, #tpu.memory_space<vmem>>
      %dma_start3A_112 = arith.constant 0 : i32
      %dma_start3A_113 = tpu.memref_slice %arg7[%dma_start3A_112] : memref<61440xf32, #tpu.memory_space<vmem_shared>> -> memref<61440xf32, #tpu.memory_space<vmem_shared>>
      tpu.enqueue_indirect_dma source(%dma_start3A_113 : memref<61440xf32, #tpu.memory_space<vmem_shared>>) target(%dma_start3A_109 : memref<256xf32, #tpu.memory_space<vmem>>) offsets(%dma_start3A_111 : memref<256xi32, #tpu.memory_space<vmem>>) semaphore(%arg20 : memref<!tpu.dma_semaphore, #tpu.memory_space<semaphore_mem>>)
      %dma_start3A_114 = arith.constant 2048 : i32
      %dma_start3A_115 = tpu.memref_slice %arg18[%dma_start3A_114] : memref<3840xf32, #tpu.memory_space<vmem>> -> memref<256xf32, #tpu.memory_space<vmem>>
      %dma_start3A_116 = arith.constant 2048 : i32
      %dma_start3A_117 = tpu.memref_slice %arg14[%dma_start3A_116] : memref<3840xi32, #tpu.memory_space<vmem>> -> memref<256xi32, #tpu.memory_space<vmem>>
      %dma_start3A_118 = arith.constant 0 : i32
      %dma_start3A_119 = tpu.memref_slice %arg7[%dma_start3A_118] : memref<61440xf32, #tpu.memory_space<vmem_shared>> -> memref<61440xf32, #tpu.memory_space<vmem_shared>>
      tpu.enqueue_indirect_dma source(%dma_start3A_119 : memref<61440xf32, #tpu.memory_space<vmem_shared>>) target(%dma_start3A_115 : memref<256xf32, #tpu.memory_space<vmem>>) offsets(%dma_start3A_117 : memref<256xi32, #tpu.memory_space<vmem>>) semaphore(%arg20 : memref<!tpu.dma_semaphore, #tpu.memory_space<semaphore_mem>>)
      %dma_start3A_120 = arith.constant 2048 : i32
      %dma_start3A_121 = tpu.memref_slice %arg19[%dma_start3A_120] : memref<3840xf32, #tpu.memory_space<vmem>> -> memref<256xf32, #tpu.memory_space<vmem>>
      %dma_start3A_122 = arith.constant 2048 : i32
      %dma_start3A_123 = tpu.memref_slice %arg15[%dma_start3A_122] : memref<3840xi32, #tpu.memory_space<vmem>> -> memref<256xi32, #tpu.memory_space<vmem>>
      %dma_start3A_124 = arith.constant 0 : i32
      %dma_start3A_125 = tpu.memref_slice %arg7[%dma_start3A_124] : memref<61440xf32, #tpu.memory_space<vmem_shared>> -> memref<61440xf32, #tpu.memory_space<vmem_shared>>
      tpu.enqueue_indirect_dma source(%dma_start3A_125 : memref<61440xf32, #tpu.memory_space<vmem_shared>>) target(%dma_start3A_121 : memref<256xf32, #tpu.memory_space<vmem>>) offsets(%dma_start3A_123 : memref<256xi32, #tpu.memory_space<vmem>>) semaphore(%arg20 : memref<!tpu.dma_semaphore, #tpu.memory_space<semaphore_mem>>)
      %dma_start3A_126 = arith.constant 2304 : i32
      %dma_start3A_127 = tpu.memref_slice %arg18[%dma_start3A_126] : memref<3840xf32, #tpu.memory_space<vmem>> -> memref<256xf32, #tpu.memory_space<vmem>>
      %dma_start3A_128 = arith.constant 2304 : i32
      %dma_start3A_129 = tpu.memref_slice %arg14[%dma_start3A_128] : memref<3840xi32, #tpu.memory_space<vmem>> -> memref<256xi32, #tpu.memory_space<vmem>>
      %dma_start3A_130 = arith.constant 0 : i32
      %dma_start3A_131 = tpu.memref_slice %arg7[%dma_start3A_130] : memref<61440xf32, #tpu.memory_space<vmem_shared>> -> memref<61440xf32, #tpu.memory_space<vmem_shared>>
      tpu.enqueue_indirect_dma source(%dma_start3A_131 : memref<61440xf32, #tpu.memory_space<vmem_shared>>) target(%dma_start3A_127 : memref<256xf32, #tpu.memory_space<vmem>>) offsets(%dma_start3A_129 : memref<256xi32, #tpu.memory_space<vmem>>) semaphore(%arg20 : memref<!tpu.dma_semaphore, #tpu.memory_space<semaphore_mem>>)
      %dma_start3A_132 = arith.constant 2304 : i32
      %dma_start3A_133 = tpu.memref_slice %arg19[%dma_start3A_132] : memref<3840xf32, #tpu.memory_space<vmem>> -> memref<256xf32, #tpu.memory_space<vmem>>
      %dma_start3A_134 = arith.constant 2304 : i32
      %dma_start3A_135 = tpu.memref_slice %arg15[%dma_start3A_134] : memref<3840xi32, #tpu.memory_space<vmem>> -> memref<256xi32, #tpu.memory_space<vmem>>
      %dma_start3A_136 = arith.constant 0 : i32
      %dma_start3A_137 = tpu.memref_slice %arg7[%dma_start3A_136] : memref<61440xf32, #tpu.memory_space<vmem_shared>> -> memref<61440xf32, #tpu.memory_space<vmem_shared>>
      tpu.enqueue_indirect_dma source(%dma_start3A_137 : memref<61440xf32, #tpu.memory_space<vmem_shared>>) target(%dma_start3A_133 : memref<256xf32, #tpu.memory_space<vmem>>) offsets(%dma_start3A_135 : memref<256xi32, #tpu.memory_space<vmem>>) semaphore(%arg20 : memref<!tpu.dma_semaphore, #tpu.memory_space<semaphore_mem>>)
      %dma_start3A_138 = arith.constant 2560 : i32
      %dma_start3A_139 = tpu.memref_slice %arg18[%dma_start3A_138] : memref<3840xf32, #tpu.memory_space<vmem>> -> memref<256xf32, #tpu.memory_space<vmem>>
      %dma_start3A_140 = arith.constant 2560 : i32
      %dma_start3A_141 = tpu.memref_slice %arg14[%dma_start3A_140] : memref<3840xi32, #tpu.memory_space<vmem>> -> memref<256xi32, #tpu.memory_space<vmem>>
      %dma_start3A_142 = arith.constant 0 : i32
      %dma_start3A_143 = tpu.memref_slice %arg7[%dma_start3A_142] : memref<61440xf32, #tpu.memory_space<vmem_shared>> -> memref<61440xf32, #tpu.memory_space<vmem_shared>>
      tpu.enqueue_indirect_dma source(%dma_start3A_143 : memref<61440xf32, #tpu.memory_space<vmem_shared>>) target(%dma_start3A_139 : memref<256xf32, #tpu.memory_space<vmem>>) offsets(%dma_start3A_141 : memref<256xi32, #tpu.memory_space<vmem>>) semaphore(%arg20 : memref<!tpu.dma_semaphore, #tpu.memory_space<semaphore_mem>>)
      %dma_start3A_144 = arith.constant 2560 : i32
      %dma_start3A_145 = tpu.memref_slice %arg19[%dma_start3A_144] : memref<3840xf32, #tpu.memory_space<vmem>> -> memref<256xf32, #tpu.memory_space<vmem>>
      %dma_start3A_146 = arith.constant 2560 : i32
      %dma_start3A_147 = tpu.memref_slice %arg15[%dma_start3A_146] : memref<3840xi32, #tpu.memory_space<vmem>> -> memref<256xi32, #tpu.memory_space<vmem>>
      %dma_start3A_148 = arith.constant 0 : i32
      %dma_start3A_149 = tpu.memref_slice %arg7[%dma_start3A_148] : memref<61440xf32, #tpu.memory_space<vmem_shared>> -> memref<61440xf32, #tpu.memory_space<vmem_shared>>
      tpu.enqueue_indirect_dma source(%dma_start3A_149 : memref<61440xf32, #tpu.memory_space<vmem_shared>>) target(%dma_start3A_145 : memref<256xf32, #tpu.memory_space<vmem>>) offsets(%dma_start3A_147 : memref<256xi32, #tpu.memory_space<vmem>>) semaphore(%arg20 : memref<!tpu.dma_semaphore, #tpu.memory_space<semaphore_mem>>)
      %dma_start3A_150 = arith.constant 2816 : i32
      %dma_start3A_151 = tpu.memref_slice %arg18[%dma_start3A_150] : memref<3840xf32, #tpu.memory_space<vmem>> -> memref<256xf32, #tpu.memory_space<vmem>>
      %dma_start3A_152 = arith.constant 2816 : i32
      %dma_start3A_153 = tpu.memref_slice %arg14[%dma_start3A_152] : memref<3840xi32, #tpu.memory_space<vmem>> -> memref<256xi32, #tpu.memory_space<vmem>>
      %dma_start3A_154 = arith.constant 0 : i32
      %dma_start3A_155 = tpu.memref_slice %arg7[%dma_start3A_154] : memref<61440xf32, #tpu.memory_space<vmem_shared>> -> memref<61440xf32, #tpu.memory_space<vmem_shared>>
      tpu.enqueue_indirect_dma source(%dma_start3A_155 : memref<61440xf32, #tpu.memory_space<vmem_shared>>) target(%dma_start3A_151 : memref<256xf32, #tpu.memory_space<vmem>>) offsets(%dma_start3A_153 : memref<256xi32, #tpu.memory_space<vmem>>) semaphore(%arg20 : memref<!tpu.dma_semaphore, #tpu.memory_space<semaphore_mem>>)
      %dma_start3A_156 = arith.constant 2816 : i32
      %dma_start3A_157 = tpu.memref_slice %arg19[%dma_start3A_156] : memref<3840xf32, #tpu.memory_space<vmem>> -> memref<256xf32, #tpu.memory_space<vmem>>
      %dma_start3A_158 = arith.constant 2816 : i32
      %dma_start3A_159 = tpu.memref_slice %arg15[%dma_start3A_158] : memref<3840xi32, #tpu.memory_space<vmem>> -> memref<256xi32, #tpu.memory_space<vmem>>
      %dma_start3A_160 = arith.constant 0 : i32
      %dma_start3A_161 = tpu.memref_slice %arg7[%dma_start3A_160] : memref<61440xf32, #tpu.memory_space<vmem_shared>> -> memref<61440xf32, #tpu.memory_space<vmem_shared>>
      tpu.enqueue_indirect_dma source(%dma_start3A_161 : memref<61440xf32, #tpu.memory_space<vmem_shared>>) target(%dma_start3A_157 : memref<256xf32, #tpu.memory_space<vmem>>) offsets(%dma_start3A_159 : memref<256xi32, #tpu.memory_space<vmem>>) semaphore(%arg20 : memref<!tpu.dma_semaphore, #tpu.memory_space<semaphore_mem>>)
      %dma_start3A_162 = arith.constant 3072 : i32
      %dma_start3A_163 = tpu.memref_slice %arg18[%dma_start3A_162] : memref<3840xf32, #tpu.memory_space<vmem>> -> memref<256xf32, #tpu.memory_space<vmem>>
      %dma_start3A_164 = arith.constant 3072 : i32
      %dma_start3A_165 = tpu.memref_slice %arg14[%dma_start3A_164] : memref<3840xi32, #tpu.memory_space<vmem>> -> memref<256xi32, #tpu.memory_space<vmem>>
      %dma_start3A_166 = arith.constant 0 : i32
      %dma_start3A_167 = tpu.memref_slice %arg7[%dma_start3A_166] : memref<61440xf32, #tpu.memory_space<vmem_shared>> -> memref<61440xf32, #tpu.memory_space<vmem_shared>>
      tpu.enqueue_indirect_dma source(%dma_start3A_167 : memref<61440xf32, #tpu.memory_space<vmem_shared>>) target(%dma_start3A_163 : memref<256xf32, #tpu.memory_space<vmem>>) offsets(%dma_start3A_165 : memref<256xi32, #tpu.memory_space<vmem>>) semaphore(%arg20 : memref<!tpu.dma_semaphore, #tpu.memory_space<semaphore_mem>>)
      %dma_start3A_168 = arith.constant 3072 : i32
      %dma_start3A_169 = tpu.memref_slice %arg19[%dma_start3A_168] : memref<3840xf32, #tpu.memory_space<vmem>> -> memref<256xf32, #tpu.memory_space<vmem>>
      %dma_start3A_170 = arith.constant 3072 : i32
      %dma_start3A_171 = tpu.memref_slice %arg15[%dma_start3A_170] : memref<3840xi32, #tpu.memory_space<vmem>> -> memref<256xi32, #tpu.memory_space<vmem>>
      %dma_start3A_172 = arith.constant 0 : i32
      %dma_start3A_173 = tpu.memref_slice %arg7[%dma_start3A_172] : memref<61440xf32, #tpu.memory_space<vmem_shared>> -> memref<61440xf32, #tpu.memory_space<vmem_shared>>
      tpu.enqueue_indirect_dma source(%dma_start3A_173 : memref<61440xf32, #tpu.memory_space<vmem_shared>>) target(%dma_start3A_169 : memref<256xf32, #tpu.memory_space<vmem>>) offsets(%dma_start3A_171 : memref<256xi32, #tpu.memory_space<vmem>>) semaphore(%arg20 : memref<!tpu.dma_semaphore, #tpu.memory_space<semaphore_mem>>)
      %dma_start3A_174 = arith.constant 3328 : i32
      %dma_start3A_175 = tpu.memref_slice %arg18[%dma_start3A_174] : memref<3840xf32, #tpu.memory_space<vmem>> -> memref<256xf32, #tpu.memory_space<vmem>>
      %dma_start3A_176 = arith.constant 3328 : i32
      %dma_start3A_177 = tpu.memref_slice %arg14[%dma_start3A_176] : memref<3840xi32, #tpu.memory_space<vmem>> -> memref<256xi32, #tpu.memory_space<vmem>>
      %dma_start3A_178 = arith.constant 0 : i32
      %dma_start3A_179 = tpu.memref_slice %arg7[%dma_start3A_178] : memref<61440xf32, #tpu.memory_space<vmem_shared>> -> memref<61440xf32, #tpu.memory_space<vmem_shared>>
      tpu.enqueue_indirect_dma source(%dma_start3A_179 : memref<61440xf32, #tpu.memory_space<vmem_shared>>) target(%dma_start3A_175 : memref<256xf32, #tpu.memory_space<vmem>>) offsets(%dma_start3A_177 : memref<256xi32, #tpu.memory_space<vmem>>) semaphore(%arg20 : memref<!tpu.dma_semaphore, #tpu.memory_space<semaphore_mem>>)
      %dma_start3A_180 = arith.constant 3328 : i32
      %dma_start3A_181 = tpu.memref_slice %arg19[%dma_start3A_180] : memref<3840xf32, #tpu.memory_space<vmem>> -> memref<256xf32, #tpu.memory_space<vmem>>
      %dma_start3A_182 = arith.constant 3328 : i32
      %dma_start3A_183 = tpu.memref_slice %arg15[%dma_start3A_182] : memref<3840xi32, #tpu.memory_space<vmem>> -> memref<256xi32, #tpu.memory_space<vmem>>
      %dma_start3A_184 = arith.constant 0 : i32
      %dma_start3A_185 = tpu.memref_slice %arg7[%dma_start3A_184] : memref<61440xf32, #tpu.memory_space<vmem_shared>> -> memref<61440xf32, #tpu.memory_space<vmem_shared>>
      tpu.enqueue_indirect_dma source(%dma_start3A_185 : memref<61440xf32, #tpu.memory_space<vmem_shared>>) target(%dma_start3A_181 : memref<256xf32, #tpu.memory_space<vmem>>) offsets(%dma_start3A_183 : memref<256xi32, #tpu.memory_space<vmem>>) semaphore(%arg20 : memref<!tpu.dma_semaphore, #tpu.memory_space<semaphore_mem>>)
      %dma_start3A_186 = arith.constant 3584 : i32
      %dma_start3A_187 = tpu.memref_slice %arg18[%dma_start3A_186] : memref<3840xf32, #tpu.memory_space<vmem>> -> memref<256xf32, #tpu.memory_space<vmem>>
      %dma_start3A_188 = arith.constant 3584 : i32
      %dma_start3A_189 = tpu.memref_slice %arg14[%dma_start3A_188] : memref<3840xi32, #tpu.memory_space<vmem>> -> memref<256xi32, #tpu.memory_space<vmem>>
      %dma_start3A_190 = arith.constant 0 : i32
      %dma_start3A_191 = tpu.memref_slice %arg7[%dma_start3A_190] : memref<61440xf32, #tpu.memory_space<vmem_shared>> -> memref<61440xf32, #tpu.memory_space<vmem_shared>>
      tpu.enqueue_indirect_dma source(%dma_start3A_191 : memref<61440xf32, #tpu.memory_space<vmem_shared>>) target(%dma_start3A_187 : memref<256xf32, #tpu.memory_space<vmem>>) offsets(%dma_start3A_189 : memref<256xi32, #tpu.memory_space<vmem>>) semaphore(%arg20 : memref<!tpu.dma_semaphore, #tpu.memory_space<semaphore_mem>>)
      %dma_start3A_192 = arith.constant 3584 : i32
      %dma_start3A_193 = tpu.memref_slice %arg19[%dma_start3A_192] : memref<3840xf32, #tpu.memory_space<vmem>> -> memref<256xf32, #tpu.memory_space<vmem>>
      %dma_start3A_194 = arith.constant 3584 : i32
      %dma_start3A_195 = tpu.memref_slice %arg15[%dma_start3A_194] : memref<3840xi32, #tpu.memory_space<vmem>> -> memref<256xi32, #tpu.memory_space<vmem>>
      %dma_start3A_196 = arith.constant 0 : i32
      %dma_start3A_197 = tpu.memref_slice %arg7[%dma_start3A_196] : memref<61440xf32, #tpu.memory_space<vmem_shared>> -> memref<61440xf32, #tpu.memory_space<vmem_shared>>
      tpu.enqueue_indirect_dma source(%dma_start3A_197 : memref<61440xf32, #tpu.memory_space<vmem_shared>>) target(%dma_start3A_193 : memref<256xf32, #tpu.memory_space<vmem>>) offsets(%dma_start3A_195 : memref<256xi32, #tpu.memory_space<vmem>>) semaphore(%arg20 : memref<!tpu.dma_semaphore, #tpu.memory_space<semaphore_mem>>)
      %dma_wait3A_198 = arith.constant 0 : i32
      %dma_wait3A_199 = tpu.memref_slice %arg18[%dma_wait3A_198] : memref<3840xf32, #tpu.memory_space<vmem>> -> memref<256xf32, #tpu.memory_space<vmem>>
      %dma_wait3A_200 = arith.constant 0 : i32
      %dma_wait3A_201 = tpu.memref_slice %arg14[%dma_wait3A_200] : memref<3840xi32, #tpu.memory_space<vmem>> -> memref<256xi32, #tpu.memory_space<vmem>>
      %dma_wait3A_202 = arith.constant 0 : i32
      %dma_wait3A_203 = tpu.memref_slice %arg7[%dma_wait3A_202] : memref<61440xf32, #tpu.memory_space<vmem_shared>> -> memref<61440xf32, #tpu.memory_space<vmem_shared>>
      tpu.wait_indirect_dma semaphore(%arg20 : memref<!tpu.dma_semaphore, #tpu.memory_space<semaphore_mem>>) src(%dma_wait3A_203 : memref<61440xf32, #tpu.memory_space<vmem_shared>>) dst(%dma_wait3A_199 : memref<256xf32, #tpu.memory_space<vmem>>)
      %dma_wait3A_204 = arith.constant 0 : i32
      %dma_wait3A_205 = tpu.memref_slice %arg19[%dma_wait3A_204] : memref<3840xf32, #tpu.memory_space<vmem>> -> memref<256xf32, #tpu.memory_space<vmem>>
      %dma_wait3A_206 = arith.constant 0 : i32
      %dma_wait3A_207 = tpu.memref_slice %arg15[%dma_wait3A_206] : memref<3840xi32, #tpu.memory_space<vmem>> -> memref<256xi32, #tpu.memory_space<vmem>>
      %dma_wait3A_208 = arith.constant 0 : i32
      %dma_wait3A_209 = tpu.memref_slice %arg7[%dma_wait3A_208] : memref<61440xf32, #tpu.memory_space<vmem_shared>> -> memref<61440xf32, #tpu.memory_space<vmem_shared>>
      tpu.wait_indirect_dma semaphore(%arg20 : memref<!tpu.dma_semaphore, #tpu.memory_space<semaphore_mem>>) src(%dma_wait3A_209 : memref<61440xf32, #tpu.memory_space<vmem_shared>>) dst(%dma_wait3A_205 : memref<256xf32, #tpu.memory_space<vmem>>)
      %dma_wait3A_210 = arith.constant 256 : i32
      %dma_wait3A_211 = tpu.memref_slice %arg18[%dma_wait3A_210] : memref<3840xf32, #tpu.memory_space<vmem>> -> memref<256xf32, #tpu.memory_space<vmem>>
      %dma_wait3A_212 = arith.constant 256 : i32
      %dma_wait3A_213 = tpu.memref_slice %arg14[%dma_wait3A_212] : memref<3840xi32, #tpu.memory_space<vmem>> -> memref<256xi32, #tpu.memory_space<vmem>>
      %dma_wait3A_214 = arith.constant 0 : i32
      %dma_wait3A_215 = tpu.memref_slice %arg7[%dma_wait3A_214] : memref<61440xf32, #tpu.memory_space<vmem_shared>> -> memref<61440xf32, #tpu.memory_space<vmem_shared>>
      tpu.wait_indirect_dma semaphore(%arg20 : memref<!tpu.dma_semaphore, #tpu.memory_space<semaphore_mem>>) src(%dma_wait3A_215 : memref<61440xf32, #tpu.memory_space<vmem_shared>>) dst(%dma_wait3A_211 : memref<256xf32, #tpu.memory_space<vmem>>)
      %dma_wait3A_216 = arith.constant 256 : i32
      %dma_wait3A_217 = tpu.memref_slice %arg19[%dma_wait3A_216] : memref<3840xf32, #tpu.memory_space<vmem>> -> memref<256xf32, #tpu.memory_space<vmem>>
      %dma_wait3A_218 = arith.constant 256 : i32
      %dma_wait3A_219 = tpu.memref_slice %arg15[%dma_wait3A_218] : memref<3840xi32, #tpu.memory_space<vmem>> -> memref<256xi32, #tpu.memory_space<vmem>>
      %dma_wait3A_220 = arith.constant 0 : i32
      %dma_wait3A_221 = tpu.memref_slice %arg7[%dma_wait3A_220] : memref<61440xf32, #tpu.memory_space<vmem_shared>> -> memref<61440xf32, #tpu.memory_space<vmem_shared>>
      tpu.wait_indirect_dma semaphore(%arg20 : memref<!tpu.dma_semaphore, #tpu.memory_space<semaphore_mem>>) src(%dma_wait3A_221 : memref<61440xf32, #tpu.memory_space<vmem_shared>>) dst(%dma_wait3A_217 : memref<256xf32, #tpu.memory_space<vmem>>)
      %dma_wait3A_222 = arith.constant 512 : i32
      %dma_wait3A_223 = tpu.memref_slice %arg18[%dma_wait3A_222] : memref<3840xf32, #tpu.memory_space<vmem>> -> memref<256xf32, #tpu.memory_space<vmem>>
      %dma_wait3A_224 = arith.constant 512 : i32
      %dma_wait3A_225 = tpu.memref_slice %arg14[%dma_wait3A_224] : memref<3840xi32, #tpu.memory_space<vmem>> -> memref<256xi32, #tpu.memory_space<vmem>>
      %dma_wait3A_226 = arith.constant 0 : i32
      %dma_wait3A_227 = tpu.memref_slice %arg7[%dma_wait3A_226] : memref<61440xf32, #tpu.memory_space<vmem_shared>> -> memref<61440xf32, #tpu.memory_space<vmem_shared>>
      tpu.wait_indirect_dma semaphore(%arg20 : memref<!tpu.dma_semaphore, #tpu.memory_space<semaphore_mem>>) src(%dma_wait3A_227 : memref<61440xf32, #tpu.memory_space<vmem_shared>>) dst(%dma_wait3A_223 : memref<256xf32, #tpu.memory_space<vmem>>)
      %dma_wait3A_228 = arith.constant 512 : i32
      %dma_wait3A_229 = tpu.memref_slice %arg19[%dma_wait3A_228] : memref<3840xf32, #tpu.memory_space<vmem>> -> memref<256xf32, #tpu.memory_space<vmem>>
      %dma_wait3A_230 = arith.constant 512 : i32
      %dma_wait3A_231 = tpu.memref_slice %arg15[%dma_wait3A_230] : memref<3840xi32, #tpu.memory_space<vmem>> -> memref<256xi32, #tpu.memory_space<vmem>>
      %dma_wait3A_232 = arith.constant 0 : i32
      %dma_wait3A_233 = tpu.memref_slice %arg7[%dma_wait3A_232] : memref<61440xf32, #tpu.memory_space<vmem_shared>> -> memref<61440xf32, #tpu.memory_space<vmem_shared>>
      tpu.wait_indirect_dma semaphore(%arg20 : memref<!tpu.dma_semaphore, #tpu.memory_space<semaphore_mem>>) src(%dma_wait3A_233 : memref<61440xf32, #tpu.memory_space<vmem_shared>>) dst(%dma_wait3A_229 : memref<256xf32, #tpu.memory_space<vmem>>)
      %dma_wait3A_234 = arith.constant 768 : i32
      %dma_wait3A_235 = tpu.memref_slice %arg18[%dma_wait3A_234] : memref<3840xf32, #tpu.memory_space<vmem>> -> memref<256xf32, #tpu.memory_space<vmem>>
      %dma_wait3A_236 = arith.constant 768 : i32
      %dma_wait3A_237 = tpu.memref_slice %arg14[%dma_wait3A_236] : memref<3840xi32, #tpu.memory_space<vmem>> -> memref<256xi32, #tpu.memory_space<vmem>>
      %dma_wait3A_238 = arith.constant 0 : i32
      %dma_wait3A_239 = tpu.memref_slice %arg7[%dma_wait3A_238] : memref<61440xf32, #tpu.memory_space<vmem_shared>> -> memref<61440xf32, #tpu.memory_space<vmem_shared>>
      tpu.wait_indirect_dma semaphore(%arg20 : memref<!tpu.dma_semaphore, #tpu.memory_space<semaphore_mem>>) src(%dma_wait3A_239 : memref<61440xf32, #tpu.memory_space<vmem_shared>>) dst(%dma_wait3A_235 : memref<256xf32, #tpu.memory_space<vmem>>)
      %dma_wait3A_240 = arith.constant 768 : i32
      %dma_wait3A_241 = tpu.memref_slice %arg19[%dma_wait3A_240] : memref<3840xf32, #tpu.memory_space<vmem>> -> memref<256xf32, #tpu.memory_space<vmem>>
      %dma_wait3A_242 = arith.constant 768 : i32
      %dma_wait3A_243 = tpu.memref_slice %arg15[%dma_wait3A_242] : memref<3840xi32, #tpu.memory_space<vmem>> -> memref<256xi32, #tpu.memory_space<vmem>>
      %dma_wait3A_244 = arith.constant 0 : i32
      %dma_wait3A_245 = tpu.memref_slice %arg7[%dma_wait3A_244] : memref<61440xf32, #tpu.memory_space<vmem_shared>> -> memref<61440xf32, #tpu.memory_space<vmem_shared>>
      tpu.wait_indirect_dma semaphore(%arg20 : memref<!tpu.dma_semaphore, #tpu.memory_space<semaphore_mem>>) src(%dma_wait3A_245 : memref<61440xf32, #tpu.memory_space<vmem_shared>>) dst(%dma_wait3A_241 : memref<256xf32, #tpu.memory_space<vmem>>)
      %dma_wait3A_246 = arith.constant 1024 : i32
      %dma_wait3A_247 = tpu.memref_slice %arg18[%dma_wait3A_246] : memref<3840xf32, #tpu.memory_space<vmem>> -> memref<256xf32, #tpu.memory_space<vmem>>
      %dma_wait3A_248 = arith.constant 1024 : i32
      %dma_wait3A_249 = tpu.memref_slice %arg14[%dma_wait3A_248] : memref<3840xi32, #tpu.memory_space<vmem>> -> memref<256xi32, #tpu.memory_space<vmem>>
      %dma_wait3A_250 = arith.constant 0 : i32
      %dma_wait3A_251 = tpu.memref_slice %arg7[%dma_wait3A_250] : memref<61440xf32, #tpu.memory_space<vmem_shared>> -> memref<61440xf32, #tpu.memory_space<vmem_shared>>
      tpu.wait_indirect_dma semaphore(%arg20 : memref<!tpu.dma_semaphore, #tpu.memory_space<semaphore_mem>>) src(%dma_wait3A_251 : memref<61440xf32, #tpu.memory_space<vmem_shared>>) dst(%dma_wait3A_247 : memref<256xf32, #tpu.memory_space<vmem>>)
      %dma_wait3A_252 = arith.constant 1024 : i32
      %dma_wait3A_253 = tpu.memref_slice %arg19[%dma_wait3A_252] : memref<3840xf32, #tpu.memory_space<vmem>> -> memref<256xf32, #tpu.memory_space<vmem>>
      %dma_wait3A_254 = arith.constant 1024 : i32
      %dma_wait3A_255 = tpu.memref_slice %arg15[%dma_wait3A_254] : memref<3840xi32, #tpu.memory_space<vmem>> -> memref<256xi32, #tpu.memory_space<vmem>>
      %dma_wait3A_256 = arith.constant 0 : i32
      %dma_wait3A_257 = tpu.memref_slice %arg7[%dma_wait3A_256] : memref<61440xf32, #tpu.memory_space<vmem_shared>> -> memref<61440xf32, #tpu.memory_space<vmem_shared>>
      tpu.wait_indirect_dma semaphore(%arg20 : memref<!tpu.dma_semaphore, #tpu.memory_space<semaphore_mem>>) src(%dma_wait3A_257 : memref<61440xf32, #tpu.memory_space<vmem_shared>>) dst(%dma_wait3A_253 : memref<256xf32, #tpu.memory_space<vmem>>)
      %dma_wait3A_258 = arith.constant 1280 : i32
      %dma_wait3A_259 = tpu.memref_slice %arg18[%dma_wait3A_258] : memref<3840xf32, #tpu.memory_space<vmem>> -> memref<256xf32, #tpu.memory_space<vmem>>
      %dma_wait3A_260 = arith.constant 1280 : i32
      %dma_wait3A_261 = tpu.memref_slice %arg14[%dma_wait3A_260] : memref<3840xi32, #tpu.memory_space<vmem>> -> memref<256xi32, #tpu.memory_space<vmem>>
      %dma_wait3A_262 = arith.constant 0 : i32
      %dma_wait3A_263 = tpu.memref_slice %arg7[%dma_wait3A_262] : memref<61440xf32, #tpu.memory_space<vmem_shared>> -> memref<61440xf32, #tpu.memory_space<vmem_shared>>
      tpu.wait_indirect_dma semaphore(%arg20 : memref<!tpu.dma_semaphore, #tpu.memory_space<semaphore_mem>>) src(%dma_wait3A_263 : memref<61440xf32, #tpu.memory_space<vmem_shared>>) dst(%dma_wait3A_259 : memref<256xf32, #tpu.memory_space<vmem>>)
      %dma_wait3A_264 = arith.constant 1280 : i32
      %dma_wait3A_265 = tpu.memref_slice %arg19[%dma_wait3A_264] : memref<3840xf32, #tpu.memory_space<vmem>> -> memref<256xf32, #tpu.memory_space<vmem>>
      %dma_wait3A_266 = arith.constant 1280 : i32
      %dma_wait3A_267 = tpu.memref_slice %arg15[%dma_wait3A_266] : memref<3840xi32, #tpu.memory_space<vmem>> -> memref<256xi32, #tpu.memory_space<vmem>>
      %dma_wait3A_268 = arith.constant 0 : i32
      %dma_wait3A_269 = tpu.memref_slice %arg7[%dma_wait3A_268] : memref<61440xf32, #tpu.memory_space<vmem_shared>> -> memref<61440xf32, #tpu.memory_space<vmem_shared>>
      tpu.wait_indirect_dma semaphore(%arg20 : memref<!tpu.dma_semaphore, #tpu.memory_space<semaphore_mem>>) src(%dma_wait3A_269 : memref<61440xf32, #tpu.memory_space<vmem_shared>>) dst(%dma_wait3A_265 : memref<256xf32, #tpu.memory_space<vmem>>)
      %dma_wait3A_270 = arith.constant 1536 : i32
      %dma_wait3A_271 = tpu.memref_slice %arg18[%dma_wait3A_270] : memref<3840xf32, #tpu.memory_space<vmem>> -> memref<256xf32, #tpu.memory_space<vmem>>
      %dma_wait3A_272 = arith.constant 1536 : i32
      %dma_wait3A_273 = tpu.memref_slice %arg14[%dma_wait3A_272] : memref<3840xi32, #tpu.memory_space<vmem>> -> memref<256xi32, #tpu.memory_space<vmem>>
      %dma_wait3A_274 = arith.constant 0 : i32
      %dma_wait3A_275 = tpu.memref_slice %arg7[%dma_wait3A_274] : memref<61440xf32, #tpu.memory_space<vmem_shared>> -> memref<61440xf32, #tpu.memory_space<vmem_shared>>
      tpu.wait_indirect_dma semaphore(%arg20 : memref<!tpu.dma_semaphore, #tpu.memory_space<semaphore_mem>>) src(%dma_wait3A_275 : memref<61440xf32, #tpu.memory_space<vmem_shared>>) dst(%dma_wait3A_271 : memref<256xf32, #tpu.memory_space<vmem>>)
      %dma_wait3A_276 = arith.constant 1536 : i32
      %dma_wait3A_277 = tpu.memref_slice %arg19[%dma_wait3A_276] : memref<3840xf32, #tpu.memory_space<vmem>> -> memref<256xf32, #tpu.memory_space<vmem>>
      %dma_wait3A_278 = arith.constant 1536 : i32
      %dma_wait3A_279 = tpu.memref_slice %arg15[%dma_wait3A_278] : memref<3840xi32, #tpu.memory_space<vmem>> -> memref<256xi32, #tpu.memory_space<vmem>>
      %dma_wait3A_280 = arith.constant 0 : i32
      %dma_wait3A_281 = tpu.memref_slice %arg7[%dma_wait3A_280] : memref<61440xf32, #tpu.memory_space<vmem_shared>> -> memref<61440xf32, #tpu.memory_space<vmem_shared>>
      tpu.wait_indirect_dma semaphore(%arg20 : memref<!tpu.dma_semaphore, #tpu.memory_space<semaphore_mem>>) src(%dma_wait3A_281 : memref<61440xf32, #tpu.memory_space<vmem_shared>>) dst(%dma_wait3A_277 : memref<256xf32, #tpu.memory_space<vmem>>)
      %dma_wait3A_282 = arith.constant 1792 : i32
      %dma_wait3A_283 = tpu.memref_slice %arg18[%dma_wait3A_282] : memref<3840xf32, #tpu.memory_space<vmem>> -> memref<256xf32, #tpu.memory_space<vmem>>
      %dma_wait3A_284 = arith.constant 1792 : i32
      %dma_wait3A_285 = tpu.memref_slice %arg14[%dma_wait3A_284] : memref<3840xi32, #tpu.memory_space<vmem>> -> memref<256xi32, #tpu.memory_space<vmem>>
      %dma_wait3A_286 = arith.constant 0 : i32
      %dma_wait3A_287 = tpu.memref_slice %arg7[%dma_wait3A_286] : memref<61440xf32, #tpu.memory_space<vmem_shared>> -> memref<61440xf32, #tpu.memory_space<vmem_shared>>
      tpu.wait_indirect_dma semaphore(%arg20 : memref<!tpu.dma_semaphore, #tpu.memory_space<semaphore_mem>>) src(%dma_wait3A_287 : memref<61440xf32, #tpu.memory_space<vmem_shared>>) dst(%dma_wait3A_283 : memref<256xf32, #tpu.memory_space<vmem>>)
      %dma_wait3A_288 = arith.constant 1792 : i32
      %dma_wait3A_289 = tpu.memref_slice %arg19[%dma_wait3A_288] : memref<3840xf32, #tpu.memory_space<vmem>> -> memref<256xf32, #tpu.memory_space<vmem>>
      %dma_wait3A_290 = arith.constant 1792 : i32
      %dma_wait3A_291 = tpu.memref_slice %arg15[%dma_wait3A_290] : memref<3840xi32, #tpu.memory_space<vmem>> -> memref<256xi32, #tpu.memory_space<vmem>>
      %dma_wait3A_292 = arith.constant 0 : i32
      %dma_wait3A_293 = tpu.memref_slice %arg7[%dma_wait3A_292] : memref<61440xf32, #tpu.memory_space<vmem_shared>> -> memref<61440xf32, #tpu.memory_space<vmem_shared>>
      tpu.wait_indirect_dma semaphore(%arg20 : memref<!tpu.dma_semaphore, #tpu.memory_space<semaphore_mem>>) src(%dma_wait3A_293 : memref<61440xf32, #tpu.memory_space<vmem_shared>>) dst(%dma_wait3A_289 : memref<256xf32, #tpu.memory_space<vmem>>)
      %dma_wait3A_294 = arith.constant 2048 : i32
      %dma_wait3A_295 = tpu.memref_slice %arg18[%dma_wait3A_294] : memref<3840xf32, #tpu.memory_space<vmem>> -> memref<256xf32, #tpu.memory_space<vmem>>
      %dma_wait3A_296 = arith.constant 2048 : i32
      %dma_wait3A_297 = tpu.memref_slice %arg14[%dma_wait3A_296] : memref<3840xi32, #tpu.memory_space<vmem>> -> memref<256xi32, #tpu.memory_space<vmem>>
      %dma_wait3A_298 = arith.constant 0 : i32
      %dma_wait3A_299 = tpu.memref_slice %arg7[%dma_wait3A_298] : memref<61440xf32, #tpu.memory_space<vmem_shared>> -> memref<61440xf32, #tpu.memory_space<vmem_shared>>
      tpu.wait_indirect_dma semaphore(%arg20 : memref<!tpu.dma_semaphore, #tpu.memory_space<semaphore_mem>>) src(%dma_wait3A_299 : memref<61440xf32, #tpu.memory_space<vmem_shared>>) dst(%dma_wait3A_295 : memref<256xf32, #tpu.memory_space<vmem>>)
      %dma_wait3A_300 = arith.constant 2048 : i32
      %dma_wait3A_301 = tpu.memref_slice %arg19[%dma_wait3A_300] : memref<3840xf32, #tpu.memory_space<vmem>> -> memref<256xf32, #tpu.memory_space<vmem>>
      %dma_wait3A_302 = arith.constant 2048 : i32
      %dma_wait3A_303 = tpu.memref_slice %arg15[%dma_wait3A_302] : memref<3840xi32, #tpu.memory_space<vmem>> -> memref<256xi32, #tpu.memory_space<vmem>>
      %dma_wait3A_304 = arith.constant 0 : i32
      %dma_wait3A_305 = tpu.memref_slice %arg7[%dma_wait3A_304] : memref<61440xf32, #tpu.memory_space<vmem_shared>> -> memref<61440xf32, #tpu.memory_space<vmem_shared>>
      tpu.wait_indirect_dma semaphore(%arg20 : memref<!tpu.dma_semaphore, #tpu.memory_space<semaphore_mem>>) src(%dma_wait3A_305 : memref<61440xf32, #tpu.memory_space<vmem_shared>>) dst(%dma_wait3A_301 : memref<256xf32, #tpu.memory_space<vmem>>)
      %dma_wait3A_306 = arith.constant 2304 : i32
      %dma_wait3A_307 = tpu.memref_slice %arg18[%dma_wait3A_306] : memref<3840xf32, #tpu.memory_space<vmem>> -> memref<256xf32, #tpu.memory_space<vmem>>
      %dma_wait3A_308 = arith.constant 2304 : i32
      %dma_wait3A_309 = tpu.memref_slice %arg14[%dma_wait3A_308] : memref<3840xi32, #tpu.memory_space<vmem>> -> memref<256xi32, #tpu.memory_space<vmem>>
      %dma_wait3A_310 = arith.constant 0 : i32
      %dma_wait3A_311 = tpu.memref_slice %arg7[%dma_wait3A_310] : memref<61440xf32, #tpu.memory_space<vmem_shared>> -> memref<61440xf32, #tpu.memory_space<vmem_shared>>
      tpu.wait_indirect_dma semaphore(%arg20 : memref<!tpu.dma_semaphore, #tpu.memory_space<semaphore_mem>>) src(%dma_wait3A_311 : memref<61440xf32, #tpu.memory_space<vmem_shared>>) dst(%dma_wait3A_307 : memref<256xf32, #tpu.memory_space<vmem>>)
      %dma_wait3A_312 = arith.constant 2304 : i32
      %dma_wait3A_313 = tpu.memref_slice %arg19[%dma_wait3A_312] : memref<3840xf32, #tpu.memory_space<vmem>> -> memref<256xf32, #tpu.memory_space<vmem>>
      %dma_wait3A_314 = arith.constant 2304 : i32
      %dma_wait3A_315 = tpu.memref_slice %arg15[%dma_wait3A_314] : memref<3840xi32, #tpu.memory_space<vmem>> -> memref<256xi32, #tpu.memory_space<vmem>>
      %dma_wait3A_316 = arith.constant 0 : i32
      %dma_wait3A_317 = tpu.memref_slice %arg7[%dma_wait3A_316] : memref<61440xf32, #tpu.memory_space<vmem_shared>> -> memref<61440xf32, #tpu.memory_space<vmem_shared>>
      tpu.wait_indirect_dma semaphore(%arg20 : memref<!tpu.dma_semaphore, #tpu.memory_space<semaphore_mem>>) src(%dma_wait3A_317 : memref<61440xf32, #tpu.memory_space<vmem_shared>>) dst(%dma_wait3A_313 : memref<256xf32, #tpu.memory_space<vmem>>)
      %dma_wait3A_318 = arith.constant 2560 : i32
      %dma_wait3A_319 = tpu.memref_slice %arg18[%dma_wait3A_318] : memref<3840xf32, #tpu.memory_space<vmem>> -> memref<256xf32, #tpu.memory_space<vmem>>
      %dma_wait3A_320 = arith.constant 2560 : i32
      %dma_wait3A_321 = tpu.memref_slice %arg14[%dma_wait3A_320] : memref<3840xi32, #tpu.memory_space<vmem>> -> memref<256xi32, #tpu.memory_space<vmem>>
      %dma_wait3A_322 = arith.constant 0 : i32
      %dma_wait3A_323 = tpu.memref_slice %arg7[%dma_wait3A_322] : memref<61440xf32, #tpu.memory_space<vmem_shared>> -> memref<61440xf32, #tpu.memory_space<vmem_shared>>
      tpu.wait_indirect_dma semaphore(%arg20 : memref<!tpu.dma_semaphore, #tpu.memory_space<semaphore_mem>>) src(%dma_wait3A_323 : memref<61440xf32, #tpu.memory_space<vmem_shared>>) dst(%dma_wait3A_319 : memref<256xf32, #tpu.memory_space<vmem>>)
      %dma_wait3A_324 = arith.constant 2560 : i32
      %dma_wait3A_325 = tpu.memref_slice %arg19[%dma_wait3A_324] : memref<3840xf32, #tpu.memory_space<vmem>> -> memref<256xf32, #tpu.memory_space<vmem>>
      %dma_wait3A_326 = arith.constant 2560 : i32
      %dma_wait3A_327 = tpu.memref_slice %arg15[%dma_wait3A_326] : memref<3840xi32, #tpu.memory_space<vmem>> -> memref<256xi32, #tpu.memory_space<vmem>>
      %dma_wait3A_328 = arith.constant 0 : i32
      %dma_wait3A_329 = tpu.memref_slice %arg7[%dma_wait3A_328] : memref<61440xf32, #tpu.memory_space<vmem_shared>> -> memref<61440xf32, #tpu.memory_space<vmem_shared>>
      tpu.wait_indirect_dma semaphore(%arg20 : memref<!tpu.dma_semaphore, #tpu.memory_space<semaphore_mem>>) src(%dma_wait3A_329 : memref<61440xf32, #tpu.memory_space<vmem_shared>>) dst(%dma_wait3A_325 : memref<256xf32, #tpu.memory_space<vmem>>)
      %dma_wait3A_330 = arith.constant 2816 : i32
      %dma_wait3A_331 = tpu.memref_slice %arg18[%dma_wait3A_330] : memref<3840xf32, #tpu.memory_space<vmem>> -> memref<256xf32, #tpu.memory_space<vmem>>
      %dma_wait3A_332 = arith.constant 2816 : i32
      %dma_wait3A_333 = tpu.memref_slice %arg14[%dma_wait3A_332] : memref<3840xi32, #tpu.memory_space<vmem>> -> memref<256xi32, #tpu.memory_space<vmem>>
      %dma_wait3A_334 = arith.constant 0 : i32
      %dma_wait3A_335 = tpu.memref_slice %arg7[%dma_wait3A_334] : memref<61440xf32, #tpu.memory_space<vmem_shared>> -> memref<61440xf32, #tpu.memory_space<vmem_shared>>
      tpu.wait_indirect_dma semaphore(%arg20 : memref<!tpu.dma_semaphore, #tpu.memory_space<semaphore_mem>>) src(%dma_wait3A_335 : memref<61440xf32, #tpu.memory_space<vmem_shared>>) dst(%dma_wait3A_331 : memref<256xf32, #tpu.memory_space<vmem>>)
      %dma_wait3A_336 = arith.constant 2816 : i32
      %dma_wait3A_337 = tpu.memref_slice %arg19[%dma_wait3A_336] : memref<3840xf32, #tpu.memory_space<vmem>> -> memref<256xf32, #tpu.memory_space<vmem>>
      %dma_wait3A_338 = arith.constant 2816 : i32
      %dma_wait3A_339 = tpu.memref_slice %arg15[%dma_wait3A_338] : memref<3840xi32, #tpu.memory_space<vmem>> -> memref<256xi32, #tpu.memory_space<vmem>>
      %dma_wait3A_340 = arith.constant 0 : i32
      %dma_wait3A_341 = tpu.memref_slice %arg7[%dma_wait3A_340] : memref<61440xf32, #tpu.memory_space<vmem_shared>> -> memref<61440xf32, #tpu.memory_space<vmem_shared>>
      tpu.wait_indirect_dma semaphore(%arg20 : memref<!tpu.dma_semaphore, #tpu.memory_space<semaphore_mem>>) src(%dma_wait3A_341 : memref<61440xf32, #tpu.memory_space<vmem_shared>>) dst(%dma_wait3A_337 : memref<256xf32, #tpu.memory_space<vmem>>)
      %dma_wait3A_342 = arith.constant 3072 : i32
      %dma_wait3A_343 = tpu.memref_slice %arg18[%dma_wait3A_342] : memref<3840xf32, #tpu.memory_space<vmem>> -> memref<256xf32, #tpu.memory_space<vmem>>
      %dma_wait3A_344 = arith.constant 3072 : i32
      %dma_wait3A_345 = tpu.memref_slice %arg14[%dma_wait3A_344] : memref<3840xi32, #tpu.memory_space<vmem>> -> memref<256xi32, #tpu.memory_space<vmem>>
      %dma_wait3A_346 = arith.constant 0 : i32
      %dma_wait3A_347 = tpu.memref_slice %arg7[%dma_wait3A_346] : memref<61440xf32, #tpu.memory_space<vmem_shared>> -> memref<61440xf32, #tpu.memory_space<vmem_shared>>
      tpu.wait_indirect_dma semaphore(%arg20 : memref<!tpu.dma_semaphore, #tpu.memory_space<semaphore_mem>>) src(%dma_wait3A_347 : memref<61440xf32, #tpu.memory_space<vmem_shared>>) dst(%dma_wait3A_343 : memref<256xf32, #tpu.memory_space<vmem>>)
      %dma_wait3A_348 = arith.constant 3072 : i32
      %dma_wait3A_349 = tpu.memref_slice %arg19[%dma_wait3A_348] : memref<3840xf32, #tpu.memory_space<vmem>> -> memref<256xf32, #tpu.memory_space<vmem>>
      %dma_wait3A_350 = arith.constant 3072 : i32
      %dma_wait3A_351 = tpu.memref_slice %arg15[%dma_wait3A_350] : memref<3840xi32, #tpu.memory_space<vmem>> -> memref<256xi32, #tpu.memory_space<vmem>>
      %dma_wait3A_352 = arith.constant 0 : i32
      %dma_wait3A_353 = tpu.memref_slice %arg7[%dma_wait3A_352] : memref<61440xf32, #tpu.memory_space<vmem_shared>> -> memref<61440xf32, #tpu.memory_space<vmem_shared>>
      tpu.wait_indirect_dma semaphore(%arg20 : memref<!tpu.dma_semaphore, #tpu.memory_space<semaphore_mem>>) src(%dma_wait3A_353 : memref<61440xf32, #tpu.memory_space<vmem_shared>>) dst(%dma_wait3A_349 : memref<256xf32, #tpu.memory_space<vmem>>)
      %dma_wait3A_354 = arith.constant 3328 : i32
      %dma_wait3A_355 = tpu.memref_slice %arg18[%dma_wait3A_354] : memref<3840xf32, #tpu.memory_space<vmem>> -> memref<256xf32, #tpu.memory_space<vmem>>
      %dma_wait3A_356 = arith.constant 3328 : i32
      %dma_wait3A_357 = tpu.memref_slice %arg14[%dma_wait3A_356] : memref<3840xi32, #tpu.memory_space<vmem>> -> memref<256xi32, #tpu.memory_space<vmem>>
      %dma_wait3A_358 = arith.constant 0 : i32
      %dma_wait3A_359 = tpu.memref_slice %arg7[%dma_wait3A_358] : memref<61440xf32, #tpu.memory_space<vmem_shared>> -> memref<61440xf32, #tpu.memory_space<vmem_shared>>
      tpu.wait_indirect_dma semaphore(%arg20 : memref<!tpu.dma_semaphore, #tpu.memory_space<semaphore_mem>>) src(%dma_wait3A_359 : memref<61440xf32, #tpu.memory_space<vmem_shared>>) dst(%dma_wait3A_355 : memref<256xf32, #tpu.memory_space<vmem>>)
      %dma_wait3A_360 = arith.constant 3328 : i32
      %dma_wait3A_361 = tpu.memref_slice %arg19[%dma_wait3A_360] : memref<3840xf32, #tpu.memory_space<vmem>> -> memref<256xf32, #tpu.memory_space<vmem>>
      %dma_wait3A_362 = arith.constant 3328 : i32
      %dma_wait3A_363 = tpu.memref_slice %arg15[%dma_wait3A_362] : memref<3840xi32, #tpu.memory_space<vmem>> -> memref<256xi32, #tpu.memory_space<vmem>>
      %dma_wait3A_364 = arith.constant 0 : i32
      %dma_wait3A_365 = tpu.memref_slice %arg7[%dma_wait3A_364] : memref<61440xf32, #tpu.memory_space<vmem_shared>> -> memref<61440xf32, #tpu.memory_space<vmem_shared>>
      tpu.wait_indirect_dma semaphore(%arg20 : memref<!tpu.dma_semaphore, #tpu.memory_space<semaphore_mem>>) src(%dma_wait3A_365 : memref<61440xf32, #tpu.memory_space<vmem_shared>>) dst(%dma_wait3A_361 : memref<256xf32, #tpu.memory_space<vmem>>)
      %dma_wait3A_366 = arith.constant 3584 : i32
      %dma_wait3A_367 = tpu.memref_slice %arg18[%dma_wait3A_366] : memref<3840xf32, #tpu.memory_space<vmem>> -> memref<256xf32, #tpu.memory_space<vmem>>
      %dma_wait3A_368 = arith.constant 3584 : i32
      %dma_wait3A_369 = tpu.memref_slice %arg14[%dma_wait3A_368] : memref<3840xi32, #tpu.memory_space<vmem>> -> memref<256xi32, #tpu.memory_space<vmem>>
      %dma_wait3A_370 = arith.constant 0 : i32
      %dma_wait3A_371 = tpu.memref_slice %arg7[%dma_wait3A_370] : memref<61440xf32, #tpu.memory_space<vmem_shared>> -> memref<61440xf32, #tpu.memory_space<vmem_shared>>
      tpu.wait_indirect_dma semaphore(%arg20 : memref<!tpu.dma_semaphore, #tpu.memory_space<semaphore_mem>>) src(%dma_wait3A_371 : memref<61440xf32, #tpu.memory_space<vmem_shared>>) dst(%dma_wait3A_367 : memref<256xf32, #tpu.memory_space<vmem>>)
      %dma_wait3A_372 = arith.constant 3584 : i32
      %dma_wait3A_373 = tpu.memref_slice %arg19[%dma_wait3A_372] : memref<3840xf32, #tpu.memory_space<vmem>> -> memref<256xf32, #tpu.memory_space<vmem>>
      %dma_wait3A_374 = arith.constant 3584 : i32
      %dma_wait3A_375 = tpu.memref_slice %arg15[%dma_wait3A_374] : memref<3840xi32, #tpu.memory_space<vmem>> -> memref<256xi32, #tpu.memory_space<vmem>>
      %dma_wait3A_376 = arith.constant 0 : i32
      %dma_wait3A_377 = tpu.memref_slice %arg7[%dma_wait3A_376] : memref<61440xf32, #tpu.memory_space<vmem_shared>> -> memref<61440xf32, #tpu.memory_space<vmem_shared>>
      tpu.wait_indirect_dma semaphore(%arg20 : memref<!tpu.dma_semaphore, #tpu.memory_space<semaphore_mem>>) src(%dma_wait3A_377 : memref<61440xf32, #tpu.memory_space<vmem_shared>>) dst(%dma_wait3A_373 : memref<256xf32, #tpu.memory_space<vmem>>)
      %scan3A_378 = arith.constant 0 : i32
      %scan3A_379 = arith.constant 0 : i32
      %scan3A_380 = arith.constant 30 : i32
      %scan3A_381 = arith.addi %scan3A_379, %scan3A_380 : i32
      %scan3A_382 = arith.constant 1 : i32
      scf.for %scan3A_385 = %scan3A_379 to %scan3A_381 step %scan3A_382  : i32 {
        %mul3A_386 = arith.constant 128 : i32
        %mul3A_387 = arith.muli %mul3A_386, %scan3A_385 : i32
        %add3A = arith.constant 0 : i32
        %add3A_388 = arith.addi %mul3A_387, %add3A : i32
        %get3A = arith.index_cast %add3A_388 : i32 to index
        %get3A_389 = tpu.vector_load %arg18[%get3A] {strides = array<i32>} : memref<3840xf32, #tpu.memory_space<vmem>>, vector<16xf32>,
        %mul3A_390 = arith.constant 5.000000e-01 : f32
        %mul3A_391 = vector.broadcast %mul3A_390 : f32 to vector<16xf32>
        %mul3A_392 = arith.mulf %mul3A_391, %get3A_389 : vector<16xf32>
        %get3A_393 = arith.index_cast %add3A_388 : i32 to index
        %get3A_394 = tpu.vector_load %arg19[%get3A_393] {strides = array<i32>} : memref<3840xf32, #tpu.memory_space<vmem>>, vector<16xf32>,
        %mul3A_395 = arith.constant 5.000000e-01 : f32
        %mul3A_396 = vector.broadcast %mul3A_395 : f32 to vector<16xf32>
        %mul3A_397 = arith.mulf %mul3A_396, %get3A_394 : vector<16xf32>
        %add3A_398 = arith.addf %mul3A_392, %mul3A_397 : vector<16xf32>
        %get3A_399 = arith.index_cast %add3A_388 : i32 to index
        %get3A_400 = tpu.vector_load %arg16[%get3A_399] {strides = array<i32>} : memref<3840xf32, #tpu.memory_space<vmem>>, vector<16xf32>,
        %mul3A_401 = arith.mulf %add3A_398, %get3A_400 : vector<16xf32>
        %swap3A = arith.index_cast %add3A_388 : i32 to index
        %swap3A_402 = tpu.vector_load %arg17[%swap3A] {strides = array<i32>} : memref<3840xf32, #tpu.memory_space<vmem>>, vector<16xf32>,
        tpu.vector_store %arg17[%swap3A], %mul3A_401 {strides = array<i32>} : memref<3840xf32, #tpu.memory_space<vmem>>, vector<16xf32>,
        %mul3A_403 = arith.constant 128 : i32
        %mul3A_404 = arith.muli %mul3A_403, %scan3A_385 : i32
        %add3A_405 = arith.constant 16 : i32
        %add3A_406 = arith.addi %mul3A_404, %add3A_405 : i32
        %get3A_407 = arith.index_cast %add3A_406 : i32 to index
        %get3A_408 = tpu.vector_load %arg18[%get3A_407] {strides = array<i32>} : memref<3840xf32, #tpu.memory_space<vmem>>, vector<16xf32>,
        %mul3A_409 = arith.constant 5.000000e-01 : f32
        %mul3A_410 = vector.broadcast %mul3A_409 : f32 to vector<16xf32>
        %mul3A_411 = arith.mulf %mul3A_410, %get3A_408 : vector<16xf32>
        %get3A_412 = arith.index_cast %add3A_406 : i32 to index
        %get3A_413 = tpu.vector_load %arg19[%get3A_412] {strides = array<i32>} : memref<3840xf32, #tpu.memory_space<vmem>>, vector<16xf32>,
        %mul3A_414 = arith.constant 5.000000e-01 : f32
        %mul3A_415 = vector.broadcast %mul3A_414 : f32 to vector<16xf32>
        %mul3A_416 = arith.mulf %mul3A_415, %get3A_413 : vector<16xf32>
        %add3A_417 = arith.addf %mul3A_411, %mul3A_416 : vector<16xf32>
        %get3A_418 = arith.index_cast %add3A_406 : i32 to index
        %get3A_419 = tpu.vector_load %arg16[%get3A_418] {strides = array<i32>} : memref<3840xf32, #tpu.memory_space<vmem>>, vector<16xf32>,
        %mul3A_420 = arith.mulf %add3A_417, %get3A_419 : vector<16xf32>
        %swap3A_421 = arith.index_cast %add3A_406 : i32 to index
        %swap3A_422 = tpu.vector_load %arg17[%swap3A_421] {strides = array<i32>} : memref<3840xf32, #tpu.memory_space<vmem>>, vector<16xf32>,
        tpu.vector_store %arg17[%swap3A_421], %mul3A_420 {strides = array<i32>} : memref<3840xf32, #tpu.memory_space<vmem>>, vector<16xf32>,
        %mul3A_423 = arith.constant 128 : i32
        %mul3A_424 = arith.muli %mul3A_423, %scan3A_385 : i32
        %add3A_425 = arith.constant 32 : i32
        %add3A_426 = arith.addi %mul3A_424, %add3A_425 : i32
        %get3A_427 = arith.index_cast %add3A_426 : i32 to index
        %get3A_428 = tpu.vector_load %arg18[%get3A_427] {strides = array<i32>} : memref<3840xf32, #tpu.memory_space<vmem>>, vector<16xf32>,
        %mul3A_429 = arith.constant 5.000000e-01 : f32
        %mul3A_430 = vector.broadcast %mul3A_429 : f32 to vector<16xf32>
        %mul3A_431 = arith.mulf %mul3A_430, %get3A_428 : vector<16xf32>
        %get3A_432 = arith.index_cast %add3A_426 : i32 to index
        %get3A_433 = tpu.vector_load %arg19[%get3A_432] {strides = array<i32>} : memref<3840xf32, #tpu.memory_space<vmem>>, vector<16xf32>,
        %mul3A_434 = arith.constant 5.000000e-01 : f32
        %mul3A_435 = vector.broadcast %mul3A_434 : f32 to vector<16xf32>
        %mul3A_436 = arith.mulf %mul3A_435, %get3A_433 : vector<16xf32>
        %add3A_437 = arith.addf %mul3A_431, %mul3A_436 : vector<16xf32>
        %get3A_438 = arith.index_cast %add3A_426 : i32 to index
        %get3A_439 = tpu.vector_load %arg16[%get3A_438] {strides = array<i32>} : memref<3840xf32, #tpu.memory_space<vmem>>, vector<16xf32>,
        %mul3A_440 = arith.mulf %add3A_437, %get3A_439 : vector<16xf32>
        %swap3A_441 = arith.index_cast %add3A_426 : i32 to index
        %swap3A_442 = tpu.vector_load %arg17[%swap3A_441] {strides = array<i32>} : memref<3840xf32, #tpu.memory_space<vmem>>, vector<16xf32>,
        tpu.vector_store %arg17[%swap3A_441], %mul3A_440 {strides = array<i32>} : memref<3840xf32, #tpu.memory_space<vmem>>, vector<16xf32>,
        %mul3A_443 = arith.constant 128 : i32
        %mul3A_444 = arith.muli %mul3A_443, %scan3A_385 : i32
        %add3A_445 = arith.constant 48 : i32
        %add3A_446 = arith.addi %mul3A_444, %add3A_445 : i32
        %get3A_447 = arith.index_cast %add3A_446 : i32 to index
        %get3A_448 = tpu.vector_load %arg18[%get3A_447] {strides = array<i32>} : memref<3840xf32, #tpu.memory_space<vmem>>, vector<16xf32>,
        %mul3A_449 = arith.constant 5.000000e-01 : f32
        %mul3A_450 = vector.broadcast %mul3A_449 : f32 to vector<16xf32>
        %mul3A_451 = arith.mulf %mul3A_450, %get3A_448 : vector<16xf32>
        %get3A_452 = arith.index_cast %add3A_446 : i32 to index
        %get3A_453 = tpu.vector_load %arg19[%get3A_452] {strides = array<i32>} : memref<3840xf32, #tpu.memory_space<vmem>>, vector<16xf32>,
        %mul3A_454 = arith.constant 5.000000e-01 : f32
        %mul3A_455 = vector.broadcast %mul3A_454 : f32 to vector<16xf32>
        %mul3A_456 = arith.mulf %mul3A_455, %get3A_453 : vector<16xf32>
        %add3A_457 = arith.addf %mul3A_451, %mul3A_456 : vector<16xf32>
        %get3A_458 = arith.index_cast %add3A_446 : i32 to index
        %get3A_459 = tpu.vector_load %arg16[%get3A_458] {strides = array<i32>} : memref<3840xf32, #tpu.memory_space<vmem>>, vector<16xf32>,
        %mul3A_460 = arith.mulf %add3A_457, %get3A_459 : vector<16xf32>
        %swap3A_461 = arith.index_cast %add3A_446 : i32 to index
        %swap3A_462 = tpu.vector_load %arg17[%swap3A_461] {strides = array<i32>} : memref<3840xf32, #tpu.memory_space<vmem>>, vector<16xf32>,
        tpu.vector_store %arg17[%swap3A_461], %mul3A_460 {strides = array<i32>} : memref<3840xf32, #tpu.memory_space<vmem>>, vector<16xf32>,
        %mul3A_463 = arith.constant 128 : i32
        %mul3A_464 = arith.muli %mul3A_463, %scan3A_385 : i32
        %add3A_465 = arith.constant 64 : i32
        %add3A_466 = arith.addi %mul3A_464, %add3A_465 : i32
        %get3A_467 = arith.index_cast %add3A_466 : i32 to index
        %get3A_468 = tpu.vector_load %arg18[%get3A_467] {strides = array<i32>} : memref<3840xf32, #tpu.memory_space<vmem>>, vector<16xf32>,
        %mul3A_469 = arith.constant 5.000000e-01 : f32
        %mul3A_470 = vector.broadcast %mul3A_469 : f32 to vector<16xf32>
        %mul3A_471 = arith.mulf %mul3A_470, %get3A_468 : vector<16xf32>
        %get3A_472 = arith.index_cast %add3A_466 : i32 to index
        %get3A_473 = tpu.vector_load %arg19[%get3A_472] {strides = array<i32>} : memref<3840xf32, #tpu.memory_space<vmem>>, vector<16xf32>,
        %mul3A_474 = arith.constant 5.000000e-01 : f32
        %mul3A_475 = vector.broadcast %mul3A_474 : f32 to vector<16xf32>
        %mul3A_476 = arith.mulf %mul3A_475, %get3A_473 : vector<16xf32>
        %add3A_477 = arith.addf %mul3A_471, %mul3A_476 : vector<16xf32>
        %get3A_478 = arith.index_cast %add3A_466 : i32 to index
        %get3A_479 = tpu.vector_load %arg16[%get3A_478] {strides = array<i32>} : memref<3840xf32, #tpu.memory_space<vmem>>, vector<16xf32>,
        %mul3A_480 = arith.mulf %add3A_477, %get3A_479 : vector<16xf32>
        %swap3A_481 = arith.index_cast %add3A_466 : i32 to index
        %swap3A_482 = tpu.vector_load %arg17[%swap3A_481] {strides = array<i32>} : memref<3840xf32, #tpu.memory_space<vmem>>, vector<16xf32>,
        tpu.vector_store %arg17[%swap3A_481], %mul3A_480 {strides = array<i32>} : memref<3840xf32, #tpu.memory_space<vmem>>, vector<16xf32>,
        %mul3A_483 = arith.constant 128 : i32
        %mul3A_484 = arith.muli %mul3A_483, %scan3A_385 : i32
        %add3A_485 = arith.constant 80 : i32
        %add3A_486 = arith.addi %mul3A_484, %add3A_485 : i32
        %get3A_487 = arith.index_cast %add3A_486 : i32 to index
        %get3A_488 = tpu.vector_load %arg18[%get3A_487] {strides = array<i32>} : memref<3840xf32, #tpu.memory_space<vmem>>, vector<16xf32>,
        %mul3A_489 = arith.constant 5.000000e-01 : f32
        %mul3A_490 = vector.broadcast %mul3A_489 : f32 to vector<16xf32>
        %mul3A_491 = arith.mulf %mul3A_490, %get3A_488 : vector<16xf32>
        %get3A_492 = arith.index_cast %add3A_486 : i32 to index
        %get3A_493 = tpu.vector_load %arg19[%get3A_492] {strides = array<i32>} : memref<3840xf32, #tpu.memory_space<vmem>>, vector<16xf32>,
        %mul3A_494 = arith.constant 5.000000e-01 : f32
        %mul3A_495 = vector.broadcast %mul3A_494 : f32 to vector<16xf32>
        %mul3A_496 = arith.mulf %mul3A_495, %get3A_493 : vector<16xf32>
        %add3A_497 = arith.addf %mul3A_491, %mul3A_496 : vector<16xf32>
        %get3A_498 = arith.index_cast %add3A_486 : i32 to index
        %get3A_499 = tpu.vector_load %arg16[%get3A_498] {strides = array<i32>} : memref<3840xf32, #tpu.memory_space<vmem>>, vector<16xf32>,
        %mul3A_500 = arith.mulf %add3A_497, %get3A_499 : vector<16xf32>
        %swap3A_501 = arith.index_cast %add3A_486 : i32 to index
        %swap3A_502 = tpu.vector_load %arg17[%swap3A_501] {strides = array<i32>} : memref<3840xf32, #tpu.memory_space<vmem>>, vector<16xf32>,
        tpu.vector_store %arg17[%swap3A_501], %mul3A_500 {strides = array<i32>} : memref<3840xf32, #tpu.memory_space<vmem>>, vector<16xf32>,
        %mul3A_503 = arith.constant 128 : i32
        %mul3A_504 = arith.muli %mul3A_503, %scan3A_385 : i32
        %add3A_505 = arith.constant 96 : i32
        %add3A_506 = arith.addi %mul3A_504, %add3A_505 : i32
        %get3A_507 = arith.index_cast %add3A_506 : i32 to index
        %get3A_508 = tpu.vector_load %arg18[%get3A_507] {strides = array<i32>} : memref<3840xf32, #tpu.memory_space<vmem>>, vector<16xf32>,
        %mul3A_509 = arith.constant 5.000000e-01 : f32
        %mul3A_510 = vector.broadcast %mul3A_509 : f32 to vector<16xf32>
        %mul3A_511 = arith.mulf %mul3A_510, %get3A_508 : vector<16xf32>
        %get3A_512 = arith.index_cast %add3A_506 : i32 to index
        %get3A_513 = tpu.vector_load %arg19[%get3A_512] {strides = array<i32>} : memref<3840xf32, #tpu.memory_space<vmem>>, vector<16xf32>,
        %mul3A_514 = arith.constant 5.000000e-01 : f32
        %mul3A_515 = vector.broadcast %mul3A_514 : f32 to vector<16xf32>
        %mul3A_516 = arith.mulf %mul3A_515, %get3A_513 : vector<16xf32>
        %add3A_517 = arith.addf %mul3A_511, %mul3A_516 : vector<16xf32>
        %get3A_518 = arith.index_cast %add3A_506 : i32 to index
        %get3A_519 = tpu.vector_load %arg16[%get3A_518] {strides = array<i32>} : memref<3840xf32, #tpu.memory_space<vmem>>, vector<16xf32>,
        %mul3A_520 = arith.mulf %add3A_517, %get3A_519 : vector<16xf32>
        %swap3A_521 = arith.index_cast %add3A_506 : i32 to index
        %swap3A_522 = tpu.vector_load %arg17[%swap3A_521] {strides = array<i32>} : memref<3840xf32, #tpu.memory_space<vmem>>, vector<16xf32>,
        tpu.vector_store %arg17[%swap3A_521], %mul3A_520 {strides = array<i32>} : memref<3840xf32, #tpu.memory_space<vmem>>, vector<16xf32>,
        %mul3A_523 = arith.constant 128 : i32
        %mul3A_524 = arith.muli %mul3A_523, %scan3A_385 : i32
        %add3A_525 = arith.constant 112 : i32
        %add3A_526 = arith.addi %mul3A_524, %add3A_525 : i32
        %get3A_527 = arith.index_cast %add3A_526 : i32 to index
        %get3A_528 = tpu.vector_load %arg18[%get3A_527] {strides = array<i32>} : memref<3840xf32, #tpu.memory_space<vmem>>, vector<16xf32>,
        %mul3A_529 = arith.constant 5.000000e-01 : f32
        %mul3A_530 = vector.broadcast %mul3A_529 : f32 to vector<16xf32>
        %mul3A_531 = arith.mulf %mul3A_530, %get3A_528 : vector<16xf32>
        %get3A_532 = arith.index_cast %add3A_526 : i32 to index
        %get3A_533 = tpu.vector_load %arg19[%get3A_532] {strides = array<i32>} : memref<3840xf32, #tpu.memory_space<vmem>>, vector<16xf32>,
        %mul3A_534 = arith.constant 5.000000e-01 : f32
        %mul3A_535 = vector.broadcast %mul3A_534 : f32 to vector<16xf32>
        %mul3A_536 = arith.mulf %mul3A_535, %get3A_533 : vector<16xf32>
        %add3A_537 = arith.addf %mul3A_531, %mul3A_536 : vector<16xf32>
        %get3A_538 = arith.index_cast %add3A_526 : i32 to index
        %get3A_539 = tpu.vector_load %arg16[%get3A_538] {strides = array<i32>} : memref<3840xf32, #tpu.memory_space<vmem>>, vector<16xf32>,
        %mul3A_540 = arith.mulf %add3A_537, %get3A_539 : vector<16xf32>
        %swap3A_541 = arith.index_cast %add3A_526 : i32 to index
        %swap3A_542 = tpu.vector_load %arg17[%swap3A_541] {strides = array<i32>} : memref<3840xf32, #tpu.memory_space<vmem>>, vector<16xf32>,
        tpu.vector_store %arg17[%swap3A_541], %mul3A_540 {strides = array<i32>} : memref<3840xf32, #tpu.memory_space<vmem>>, vector<16xf32>,
      }
      %scan3A_383 = arith.constant 30 : i32
      %mul3A = arith.constant 3840 : i32
      %mul3A_384 = arith.muli %arg1, %mul3A : i32
      "tpu.region"() ({
        %run_scoped3A = tpu.sem_alloc : memref<!tpu.dma_semaphore, #tpu.memory_space<semaphore_mem>>
        %dma_start3A_385 = tpu.memref_slice %arg5[%mul3A_384] : memref<61440xf32, #tpu.memory_space<hbm>> -> memref<3840xf32, #tpu.memory_space<hbm>>
        %dma_start3A_386 = tpu.memref_slice %arg5[%mul3A_384] : memref<61440xf32, #tpu.memory_space<hbm>> -> memref<3840xf32, #tpu.memory_space<hbm>>
        tpu.enqueue_dma source(%arg17 : memref<3840xf32, #tpu.memory_space<vmem>>) target(%dma_start3A_386 : memref<3840xf32, #tpu.memory_space<hbm>>) target_semaphore(%run_scoped3A : memref<!tpu.dma_semaphore, #tpu.memory_space<semaphore_mem>>)
        %dma_wait3A_387 = tpu.memref_slice %arg5[%mul3A_384] : memref<61440xf32, #tpu.memory_space<hbm>> -> memref<3840xf32, #tpu.memory_space<hbm>>
        %dma_wait3A_388 = tpu.memref_slice %arg5[%mul3A_384] : memref<61440xf32, #tpu.memory_space<hbm>> -> memref<3840xf32, #tpu.memory_space<hbm>>
        tpu.wait_dma2 semaphore(%run_scoped3A : memref<!tpu.dma_semaphore, #tpu.memory_space<semaphore_mem>>) src(%arg17 : memref<3840xf32, #tpu.memory_space<vmem>>) dst(%dma_wait3A_388 : memref<3840xf32, #tpu.memory_space<hbm>>)
        tpu.yield
      }) : () -> ()
    } else {
    }
    return
  }
}

module attributes {stable_mosaic.version = 14 : i64} {
  func.func @_tc_body(%arg0: memref<480x128xf32, #tpu.memory_space<vmem>>, %arg1: memref<480x128xf32, #tpu.memory_space<vmem>>, %arg2: memref<480x128xf32, #tpu.memory_space<vmem>>, %arg3: memref<1x1xf32, #tpu.memory_space<smem>>, %arg4: memref<1x1xf32, #tpu.memory_space<smem>>) attributes {dimension_semantics = [], scalar_prefetch = 0 : i64, scratch_operands = 0 : i64, tpu.core_type = #tpu.core_type<tc>} {
    %get3A = arith.constant 0 : index
    %get3A_0 = arith.constant 0 : index
    %get3A_1 = vector.load %arg0[%get3A, %get3A_0] : memref<480x128xf32, #tpu.memory_space<vmem>>, vector<480x128xf32>
    %get3A_2 = arith.constant 0 : index
    %get3A_3 = arith.constant 0 : index
    %get3A_4 = vector.load %arg1[%get3A_2, %get3A_3] : memref<480x128xf32, #tpu.memory_space<vmem>>, vector<480x128xf32>
    %get3A_5 = arith.constant 0 : index
    %get3A_6 = arith.constant 0 : index
    %get3A_7 = vector.load %arg2[%get3A_5, %get3A_6] : memref<480x128xf32, #tpu.memory_space<vmem>>, vector<480x128xf32>
    %abs3A = math.absf %get3A_1 : vector<480x128xf32>
    %neg3A = arith.constant 0.000000e+00 : f32
    %neg3A_8 = vector.broadcast %neg3A : f32 to vector<480x128xf32>
    %neg3A_9 = arith.subf %neg3A_8, %abs3A : vector<480x128xf32>
    %exp3A = math.exp %neg3A_9 : vector<480x128xf32>
    %log1p3A = math.log1p %exp3A : vector<480x128xf32>
    %min3A = arith.constant 0.000000e+00 : f32
    %min3A_10 = vector.broadcast %min3A : f32 to vector<480x128xf32>
    %min3A_11 = arith.minimumf %get3A_1, %min3A_10 : vector<480x128xf32>
    %sub3A = arith.subf %min3A_11, %log1p3A : vector<480x128xf32>
    %neg3A_12 = arith.constant 0.000000e+00 : f32
    %neg3A_13 = vector.broadcast %neg3A_12 : f32 to vector<480x128xf32>
    %neg3A_14 = arith.subf %neg3A_13, %get3A_1 : vector<480x128xf32>
    %min3A_15 = arith.constant 0.000000e+00 : f32
    %min3A_16 = vector.broadcast %min3A_15 : f32 to vector<480x128xf32>
    %min3A_17 = arith.minimumf %neg3A_14, %min3A_16 : vector<480x128xf32>
    %sub3A_18 = arith.subf %min3A_17, %log1p3A : vector<480x128xf32>
    %mul3A = arith.mulf %get3A_4, %sub3A : vector<480x128xf32>
    %sub3A_19 = arith.constant 1.000000e+00 : f32
    %sub3A_20 = vector.broadcast %sub3A_19 : f32 to vector<480x128xf32>
    %sub3A_21 = arith.subf %sub3A_20, %get3A_4 : vector<480x128xf32>
    %mul3A_22 = arith.mulf %sub3A_21, %sub3A_18 : vector<480x128xf32>
    %add3A = arith.addf %mul3A, %mul3A_22 : vector<480x128xf32>
    %neg3A_23 = arith.constant 0.000000e+00 : f32
    %neg3A_24 = vector.broadcast %neg3A_23 : f32 to vector<480x128xf32>
    %neg3A_25 = arith.subf %neg3A_24, %add3A : vector<480x128xf32>
    %reduce_sum3A = vector.shape_cast %neg3A_25 : vector<480x128xf32> to vector<1x480x128xf32>
    %reduce_sum3A_26 = arith.constant dense<0.000000e+00> : vector<1xf32>
    %reduce_sum3A_27 = vector.multi_reduction <add>, %reduce_sum3A, %reduce_sum3A_26 [1, 2] : vector<1x480x128xf32> to vector<1xf32>
    %reduce_sum3A_28 = vector.shape_cast %reduce_sum3A_27 : vector<1xf32> to vector<1x1x1xf32>
    %reduce_sum3A_29 = vector.extract %reduce_sum3A_28[0, 0, 0] : f32 from vector<1x1x1xf32>
    %div3A = arith.constant 6.144000e+04 : f32
    %div3A_30 = arith.divf %reduce_sum3A_29, %div3A : f32
    %swap3A = arith.constant 0 : index
    %swap3A_31 = arith.constant 0 : index
    %swap3A_32 = memref.load %arg3[%swap3A, %swap3A_31] : memref<1x1xf32, #tpu.memory_space<smem>>
    memref.store %div3A_30, %arg3[%swap3A, %swap3A_31] : memref<1x1xf32, #tpu.memory_space<smem>>
    %sub3A_33 = arith.constant 1.000000e+00 : f32
    %sub3A_34 = vector.broadcast %sub3A_33 : f32 to vector<480x128xf32>
    %sub3A_35 = arith.subf %sub3A_34, %get3A_7 : vector<480x128xf32>
    %log3A = math.log %sub3A_35 : vector<480x128xf32>
    %reduce_sum3A_36 = vector.shape_cast %log3A : vector<480x128xf32> to vector<1x480x128xf32>
    %reduce_sum3A_37 = arith.constant dense<0.000000e+00> : vector<1xf32>
    %reduce_sum3A_38 = vector.multi_reduction <add>, %reduce_sum3A_36, %reduce_sum3A_37 [1, 2] : vector<1x480x128xf32> to vector<1xf32>
    %reduce_sum3A_39 = vector.shape_cast %reduce_sum3A_38 : vector<1xf32> to vector<1x1x1xf32>
    %reduce_sum3A_40 = vector.extract %reduce_sum3A_39[0, 0, 0] : f32 from vector<1x1x1xf32>
    %div3A_41 = arith.constant 6.144000e+04 : f32
    %div3A_42 = arith.divf %reduce_sum3A_40, %div3A_41 : f32
    %swap3A_43 = arith.constant 0 : index
    %swap3A_44 = arith.constant 0 : index
    %swap3A_45 = memref.load %arg4[%swap3A_43, %swap3A_44] : memref<1x1xf32, #tpu.memory_space<smem>>
    memref.store %div3A_42, %arg4[%swap3A_43, %swap3A_44] : memref<1x1xf32, #tpu.memory_space<smem>>
    return
  }
}

</mosaic_0001>

<sc_bundles>
// kernel: kernel.4.cloned.1.call-start
scs
__scs_entry_jumppad:
0x0: {  	(pc) =	sbr.rel $0x88, $3  }
0x1: {  	(tag) =	ssettag $0x0;
	lr =	simm.s32 $0x1  }
0x2: {  	[smem:$0x3F9D] =	sst lr;
	_ =	strace $0xD0000000  }
0x3: {  	_ = 	snop  }
0x4: {  	_ = 	snop  }
0x5: {  	_ = 	snop  }
0x6: {  	_ = 	snop  }
0x7: {  	_ = 	snop  }
__scs_overlays_trampoline_lowered:
0x8: {  	[smem:$0x3FAC] =	sst s0  }
0x9: {  	[smem:$0x3FAD] =	sst s1  }
0xa: {  	[smem:$0x3FAE] =	sst s2  }
0xb: {  	[smem:$0x3FAF] =	sst s3  }
0xc: {  	[smem:$0x3FB0] =	sst s4  }
0xd: {  	[smem:$0x3FB1] =	sst s5  }
0xe: {  	[smem:$0x3FB2] =	sst s6  }
0xf: {  	[smem:$0x3FB3] =	sst s7  }
0x10: {  	[smem:$0x3FB4] =	sst s8  }
0x11: {  	[smem:$0x3FB5] =	sst s9;
	s0 =	simm.s32 @!p0 $0x0  }
0x12: {  	s1 =	sld [smem:$0x3F9B];
	s0 =	simm.s32 @p0 $0x1  }
0x13: {  	[smem:$0x3FB6] =	sst s0;
	s0 =	simm.s32 @!p1 $0x0  }
0x14: {  	s2 =	sld [smem:$0x3F9A];
	s0 =	simm.s32 @p1 $0x1  }
0x15: {  	[smem:$0x3FB7] =	sst s0;
	s0 =	simm.s32 @!p2 $0x0  }
0x16: {  	s3 =	sld [smem:$0x3FDB];
	s0 =	simm.s32 @p2 $0x1  }
0x17: {  	s4 =	simm.s32 $0x1BF5;
	[smem:$0x3FB9] =	sst s0  }
0x18: {  	s0 =	sld [smem:$0x3F9C];
	_ =	swait.ge [sflag:s4], $0x0  }
0x19: {  	s7 =	sld [smem:$0x3F9D]  }
0x1a: {  	s8 =	sadd.s32 $0xFFFFE003, lr  }
0x1b: {  	s9 =	sadd.s32 $0xFFFFFEF7, lr;
	s5 =	simm.s32 $0xFFFFFFFF;
	p2 =	slt.u32 s8, $0xFFFFF086  }
0x1c: {  	p1 =	slt.u32 s9, $0xF7A;
	s5 =	simm.s32 @!p2 $0x0  }
0x1d: {  	s5 =	simm.s32 @p1 $0x1;
	p0 =	seq.s32 s7, s2  }
0x1e: {  	s7 =	smul.u32 @!p0 $0xF7A, s2;
	p2 =	seq.s32 @!p0 s5, $0x0  }
0x1f: {  	s9 =	smul.u32 $0xF7A, s1;
	s8 =	simm.s32 @!p0 $0x1BF5;
	p2 =	por !p2, p0  }
0x20: {  	[sflag:s8] =	ssyncset.s32 @!p0 $0xFFFFF086;
	s6 =	sadd.s32 @!p0 s3, s7;
	s7 =	simm.s32 @!p0 $0x108  }
0x21: {  	s3 =	sadd.s32 s3, s9;
	s6 =	sadd.s32 @!p0 $0x88, s6;
	s7 =	simm.s32 @p2 $0x1082  }
0x22: {  	[simem:s7], [sflag:s8] =	dma.local @!p0 [hbm:s6], $0xF7A  }
0x23: {  	s9 =	sor.u32 $0xD0000000, s2;
	s6 =	simm.s32 $0x108;
	_ =	swait.ge @!p0 [sflag:s8], $0x0  }
0x24: {  	s3 =	sadd.s32 $0x88, s3;
	s6 =	simm.s32 @!p1 $0x1082;
	[sflag:s4] =	ssyncset.s32 $0xFFFFF086  }
0x25: {  	[simem:s6], [sflag:s4] =	dma.local [hbm:s3], $0xF7A  }
0x26: {  	[smem:$0x3F9D] =	sst s1;
	(tag) =	ssettag s2;
	_ =	strace s9  }
0x27: {  	s1 =	sld [smem:$0x3FAD]  }
0x28: {  	s2 =	sld [smem:$0x3FAE]  }
0x29: {  	s4 =	sld [smem:$0x3FB0]  }
0x2a: {  	p0 =	seq.s32 s5, $0x0;
	s5 =	sld [smem:$0x3FB1]  }
0x2b: {  	s6 =	sld [smem:$0x3FB2]  }
0x2c: {  	s7 =	sld [smem:$0x3FB3]  }
0x2d: {  	s3 =	simm.s32 $0x108;
	s8 =	sld [smem:$0x3FB4]  }
0x2e: {  	s3 =	simm.s32 @!p0 $0x1082;
	s9 =	sld [smem:$0x3FB5]  }
0x2f: {  	lr =	sadd.s32 s0, s3;
	s0 =	sld [smem:$0x3FAC]  }
0x30: {  	s3 =	sld [smem:$0x3FAF]  }
0x31: {  	[smem:$0x3FB8] =	sst s10  }
0x32: {  	s10 =	sld [smem:$0x3FB6];
	_ =	sdelay $0x3  }
0x33: {  	p0 =	seq.s32 s10, $0x1;
	s10 =	sld [smem:$0x3FB8];
	_ =	sdelay $0x3  }
0x34: {  	[smem:$0x3FB8] =	sst s10  }
0x35: {  	s10 =	sld [smem:$0x3FB7];
	_ =	sdelay $0x3  }
0x36: {  	p1 =	seq.s32 s10, $0x1;
	s10 =	sld [smem:$0x3FB8];
	_ =	sdelay $0x3  }
0x37: {  	[smem:$0x3FB8] =	sst s10  }
0x38: {  	s10 =	sld [smem:$0x3FB9]  }
0x39: {  	_ = 	snop;
	(pc) =	sbr.ind lr, $3  }
0x3a: {  	_ = 	snop  }
0x3b: {  	_ = 	snop  }
0x3c: {  	p2 =	seq.s32 s10, $0x1;
	s10 =	sld [smem:$0x3FB8]  }
0x3d: {  	_ =	shalt  }
0x3e: {  	_ =	shalt  }
0x3f: {  	_ =	shalt  }
0x40: {  	_ =	shalt  }
0x41: {  	_ =	shalt  }
0x42: {  	_ =	shalt  }
0x43: {  	_ =	shalt  }
0x44: {  	_ =	shalt  }
0x45: {  	_ =	shalt  }
0x46: {  	_ =	shalt  }
0x47: {  	_ =	shalt  }
0x48: {  	_ =	shalt  }
0x49: {  	_ =	shalt  }
0x4a: {  	_ =	shalt  }
0x4b: {  	_ =	shalt  }
0x4c: {  	_ =	shalt  }
0x4d: {  	_ =	shalt  }
0x4e: {  	_ =	shalt  }
0x4f: {  	_ =	shalt  }
0x50: {  	_ =	shalt  }
0x51: {  	_ =	shalt  }
0x52: {  	_ =	shalt  }
0x53: {  	_ =	shalt  }
0x54: {  	_ =	shalt  }
0x55: {  	_ =	shalt  }
0x56: {  	_ =	shalt  }
0x57: {  	_ =	shalt  }
0x58: {  	_ =	shalt  }
0x59: {  	_ =	shalt  }
0x5a: {  	_ =	shalt  }
0x5b: {  	_ =	shalt  }
0x5c: {  	_ =	shalt  }
0x5d: {  	_ =	shalt  }
0x5e: {  	_ =	shalt  }
0x5f: {  	_ =	shalt  }
0x60: {  	_ =	shalt  }
0x61: {  	_ =	shalt  }
0x62: {  	_ =	shalt  }
0x63: {  	_ =	shalt  }
0x64: {  	_ =	shalt  }
0x65: {  	_ =	shalt  }
0x66: {  	_ =	shalt  }
0x67: {  	_ =	shalt  }
0x68: {  	_ =	shalt  }
0x69: {  	_ =	shalt  }
0x6a: {  	_ =	shalt  }
0x6b: {  	_ =	shalt  }
0x6c: {  	_ =	shalt  }
0x6d: {  	_ =	shalt  }
0x6e: {  	_ =	shalt  }
0x6f: {  	_ =	shalt  }
0x70: {  	_ =	shalt  }
0x71: {  	_ =	shalt  }
0x72: {  	_ =	shalt  }
0x73: {  	_ =	shalt  }
0x74: {  	_ =	shalt  }
0x75: {  	_ =	shalt  }
0x76: {  	_ =	shalt  }
0x77: {  	_ =	shalt  }
0x78: {  	_ =	shalt  }
0x79: {  	_ =	shalt  }
0x7a: {  	_ =	shalt  }
0x7b: {  	_ =	shalt  }
0x7c: {  	_ =	shalt  }
0x7d: {  	_ =	shalt  }
0x7e: {  	_ =	shalt  }
0x7f: {  	_ =	shalt  }
0x80: {  	_ =	shalt  }
0x81: {  	_ =	shalt  }
0x82: {  	_ =	shalt  }
0x83: {  	_ =	shalt  }
0x84: {  	_ =	shalt  }
0x85: {  	_ =	shalt  }
0x86: {  	_ =	shalt  }
0x87: {  	_ =	shalt  }
.Lfunc_end0:
.L_simem_size_0:
called_computation_lowered:
.L_overlay_start_0:
0x88: {  	s2 =	sld [smem:$0x3FD9]  }
0x89: {  	s3 =	sld [smem:$0x3FFE];
	_ =	sdelay $0x1  }
0x8a: {  	s1 =	srdreg.scid  }
0x8b: {  	s0 =	sand.u32 $0x1, s1  }
0x8c: {  	s17 =	sshll.u32 s0, $0xA;
	s2 =	sadd.s32 s3, s2  }
0x8d: {  	s2 =	sadd.s32 s2, s17  }
0x8e: {  	[smem:$0x3FC4] =	sst s2  }
0x8f: {  	_ = 	snop  }
0x90: {  	s2 =	sld [smem:$0x3FC9]  }
0x91: {  	s18 =	sld [smem:$0x3FC6];
	(tm) =	ssettm $0x1  }
0x92: {  	s4 =	sld [smem:$0x3FFB];
	_ =	sdelay $0x3  }
0x93: {  	_ =	strace s4  }
0x94: {  	s4 =	sld [smem:$0x3FFC];
	_ =	sdelay $0x3  }
0x95: {  	_ =	strace s4  }
0x96: {  	s4 =	sld [smem:$0x3FFD];
	_ =	sdelay $0x3  }
0x97: {  	_ =	strace s4  }
0x98: {  	_ =	strace $0x8FFFFFFF  }
0x99: {  	s19 =	sld [smem:$0x3FDB];
	_ =	sdelay $0x1  }
0x9a: {  	s5 =	simm.s32 $_scs_section_size  }
0x9b: {  	s6 =	simm.s32 $_size__tile_overlayer_lowered;
	s7 =	simm.s32 $_tile_overlayer_lowered  }
0x9c: {  	s22 =	simm.s32 $0x1BFF;
	s21 =	sshll.u32 s7, $0x1;
	s4 =	sadd.s32 s5, s19  }
0x9d: {  	s8 =	simm.s32 $0x0;
	s20 =	sshll.u32 s6, $0x1;
	s6 =	sadd.s32 s21, s4  }
0x9e: {  	[timem:s8], [sflag:s22] =	dma.local [hbm:s6], s20  }
0x9f: {  	_ =	swait.ge [sflag:s22], s20  }
0xa0: {  	s5 =	ssub.s32 $0x0, s20;
	[sflag:s22] =	ssyncset.done $0x0  }
0xa1: {  	[sflag:s22] =	ssyncadd.s32 s5;
	_ =	sdelay $0x1  }
0xa2: {  	s23 =	simm.s32 $0x1B8B  }
0xa3: {  	_ =	swait.ge [sflag:s23], $0x1  }
0xa4: {  	[sflag:s23] =	ssyncset.done $0x0  }
0xa5: {  	s25 =	simm.s32 $0x1B8E;
	s24 =	sld [smem:$0x3FFE];
	[sflag:s23] =	ssyncadd.s32 $0xFFFFFFFF  }
0xa6: {  	s26 =	simm.s32 $execute0_lowered;
	[smem:$0x3FD2] =	sst s25  }
0xa7: {  	s6 =	sshll.u32 s26, $0x1;
	_ =	strace $0x80000046;
	[dreg:$0x1] =	wrdreg $0xFFFFFFFF  }
0xa8: {  	s28 =	simm.s32 $_size_execute0_lowered;
	s4 =	sadd.s32 s4, s6;
	[dreg:$0x0] =	wrdreg $0x0  }
0xa9: {  	s6 =	sshll.u32 s28, $0x1;
	[dreg:$0x2] =	wrdreg s4  }
0xaa: {  	[dreg:$0x3] =	wrdreg s6  }
0xab: {  	[dreg:$0x4] =	wrdreg $0xC0  }
0xac: {  	_ =	task [dreg:s8], $0x5FFFF  }
0xad: {  	[dreg:$0x1] =	wrdreg $0xFFFFFFFF  }
0xae: {  	[dreg:$0x0] =	wrdreg $0x60  }
0xaf: {  	[dreg:$0x2] =	wrdreg s2  }
0xb0: {  	[dreg:$0x3] =	wrdreg s24  }
0xb1: {  	[dreg:$0x4] =	wrdreg s18  }
0xb2: {  	[dreg:$0x5] =	wrdreg $0xF4280  }
0xb3: {  	[dreg:$0x6] =	wrdreg $0x0  }
0xb4: {  	[dreg:$0x7] =	wrdreg $0x9  }
0xb5: {  	_ =	task.clear_ibuf [dreg:s8], $0x8FFFF;
	_ =	strace $0x90000046  }
0xb6: {  	s29 =	simm.s32 $0x9;
	_ =	strace $0x80000048  }
0xb7: {  	_ =	swait.ge [sflag:s29], $0x1  }
0xb8: {  	[sflag:s29] =	ssyncadd.s32 $0xFFFFFFFF  }
0xb9: {  	_ =	strace $0x90000048  }
0xba: {  	_ =	sfence  }
0xbb: {  	s30 =	sld [smem:$0x0];
	_ =	sdelay $0x2  }
0xbc: {  	s31 =	sshll.u32 s1, $0xD;
	s1 =	sshrl.u32 s1, $0x2  }
0xbd: {  	s3 =	sand.u32 $0x4000, s31;
	s1 =	sadd.s32 s1, s30  }
0xbe: {  	s0 =	sor.u32 s3, s0;
	s1 =	sshll.u32 s1, $0x11  }
0xbf: {  	s0 =	sor.u32 s1, s0  }
0xc0: {  	s0 =	sadd.s32 $0x8F2B, s0  }
0xc1: {  	[sflag:s0] =	ssyncadd.remote.s32 $0x1  }
0xc2: {  	_ =	sfence.sel $0xFFFF  }
0xc3: {  	[dreg:$0x0] =	wrdreg $0xFFFFFFFF;
	(pc) =	sbr.abs _section_cstart, $3  }
0xc4: {  	[dreg:$0x1] =	wrdreg $0xFFFFFFFF  }
0xc5: {  	_ =	task.clear_ibuf [dreg:s8], $0x2FFFF;
	_ =	strace $0x9FFFFFFF  }
0xc6: {  	(tm) =	ssettm $0x7FFFFFFF  }
0xc7: {  	_ =	shalt  }
tec
execute0_lowered:
.L_overlay_start_1:
0x0: {  	(tag) =	ssettag $0x1  }
0x1: {  	s7 =	rddreg [dreg:$0x0]  }
0x2: {  	s0 =	rddreg [dreg:$0x1]  }
0x3: {  	s1 =	rddreg [dreg:$0x2]  }
0x4: {  	s3 =	rddreg [dreg:$0x3]  }
0x5: {  	s4 =	rddreg [dreg:$0x4]  }
0x6: {  	s8 =	stileid.u32;
	s2 =	srdreg.scid  }
0x7: {  	s5 =	simm.s32 $0x0;
	s13 =	simm.s32 $0x3;
	s15 =	simm.s32 $0x100  }
0x8: {  	s17 =	simm.s32 $0x1;
	s24 =	simm.s32 $0x2;
	s9 =	smul.u32 $0xF00, s8  }
0x9: {  	s10 =	sand.u32 $0x1, s2;
	[smem:$0x7FF] =	sst s5;
	s26 =	sshll.u32 s8, $0x5  }
0xa: {  	s14 =	sshll.u32 s8, $0x8;
	s2 =	ssub.s32 $0x2, s10;
	_ =	strace $0x80000047  }
0xb: {  	s16 =	sor.u32 $0x10, s14;
	s19 =	sor.u32 $0x20, s14;
	s20 =	sor.u32 $0x30, s14  }
0xc: {  	s29 =	sor.u32 $0x40, s14;
	s30 =	sor.u32 $0x50, s14;
	s31 =	sor.u32 $0x60, s14  }
0xd: {  	s23 =	sor.u32 $0x80, s14;
	s28 =	sor.u32 $0x90, s14;
	s5 =	sor.u32 $0xB0, s14  }
0xe: {  	s18 =	sor.u32 $0xC0, s14;
	p0 =	sne.s32 s10, $0x0;
	s21 =	sor.u32 $0xE0, s14  }
0xf: {  	v0 =	vlaneseq.u32;
	s22 =	sor.u32 $0xF0, s14;
	s25 =	sshrl.u32 s9, $0x3;
	s6 =	sshrl.u32 s2, $0x1  }
0x10: {  	s9 =	sadd.s32 s9, s3;
	v3 =	vor.u32 s19, v0;
	s19 =	simm.s32 $0x10928;
	v4 =	vor.u32 s20, v0;
	s20 =	simm.s32 $0x14528  }
0x11: {  	v5 =	vor.u32 s29, v0;
	v6 =	vor.u32 s30, v0;
	v10 =	vor.u32 s28, v0;
	s28 =	simm.s32 $0x16128;
	s29 =	simm.s32 $0x11728;
	s30 =	simm.s32 $0x15328  }
0x12: {  	v7 =	vor.u32 s31, v0;
	s31 =	simm.s32 $0x12628;
	s11 =	sadd.s32 s25, s0;
	s12 =	ssub.s32 s2, s6  }
.Ltmp0:
0x13: {  	s6 =	sadd.s32 s7, s26;
	s7 =	sadd.s32 s1, s26;
	(pc) =	sbr.rel .LBB2_1-.Ltmp0, $4  }
0x14: {  	v1 =	vor.u32 s14, v0;
	s1 =	sor.u32 $0x70, s14;
	s2 =	sor.u32 $0xA0, s14;
	s0 =	sor.u32 $0xD0, s14  }
0x15: {  	v2 =	vor.u32 s16, v0;
	v9 =	vor.u32 s23, v0;
	v12 =	vor.u32 s5, v0;
	s25 =	simm.s32 $0x10628;
	s26 =	simm.s32 $0x10728;
	s8 =	sadd.s32 $0xA00, s11  }
0x16: {  	v13 =	vor.u32 s18, v0;
	v15 =	vor.u32 s21, v0;
	v16 =	vor.u32 s22, v0;
	s10 =	sadd.s32 $0x2800, s11;
	s11 =	smax.u32 s12, $0x1;
	s12 =	simm.s32 $0x10328  }
0x17: {  	v8 =	vor.u32 s1, v0;
	s1 =	simm.s32 $0x12528;
	v11 =	vor.u32 s2, v0;
	v14 =	vor.u32 s0, v0;
	s0 =	simm.s32 $0x16228;
	s2 =	simm.s32 $0x0  }
.LBB2_9:
0x18: {  	[bflag:$0x0] =	sbarrier.arrive $0xFFFF  }
.LBB2_10:
0x19: {  	s2 =	sadd.s32 $0x1, s2  }
0x1a: {  	p1 =	sne.s32 s2, s11  }
.Ltmp1:
0x1b: {  	_ = 	snop;
	(pc) =	sbr.rel @!p1 .LBB2_11-.Ltmp1, $1  }
0x1c: {  	_ =	sdelay $0x3  }
.LBB2_1:
.Ltmp2:
0x1d: {  	(pc) =	sbr.rel @p0 .LBB2_9-.Ltmp2, $1  }
0x1e: {  	_ =	sdelay $0x3  }
0x1f: {  	s5 =	simm.s32 $0x0  }
0x20: {  	[tilespmem:s12], [sflag:$0x3] =	stream.linear.gather [hbm4b:s6+s5], $0x100, $0x38;
	[tilespmem:$0x16328] =	vst v63  }
0x21: {  	_ =	swait.ge [sflag:s13], $0x100  }
0x22: {  	[sflag:s13] =	ssyncset.done $0x0  }
0x23: {  	s16 =	simm.s32 $0x10428;
	[sflag:s13] =	ssyncadd.s32 $0xFFFFFF00  }
0x24: {  	[tilespmem:s16], [sflag:$0x3] =	stream.linear.gather [hbm4b:s7+s5], $0x100, $0x38;
	[tilespmem:$0x16328] =	vst v63  }
0x25: {  	_ =	swait.ge [sflag:s13], $0x100  }
0x26: {  	[sflag:s13] =	ssyncset.done $0x0  }
0x27: {  	[sflag:s13] =	ssyncadd.s32 $0xFFFFFF00  }
0x28: {  	s18 =	simm.s32 $0x10528;
	s14 =	rddreg [dreg:$0x0]  }
0x29: {  	[tilespmem:s18], [sflag:$0x1] =	stream.indirect.gather [hbm4b:s14+s15], $0x1, s16, s15, $0xb8;
	[tilespmem:$0x16328] =	vst v63  }
0x2a: {  	_ =	swait.ge [sflag:s17], $0x100  }
0x2b: {  	[sflag:s17] =	ssyncset.done $0x0  }
0x2c: {  	s23 =	simm.s32 $0x12728;
	[sflag:s17] =	ssyncadd.s32 $0xFFFFFF00  }
0x2d: {  	[tilespmem:s23], [sflag:$0x3] =	stream.linear.gather [hbm4b:s8+s5], $0xF00, $0x38;
	[tilespmem:$0x16328] =	vst v63  }
0x2e: {  	_ =	swait.ge [sflag:s13], $0xF00  }
0x2f: {  	[sflag:s13] =	ssyncset.done $0x0  }
0x30: {  	[sflag:s13] =	ssyncadd.s32 $0xFFFFF100  }
0x31: {  	[tilespmem:$0x10828] =	vst v1  }
0x32: {  	[tilespmem:$0x10838] =	vst v2  }
0x33: {  	[tilespmem:$0x10848] =	vst v3  }
0x34: {  	[tilespmem:$0x10858] =	vst v4  }
0x35: {  	[tilespmem:$0x10868] =	vst v5  }
0x36: {  	[tilespmem:$0x10878] =	vst v6  }
0x37: {  	[tilespmem:$0x10888] =	vst v7  }
0x38: {  	[tilespmem:$0x10898] =	vst v8  }
0x39: {  	[tilespmem:$0x108A8] =	vst v9  }
0x3a: {  	[tilespmem:$0x108B8] =	vst v10  }
0x3b: {  	[tilespmem:$0x108C8] =	vst v11  }
0x3c: {  	[tilespmem:$0x108D8] =	vst v12  }
0x3d: {  	[tilespmem:$0x108E8] =	vst v13  }
0x3e: {  	[tilespmem:$0x108F8] =	vst v14  }
0x3f: {  	[tilespmem:$0x10908] =	vst v15  }
0x40: {  	s5 =	simm.s32 $0x0;
	[tilespmem:$0x10918] =	vst v16  }
0x41: {  	v17 =	vld [tilespmem:s5+$0x12728];
	_ =	sdelay $0x1  }
0x42: {  	v18 =	vld [tilespmem:s5+$0x12738]  }
0x43: {  	v19 =	vld [tilespmem:s5+$0x12748];
	_ =	sdelay $0x1  }
0x44: {  	v17 =	vsub.f32 $0.0e+00, v17  }
0x45: {  	v20 =	vld [tilespmem:s5+$0x12758]  }
0x46: {  	v22 =	vld [tilespmem:s5+$0x12778];
	v18 =	vsub.f32 $0.0e+00, v18;
	v17 =	vmul.f32 $1.442695020e+00, v17  }
0x47: {  	v21 =	vld [tilespmem:s5+$0x12768];
	v19 =	vsub.f32 $0.0e+00, v19  }
0x48: {  	v18 =	vmul.f32 $1.442695020e+00, v18;
	(erf) = vpow2.f32 v17  }
0x49: {  	v19 =	vmul.f32 $1.442695020e+00, v19;
	v17 =	vld [tilespmem:s5+$0x12788]  }
0x4a: {  	v23 =	vld [tilespmem:s5+$0x12798];
	(erf) = vpow2.f32 v18  }
0x4b: {  	v20 =	vsub.f32 $0.0e+00, v20;
	(erf) = vpow2.f32 v19;
	v19 =	vsub.f32 $0.0e+00, v22  }
0x4c: {  	v18 =	vsub.f32 $0.0e+00, v21  }
0x4d: {  	v20 =	vmul.f32 $1.442695020e+00, v20;
	v19 =	vmul.f32 $1.442695020e+00, v19  }
0x4e: {  	v18 =	vmul.f32 $1.442695020e+00, v18;
	v17 =	vsub.f32 $0.0e+00, v17  }
0x4f: {  	(erf) = vpow2.f32 v20;
	v20 =	vsub.f32 $0.0e+00, v23  }
0x50: {  	(erf) = vpow2.f32 v18;
	v17 =	vmul.f32 $1.442695020e+00, v17  }
0x51: {  	v18 =	vmul.f32 $1.442695020e+00, v20;
	(erf) = vpow2.f32 v19;
	v19 =	vpop (erf)  }
0x52: {  	(erf) = vpow2.f32 v17;
	v17 =	vadd.f32 $1.000000000e+00, v19;
	_ =	sdelay $0x2  }
0x53: {  	(erf) = vpow2.f32 v18;
	v18 =	vpop (erf)  }
0x54: {  	v18 =	vadd.f32 $1.000000000e+00, v18;
	(erf) = vrcp.f32 v17;
	v17 =	vpop (erf)  }
0x55: {  	v17 =	vadd.f32 $1.000000000e+00, v17;
	_ =	sdelay $0x2  }
0x56: {  	(erf) = vrcp.f32 v18;
	v18 =	vpop (erf)  }
0x57: {  	v18 =	vadd.f32 $1.000000000e+00, v18;
	(erf) = vrcp.f32 v17;
	v17 =	vpop (erf)  }
0x58: {  	v17 =	vadd.f32 $1.000000000e+00, v17;
	_ =	sdelay $0x1  }
0x59: {  	v19 =	vpop (erf)  }
0x5a: {  	(erf) = vrcp.f32 v18;
	v18 =	vpop (erf);
	v19 =	vadd.f32 $1.000000000e+00, v19  }
0x5b: {  	(erf) = vrcp.f32 v17;
	v17 =	vpop (erf)  }
0x5c: {  	v21 =	vpop (erf);
	(erf) = vrcp.f32 v19;
	_ =	sdelay $0x1  }
0x5d: {  	v18 =	vadd.f32 $1.000000000e+00, v18  }
0x5e: {  	v17 =	vadd.f32 $1.000000000e+00, v17  }
0x5f: {  	v22 =	vpop (erf);
	(erf) = vrcp.f32 v18  }
0x60: {  	v19 =	vmax.f32 v21, $9.999999740e-05;
	v23 =	vpop (erf);
	(erf) = vrcp.f32 v17  }
0x61: {  	v19 =	vmin.f32 v19, $9.998999830e-01;
	v18 =	vmax.f32 v22, $9.999999740e-05  }
0x62: {  	s18 =	simm.s32 $0x80;
	[tilespmem:s5+$0x12728] =	vst v19;
	v18 =	vmin.f32 v18, $9.998999830e-01;
	v17 =	vmax.f32 v23, $9.999999740e-05;
	v32 =	vpop (erf)  }
0x63: {  	v24 =	vld [tilespmem:s18+$0x12728];
	[tilespmem:s5+$0x12738] =	vst v18;
	v17 =	vmin.f32 v17, $9.998999830e-01;
	v18 =	vmax.f32 v32, $9.999999740e-05;
	v33 =	vpop (erf)  }
0x64: {  	v31 =	vld [tilespmem:s18+$0x12738];
	[tilespmem:s5+$0x12748] =	vst v17;
	v17 =	vmin.f32 v18, $9.998999830e-01;
	v18 =	vmax.f32 v33, $9.999999740e-05;
	v20 =	vpop (erf)  }
0x65: {  	v25 =	vld [tilespmem:s18+$0x12748];
	[tilespmem:s5+$0x12758] =	vst v17;
	v17 =	vmin.f32 v18, $9.998999830e-01;
	v18 =	vmax.f32 v20, $9.999999740e-05  }
0x66: {  	v18 =	vmin.f32 v18, $9.998999830e-01;
	_ =	sdelay $0x1  }
0x67: {  	v26 =	vld [tilespmem:s18+$0x12758];
	[tilespmem:s5+$0x12768] =	vst v17;
	v17 =	vpop (erf)  }
0x68: {  	v21 =	vmul.f32 $3.000000120e-01, v21;
	v27 =	vld [tilespmem:s18+$0x12768];
	v19 =	vmax.f32 v17, $9.999999740e-05;
	[tilespmem:s5+$0x12778] =	vst v18;
	v18 =	vpop (erf)  }
0x69: {  	v29 =	vmin.f32 v19, $9.998999830e-01;
	v19 =	vmul.f32 $3.000000120e-01, v22;
	v22 =	vmax.f32 v18, $9.999999740e-05  }
0x6a: {  	v23 =	vmul.f32 $3.000000120e-01, v23;
	v30 =	vsub.f32 $0.0e+00, v24;
	v28 =	vld [tilespmem:s18+$0x12778];
	[tilespmem:s5+$0x12788] =	vst v29;
	v34 =	vmin.f32 v22, $9.998999830e-01  }
0x6b: {  	s21 =	simm.s32 $0x400;
	v24 =	vmul.f32 $3.000000120e-01, v32;
	v31 =	vsub.f32 $0.0e+00, v31;
	v29 =	vld [tilespmem:s18+$0x12788];
	v22 =	vmul.f32 $3.000000120e-01, v33;
	[tilespmem:s5+$0x12798] =	vst v34  }
.LBB2_3:
0x6c: {  	p1 =	sne.s32 s21, $0x3A00;
	v30 =	vmul.f32 $1.442695020e+00, v30;
	v25 =	vsub.f32 $0.0e+00, v25;
	v32 =	vld [tilespmem:s18+$0x12798];
	[tilespmem:s5+$0x13628] =	vst v21  }
0x6d: {  	v21 =	vmul.f32 $1.442695020e+00, v31;
	v26 =	vsub.f32 $0.0e+00, v26;
	[tilespmem:s5+$0x13638] =	vst v19;
	v19 =	vmul.f32 $3.000000120e-01, v20  }
0x6e: {  	v20 =	vmul.f32 $1.442695020e+00, v25;
	v25 =	vsub.f32 $0.0e+00, v27;
	(erf) = vpow2.f32 v30;
	[tilespmem:s5+$0x13648] =	vst v23  }
0x6f: {  	v23 =	vmul.f32 $1.442695020e+00, v26;
	v26 =	vsub.f32 $0.0e+00, v28;
	(erf) = vpow2.f32 v21;
	[tilespmem:s5+$0x13658] =	vst v24  }
0x70: {  	v21 =	vmul.f32 $1.442695020e+00, v25;
	v24 =	vsub.f32 $0.0e+00, v29;
	(erf) = vpow2.f32 v20;
	[tilespmem:s5+$0x13668] =	vst v22  }
0x71: {  	v20 =	vmul.f32 $1.442695020e+00, v26;
	v22 =	vsub.f32 $0.0e+00, v32;
	(erf) = vpow2.f32 v23;
	[tilespmem:s5+$0x13678] =	vst v19  }
0x72: {  	v19 =	vmul.f32 $1.442695020e+00, v24;
	(erf) = vpow2.f32 v21  }
0x73: {  	v21 =	vmul.f32 $1.442695020e+00, v22;
	(erf) = vpow2.f32 v20  }
0x74: {  	(erf) = vpow2.f32 v19;
	v19 =	vmul.f32 $3.000000120e-01, v17  }
0x75: {  	v20 =	vmul.f32 $3.000000120e-01, v18;
	(erf) = vpow2.f32 v21  }
0x76: {  	[tilespmem:s5+$0x13688] =	vst v19  }
0x77: {  	v17 =	vpop (erf);
	[tilespmem:s5+$0x13698] =	vst v20;
	s5 =	smov.u32 s18  }
0x78: {  	v20 =	vadd.f32 $1.000000000e+00, v17;
	v18 =	vpop (erf)  }
0x79: {  	v21 =	vadd.f32 $1.000000000e+00, v18;
	v19 =	vpop (erf)  }
0x7a: {  	v22 =	vadd.f32 $1.000000000e+00, v19;
	(erf) = vrcp.f32 v20;
	v17 =	vpop (erf)  }
0x7b: {  	v20 =	vadd.f32 $1.000000000e+00, v17;
	(erf) = vrcp.f32 v21;
	v18 =	vpop (erf)  }
0x7c: {  	v21 =	vadd.f32 $1.000000000e+00, v18;
	(erf) = vrcp.f32 v22;
	v19 =	vpop (erf)  }
0x7d: {  	v19 =	vadd.f32 $1.000000000e+00, v19;
	(erf) = vrcp.f32 v20;
	v17 =	vpop (erf)  }
0x7e: {  	v17 =	vadd.f32 $1.000000000e+00, v17;
	(erf) = vrcp.f32 v21;
	v18 =	vpop (erf)  }
0x7f: {  	v18 =	vadd.f32 $1.000000000e+00, v18;
	(erf) = vrcp.f32 v19  }
0x80: {  	(erf) = vrcp.f32 v17  }
0x81: {  	(erf) = vrcp.f32 v18;
	_ =	sdelay $0x1  }
0x82: {  	v17 =	vpop (erf)  }
0x83: {  	v21 =	vmul.f32 $3.000000120e-01, v17;
	v17 =	vmax.f32 v17, $9.999999740e-05;
	v18 =	vpop (erf)  }
0x84: {  	v17 =	vmin.f32 v17, $9.998999830e-01;
	v19 =	vmul.f32 $3.000000120e-01, v18;
	v18 =	vmax.f32 v18, $9.999999740e-05;
	v22 =	vpop (erf)  }
0x85: {  	s18 =	sshra.s32 s21, $0x2;
	[tilespmem:s5+$0x12728] =	vst v17;
	v17 =	vmin.f32 v18, $9.998999830e-01;
	v18 =	vmax.f32 v22, $9.999999740e-05;
	v24 =	vpop (erf)  }
0x86: {  	v23 =	vld [tilespmem:s18+$0x12728];
	[tilespmem:s5+$0x12738] =	vst v17;
	v28 =	vmin.f32 v18, $9.998999830e-01;
	v18 =	vmax.f32 v24, $9.999999740e-05;
	v32 =	vpop (erf)  }
0x87: {  	v29 =	vld [tilespmem:s18+$0x12738];
	[tilespmem:s5+$0x12748] =	vst v28;
	v26 =	vmin.f32 v18, $9.998999830e-01;
	v33 =	vmax.f32 v32, $9.999999740e-05;
	v20 =	vpop (erf)  }
0x88: {  	v25 =	vld [tilespmem:s18+$0x12748]  }
.Ltmp3:
0x89: {  	[tilespmem:s5+$0x12758] =	vst v26;
	v31 =	vmin.f32 v33, $9.998999830e-01;
	v27 =	vmax.f32 v20, $9.999999740e-05;
	v17 =	vpop (erf);
	(pc) =	sbr.rel @p1 .LBB2_3-.Ltmp3, $4  }
0x8a: {  	v26 =	vld [tilespmem:s18+$0x12758];
	[tilespmem:s5+$0x12768] =	vst v31;
	v28 =	vmin.f32 v27, $9.998999830e-01;
	v30 =	vmax.f32 v17, $9.999999740e-05;
	v18 =	vpop (erf)  }
0x8b: {  	v27 =	vld [tilespmem:s18+$0x12768];
	[tilespmem:s5+$0x12778] =	vst v28;
	v31 =	vmin.f32 v30, $9.998999830e-01;
	v33 =	vmax.f32 v18, $9.999999740e-05  }
0x8c: {  	v30 =	vsub.f32 $0.0e+00, v23;
	v28 =	vld [tilespmem:s18+$0x12778];
	v23 =	vmul.f32 $3.000000120e-01, v22;
	[tilespmem:s5+$0x12788] =	vst v31;
	v33 =	vmin.f32 v33, $9.998999830e-01  }
0x8d: {  	s21 =	sadd.s32 $0x200, s21;
	v24 =	vmul.f32 $3.000000120e-01, v24;
	v22 =	vmul.f32 $3.000000120e-01, v32;
	v31 =	vsub.f32 $0.0e+00, v29;
	v29 =	vld [tilespmem:s18+$0x12788];
	[tilespmem:s5+$0x12798] =	vst v33  }
0x8e: {  	v30 =	vmul.f32 $1.442695020e+00, v30;
	v25 =	vsub.f32 $0.0e+00, v25;
	v32 =	vld [tilespmem:s18+$0x12798]  }
0x8f: {  	v31 =	vmul.f32 $1.442695020e+00, v31;
	v26 =	vsub.f32 $0.0e+00, v26  }
0x90: {  	v25 =	vmul.f32 $1.442695020e+00, v25;
	v27 =	vsub.f32 $0.0e+00, v27;
	(erf) = vpow2.f32 v30  }
0x91: {  	v26 =	vmul.f32 $1.442695020e+00, v26;
	v28 =	vsub.f32 $0.0e+00, v28;
	(erf) = vpow2.f32 v31  }
0x92: {  	v27 =	vmul.f32 $1.442695020e+00, v27;
	v29 =	vsub.f32 $0.0e+00, v29;
	(erf) = vpow2.f32 v25  }
0x93: {  	v49 =	vmul.f32 $1.442695020e+00, v28;
	v50 =	vsub.f32 $0.0e+00, v32;
	(erf) = vpow2.f32 v26  }
0x94: {  	v51 =	vmul.f32 $1.442695020e+00, v29;
	(erf) = vpow2.f32 v27  }
0x95: {  	v52 =	vmul.f32 $1.442695020e+00, v50;
	(erf) = vpow2.f32 v49  }
0x96: {  	(erf) = vpow2.f32 v51  }
0x97: {  	(erf) = vpow2.f32 v52;
	_ =	sdelay $0x1  }
0x98: {  	v53 =	vpop (erf)  }
0x99: {  	v25 =	vadd.f32 $1.000000000e+00, v53;
	v54 =	vpop (erf)  }
0x9a: {  	v55 =	vpop (erf)  }
0x9b: {  	v26 =	vadd.f32 $1.000000000e+00, v54;
	(erf) = vrcp.f32 v25;
	v56 =	vpop (erf)  }
0x9c: {  	v27 =	vadd.f32 $1.000000000e+00, v55;
	v57 =	vpop (erf)  }
0x9d: {  	v25 =	vadd.f32 $1.000000000e+00, v56;
	(erf) = vrcp.f32 v26;
	v58 =	vpop (erf)  }
0x9e: {  	(erf) = vrcp.f32 v27;
	v59 =	vpop (erf)  }
0x9f: {  	[tilespmem:s5+$0x13628] =	vst v21;
	v26 =	vadd.f32 $1.000000000e+00, v57;
	(erf) = vrcp.f32 v25;
	v60 =	vpop (erf)  }
0xa0: {  	[tilespmem:s5+$0x13638] =	vst v19;
	v27 =	vadd.f32 $1.000000000e+00, v58;
	v19 =	vadd.f32 $1.000000000e+00, v60  }
0xa1: {  	[tilespmem:s5+$0x13648] =	vst v23;
	v21 =	vadd.f32 $1.000000000e+00, v59;
	(erf) = vrcp.f32 v26  }
0xa2: {  	v20 =	vmul.f32 $3.000000120e-01, v20;
	[tilespmem:s5+$0x13658] =	vst v24;
	(erf) = vrcp.f32 v27  }
0xa3: {  	v17 =	vmul.f32 $3.000000120e-01, v17;
	[tilespmem:s5+$0x13668] =	vst v22;
	(erf) = vrcp.f32 v21  }
0xa4: {  	v18 =	vmul.f32 $3.000000120e-01, v18;
	[tilespmem:s5+$0x13678] =	vst v20;
	(erf) = vrcp.f32 v19;
	v19 =	vpop (erf)  }
0xa5: {  	[tilespmem:s5+$0x13688] =	vst v17;
	v17 =	vmax.f32 v19, $9.999999740e-05  }
0xa6: {  	[tilespmem:s5+$0x13698] =	vst v18;
	v20 =	vpop (erf);
	v19 =	vmul.f32 $3.000000120e-01, v19;
	v17 =	vmin.f32 v17, $9.998999830e-01  }
0xa7: {  	v18 =	vmax.f32 v20, $9.999999740e-05;
	v21 =	vpop (erf);
	[tilespmem:s18+$0x12728] =	vst v17  }
0xa8: {  	v17 =	vmin.f32 v18, $9.998999830e-01;
	v18 =	vmax.f32 v21, $9.999999740e-05;
	v22 =	vpop (erf);
	[tilespmem:s18+$0x13628] =	vst v19  }
0xa9: {  	[tilespmem:s18+$0x12738] =	vst v17;
	v17 =	vmin.f32 v18, $9.998999830e-01;
	v18 =	vmax.f32 v22, $9.999999740e-05  }
0xaa: {  	v23 =	vpop (erf);
	v19 =	vmul.f32 $3.000000120e-01, v22;
	[tilespmem:s18+$0x12748] =	vst v17;
	v17 =	vmin.f32 v18, $9.998999830e-01  }
0xab: {  	v18 =	vmax.f32 v23, $9.999999740e-05;
	v61 =	vpop (erf);
	[tilespmem:s18+$0x12758] =	vst v17  }
0xac: {  	v17 =	vmin.f32 v18, $9.998999830e-01;
	v18 =	vmax.f32 v61, $9.999999740e-05;
	v62 =	vpop (erf);
	[tilespmem:s18+$0x13658] =	vst v19  }
0xad: {  	[tilespmem:s18+$0x12768] =	vst v17;
	v17 =	vmin.f32 v18, $9.998999830e-01;
	v18 =	vmax.f32 v62, $9.999999740e-05;
	v63 =	vpop (erf)  }
0xae: {  	[tilespmem:s18+$0x12778] =	vst v17;
	v17 =	vmin.f32 v18, $9.998999830e-01;
	v18 =	vmax.f32 v63, $9.999999740e-05  }
0xaf: {  	[tilespmem:s18+$0x12788] =	vst v17;
	v17 =	vmin.f32 v18, $9.998999830e-01;
	v18 =	vmul.f32 $3.000000120e-01, v20  }
0xb0: {  	[tilespmem:s18+$0x12798] =	vst v17;
	v17 =	vmul.f32 $3.000000120e-01, v21  }
0xb1: {  	[tilespmem:s18+$0x13638] =	vst v18;
	v18 =	vmul.f32 $3.000000120e-01, v23  }
0xb2: {  	[tilespmem:s18+$0x13648] =	vst v17;
	v17 =	vmul.f32 $3.000000120e-01, v61  }
0xb3: {  	[tilespmem:s18+$0x13668] =	vst v18;
	v18 =	vmul.f32 $3.000000120e-01, v62  }
0xb4: {  	[tilespmem:s18+$0x13678] =	vst v17;
	v17 =	vmul.f32 $3.000000120e-01, v63  }
0xb5: {  	[tilespmem:s18+$0x13688] =	vst v18  }
0xb6: {  	s21 =	simm.s32 $0x13628;
	[tilespmem:s18+$0x13698] =	vst v17  }
0xb7: {  	[spmem:s9] =	stream.linear.scatter [tilespmem:s21], [sflag:$0x3], $0xF00, $0x38;
	[tilespmem:$0x16328] =	vst v63  }
0xb8: {  	_ =	swait.ge [sflag:s13], $0xF00  }
0xb9: {  	[sflag:s13] =	ssyncset.done $0x0  }
0xba: {  	s22 =	simm.s32 $0x80;
	s14 =	simm.s32 $0x10828;
	[sflag:s13] =	ssyncadd.s32 $0xFFFFF100  }
0xbb: {  	[spmem:s4] =	stream.indirect.scatter [tilespmem:s14], [sflag:$0x2], $0x1, s12, s22, $0xb8;
	[tilespmem:$0x16328] =	vst v63  }
0xbc: {  	s23 =	simm.s32 $0x103A8;
	s16 =	simm.s32 $0x108A8  }
0xbd: {  	[spmem:s4] =	stream.indirect.scatter [tilespmem:s16], [sflag:$0x2], $0x1, s23, s22, $0xb8;
	[tilespmem:$0x16328] =	vst v63  }
0xbe: {  	_ =	swait.ge [sflag:s24], $0x80  }
0xbf: {  	[sflag:s24] =	ssyncset.done $0x0  }
0xc0: {  	[sflag:s24] =	ssyncadd.s32 $0xFFFFFF80  }
0xc1: {  	_ =	swait.ge [sflag:s24], $0x80  }
0xc2: {  	[sflag:s24] =	ssyncset.done $0x0  }
0xc3: {  	[sflag:s24] =	ssyncadd.s32 $0xFFFFFF80  }
0xc4: {  	s14 =	simm.s32 $0x0;
	[bflag:$0x0] =	sbarrier.arrive $0xFFFF  }
0xc5: {  	[tilespmem:s25], [sflag:$0x1] =	stream.indirect.gather [spmem:s4], $0x1, s12, s15, $0xb8;
	[tilespmem:$0x16328] =	vst v63  }
0xc6: {  	v17 =	vor.u32 s14, v0;
	s16 =	simm.s32 $0x10528  }
0xc7: {  	v18 =	vmulhi.u32 $0x88888889, v17;
	[tilespmem:s26], [sflag:$0x1] =	stream.indirect.gather [spmem:s4], $0x1, s16, s15, $0xb8;
	[tilespmem:$0x16328] =	vst v63  }
0xc8: {  	_ =	swait.ge [sflag:s17], $0x100  }
0xc9: {  	v18 =	vshrl.u32 v18, $0x3;
	[sflag:s17] =	ssyncset.done $0x0  }
0xca: {  	[sflag:s17] =	ssyncadd.s32 $0xFFFFFF00  }
0xcb: {  	_ =	swait.ge [sflag:s17], $0x100  }
0xcc: {  	[sflag:s17] =	ssyncset.done $0x0  }
0xcd: {  	[sflag:s17] =	ssyncadd.s32 $0xFFFFFF00  }
0xce: {  	v19 =	vld.idx.msk [tilespmem:v18+s25+$0x0], $0xffff  }
0xcf: {  	s18 =	simm.s32 $0x10;
	v20 =	vld.idx.msk [tilespmem:v18+s26+$0x0], $0xffff  }
0xd0: {  	v21 =	vor.u32 s18, v0  }
0xd1: {  	v22 =	vmulhi.u32 $0x88888889, v21  }
0xd2: {  	v18 =	vmul.u32 $0xFFFFFFF1, v18  }
0xd3: {  	v22 =	vshrl.u32 v22, $0x3;
	v19 =	vmul.u32 $0xF, v19  }
0xd4: {  	v17 =	vadd.s32 v17, v18;
	v18 =	vmul.u32 $0xF, v20  }
0xd5: {  	s5 =	simm.s32 $0x10968;
	v19 =	vadd.s32 v17, v19  }
0xd6: {  	s18 =	simm.s32 $0x11868;
	v17 =	vadd.s32 v17, v18;
	[tilespmem:s5+$0xFFFFFFC0] =	vst v19  }
0xd7: {  	[tilespmem:s18+$0xFFFFFFC0] =	vst v17  }
0xd8: {  	v17 =	vld.idx.msk [tilespmem:v22+s25+$0x0], $0xffff  }
0xd9: {  	s21 =	simm.s32 $0x20;
	v18 =	vld.idx.msk [tilespmem:v22+s26+$0x0], $0xffff  }
0xda: {  	v19 =	vor.u32 s21, v0  }
0xdb: {  	v20 =	vmulhi.u32 $0x88888889, v19  }
0xdc: {  	v22 =	vmul.u32 $0xFFFFFFF1, v22  }
0xdd: {  	v20 =	vshrl.u32 v20, $0x3;
	v17 =	vmul.u32 $0xF, v17  }
0xde: {  	v21 =	vadd.s32 v21, v22;
	v18 =	vmul.u32 $0xF, v18  }
0xdf: {  	v17 =	vadd.s32 v21, v17  }
0xe0: {  	[tilespmem:s5+$0xFFFFFFD0] =	vst v17;
	v17 =	vadd.s32 v21, v18  }
0xe1: {  	[tilespmem:s18+$0xFFFFFFD0] =	vst v17  }
0xe2: {  	v17 =	vld.idx.msk [tilespmem:v20+s25+$0x0], $0xffff  }
0xe3: {  	s22 =	simm.s32 $0x30;
	v18 =	vld.idx.msk [tilespmem:v20+s26+$0x0], $0xffff  }
0xe4: {  	v21 =	vor.u32 s22, v0  }
0xe5: {  	v22 =	vmulhi.u32 $0x88888889, v21  }
0xe6: {  	v20 =	vmul.u32 $0xFFFFFFF1, v20  }
0xe7: {  	v22 =	vshrl.u32 v22, $0x3;
	v17 =	vmul.u32 $0xF, v17  }
0xe8: {  	v19 =	vadd.s32 v19, v20;
	v18 =	vmul.u32 $0xF, v18  }
0xe9: {  	v17 =	vadd.s32 v19, v17  }
0xea: {  	[tilespmem:s5+$0xFFFFFFE0] =	vst v17;
	v17 =	vadd.s32 v19, v18  }
0xeb: {  	[tilespmem:s18+$0xFFFFFFE0] =	vst v17  }
0xec: {  	v17 =	vld.idx.msk [tilespmem:v22+s25+$0x0], $0xffff  }
0xed: {  	s23 =	simm.s32 $0x40;
	v18 =	vld.idx.msk [tilespmem:v22+s26+$0x0], $0xffff  }
0xee: {  	v19 =	vor.u32 s23, v0  }
0xef: {  	v20 =	vmulhi.u32 $0x88888889, v19  }
0xf0: {  	v22 =	vmul.u32 $0xFFFFFFF1, v22  }
0xf1: {  	v20 =	vshrl.u32 v20, $0x3;
	v17 =	vmul.u32 $0xF, v17  }
0xf2: {  	v21 =	vadd.s32 v21, v22;
	v18 =	vmul.u32 $0xF, v18  }
0xf3: {  	v17 =	vadd.s32 v21, v17  }
0xf4: {  	[tilespmem:s5+$0xFFFFFFF0] =	vst v17;
	v17 =	vadd.s32 v21, v18  }
0xf5: {  	[tilespmem:s18+$0xFFFFFFF0] =	vst v17  }
0xf6: {  	v17 =	vld.idx.msk [tilespmem:v20+s25+$0x0], $0xffff  }
0xf7: {  	s16 =	simm.s32 $0x50;
	v18 =	vld.idx.msk [tilespmem:v20+s26+$0x0], $0xffff  }
0xf8: {  	v21 =	vor.u32 s16, v0  }
0xf9: {  	v22 =	vmulhi.u32 $0x88888889, v21  }
0xfa: {  	v20 =	vmul.u32 $0xFFFFFFF1, v20  }
0xfb: {  	v22 =	vshrl.u32 v22, $0x3;
	v17 =	vmul.u32 $0xF, v17  }
0xfc: {  	v19 =	vadd.s32 v19, v20;
	v18 =	vmul.u32 $0xF, v18  }
0xfd: {  	v17 =	vadd.s32 v19, v17  }
0xfe: {  	[tilespmem:s5+$0x0] =	vst v17;
	v17 =	vadd.s32 v19, v18  }
0xff: {  	[tilespmem:s18+$0x0] =	vst v17  }
0x100: {  	v17 =	vld.idx.msk [tilespmem:v22+s25+$0x0], $0xffff  }
0x101: {  	s21 =	simm.s32 $0x60;
	v18 =	vld.idx.msk [tilespmem:v22+s26+$0x0], $0xffff  }
0x102: {  	v19 =	vor.u32 s21, v0  }
0x103: {  	v20 =	vmulhi.u32 $0x88888889, v19  }
0x104: {  	v22 =	vmul.u32 $0xFFFFFFF1, v22  }
0x105: {  	v20 =	vshrl.u32 v20, $0x3;
	v17 =	vmul.u32 $0xF, v17  }
0x106: {  	v21 =	vadd.s32 v21, v22;
	v18 =	vmul.u32 $0xF, v18  }
0x107: {  	v17 =	vadd.s32 v21, v17  }
0x108: {  	[tilespmem:s5+$0x10] =	vst v17;
	v17 =	vadd.s32 v21, v18  }
0x109: {  	[tilespmem:s18+$0x10] =	vst v17  }
0x10a: {  	v17 =	vld.idx.msk [tilespmem:v20+s25+$0x0], $0xffff  }
0x10b: {  	s22 =	simm.s32 $0x70;
	v18 =	vld.idx.msk [tilespmem:v20+s26+$0x0], $0xffff  }
0x10c: {  	v21 =	vor.u32 s22, v0  }
0x10d: {  	v22 =	vmulhi.u32 $0x88888889, v21  }
0x10e: {  	v20 =	vmul.u32 $0xFFFFFFF1, v20  }
0x10f: {  	v22 =	vshrl.u32 v22, $0x3;
	v17 =	vmul.u32 $0xF, v17  }
0x110: {  	v19 =	vadd.s32 v19, v20;
	v18 =	vmul.u32 $0xF, v18  }
0x111: {  	v17 =	vadd.s32 v19, v17  }
0x112: {  	[tilespmem:s5+$0x20] =	vst v17;
	v17 =	vadd.s32 v19, v18  }
0x113: {  	[tilespmem:s18+$0x20] =	vst v17  }
0x114: {  	v18 =	vld.idx.msk [tilespmem:v22+s25+$0x0], $0xffff  }
0x115: {  	v19 =	vld.idx.msk [tilespmem:v22+s26+$0x0], $0xffff  }
0x116: {  	s23 =	simm.s32 $0x80  }
0x117: {  	v17 =	vor.u32 s23, v0  }
0x118: {  	v20 =	vmul.u32 $0xFFFFFFF1, v22;
	v22 =	vmulhi.u32 $0x88888889, v17  }
0x119: {  	v18 =	vmul.u32 $0xF, v18  }
0x11a: {  	v20 =	vadd.s32 v21, v20;
	v21 =	vmul.u32 $0xF, v19;
	v19 =	vshrl.u32 v22, $0x3  }
0x11b: {  	v22 =	vadd.s32 v20, v18  }
0x11c: {  	s14 =	simm.s32 $0x170;
	s21 =	simm.s32 $0xF0;
	v18 =	vmul.u32 $0xFFFFFFF1, v19;
	v20 =	vadd.s32 v20, v21;
	[tilespmem:s5+$0x30] =	vst v22  }
.LBB2_5:
0x11d: {  	s5 =	sadd.s32 $0x80, s5  }
0x11e: {  	[tilespmem:s18+$0x30] =	vst v20;
	s18 =	sadd.s32 $0x80, s18;
	s23 =	smov.u32 s14;
	s22 =	sadd.s32 $0x80, s14  }
0x11f: {  	p1 =	sne.s32 s14, $0xEF0;
	v20 =	vld.idx.msk [tilespmem:v19+s25+$0x0], $0xffff  }
0x120: {  	v19 =	vld.idx.msk [tilespmem:v19+s26+$0x0], $0xffff  }
0x121: {  	s14 =	sadd.s32 $0xFFFFFFA0, s21  }
0x122: {  	v21 =	vor.u32 s14, v0  }
0x123: {  	v22 =	vmulhi.u32 $0x88888889, v21;
	_ =	sdelay $0x1  }
0x124: {  	v22 =	vshrl.u32 v22, $0x3;
	v20 =	vmul.u32 $0xF, v20  }
0x125: {  	v17 =	vadd.s32 v17, v18;
	v18 =	vmul.u32 $0xF, v19;
	v19 =	vmul.u32 $0xFFFFFFF1, v22  }
0x126: {  	v20 =	vadd.s32 v17, v20  }
0x127: {  	v17 =	vadd.s32 v17, v18;
	[tilespmem:s5+$0xFFFFFFC0] =	vst v20  }
0x128: {  	[tilespmem:s18+$0xFFFFFFC0] =	vst v17  }
0x129: {  	v17 =	vld.idx.msk [tilespmem:v22+s25+$0x0], $0xffff  }
0x12a: {  	v18 =	vld.idx.msk [tilespmem:v22+s26+$0x0], $0xffff  }
0x12b: {  	s14 =	sadd.s32 $0xFFFFFFB0, s21  }
0x12c: {  	v20 =	vor.u32 s14, v0  }
0x12d: {  	v22 =	vmulhi.u32 $0x88888889, v20;
	_ =	sdelay $0x1  }
0x12e: {  	v22 =	vshrl.u32 v22, $0x3;
	v17 =	vmul.u32 $0xF, v17  }
0x12f: {  	v19 =	vadd.s32 v21, v19;
	v21 =	vmul.u32 $0xFFFFFFF1, v22;
	v18 =	vmul.u32 $0xF, v18  }
0x130: {  	v17 =	vadd.s32 v19, v17  }
0x131: {  	[tilespmem:s5+$0xFFFFFFD0] =	vst v17;
	v17 =	vadd.s32 v19, v18  }
0x132: {  	[tilespmem:s18+$0xFFFFFFD0] =	vst v17  }
0x133: {  	v17 =	vld.idx.msk [tilespmem:v22+s25+$0x0], $0xffff  }
0x134: {  	v18 =	vld.idx.msk [tilespmem:v22+s26+$0x0], $0xffff  }
0x135: {  	s14 =	sadd.s32 $0xFFFFFFC0, s21  }
0x136: {  	v19 =	vor.u32 s14, v0  }
0x137: {  	v22 =	vmulhi.u32 $0x88888889, v19;
	_ =	sdelay $0x1  }
0x138: {  	v22 =	vshrl.u32 v22, $0x3;
	v17 =	vmul.u32 $0xF, v17  }
0x139: {  	v20 =	vadd.s32 v20, v21;
	v21 =	vmul.u32 $0xFFFFFFF1, v22;
	v18 =	vmul.u32 $0xF, v18  }
0x13a: {  	v17 =	vadd.s32 v20, v17  }
0x13b: {  	[tilespmem:s5+$0xFFFFFFE0] =	vst v17;
	v17 =	vadd.s32 v20, v18  }
0x13c: {  	[tilespmem:s18+$0xFFFFFFE0] =	vst v17  }
0x13d: {  	v17 =	vld.idx.msk [tilespmem:v22+s25+$0x0], $0xffff  }
0x13e: {  	v18 =	vld.idx.msk [tilespmem:v22+s26+$0x0], $0xffff  }
0x13f: {  	s14 =	sadd.s32 $0xFFFFFFD0, s21  }
0x140: {  	v20 =	vor.u32 s14, v0  }
0x141: {  	v22 =	vmulhi.u32 $0x88888889, v20;
	_ =	sdelay $0x1  }
0x142: {  	v22 =	vshrl.u32 v22, $0x3;
	v17 =	vmul.u32 $0xF, v17  }
0x143: {  	v19 =	vadd.s32 v19, v21;
	v21 =	vmul.u32 $0xFFFFFFF1, v22;
	v18 =	vmul.u32 $0xF, v18  }
0x144: {  	v17 =	vadd.s32 v19, v17  }
0x145: {  	[tilespmem:s5+$0xFFFFFFF0] =	vst v17;
	v17 =	vadd.s32 v19, v18  }
0x146: {  	[tilespmem:s18+$0xFFFFFFF0] =	vst v17  }
0x147: {  	v17 =	vld.idx.msk [tilespmem:v22+s25+$0x0], $0xffff  }
0x148: {  	v18 =	vld.idx.msk [tilespmem:v22+s26+$0x0], $0xffff  }
0x149: {  	s14 =	sadd.s32 $0xFFFFFFE0, s21  }
0x14a: {  	v19 =	vor.u32 s14, v0  }
0x14b: {  	v22 =	vmulhi.u32 $0x88888889, v19;
	_ =	sdelay $0x1  }
0x14c: {  	v22 =	vshrl.u32 v22, $0x3;
	v17 =	vmul.u32 $0xF, v17  }
0x14d: {  	v20 =	vadd.s32 v20, v21;
	v21 =	vmul.u32 $0xFFFFFFF1, v22;
	v18 =	vmul.u32 $0xF, v18  }
0x14e: {  	v17 =	vadd.s32 v20, v17  }
0x14f: {  	[tilespmem:s5+$0x0] =	vst v17;
	v17 =	vadd.s32 v20, v18  }
0x150: {  	[tilespmem:s18+$0x0] =	vst v17  }
0x151: {  	v17 =	vld.idx.msk [tilespmem:v22+s25+$0x0], $0xffff  }
0x152: {  	v18 =	vld.idx.msk [tilespmem:v22+s26+$0x0], $0xffff  }
0x153: {  	s14 =	sadd.s32 $0xFFFFFFF0, s21  }
0x154: {  	v20 =	vor.u32 s14, v0  }
0x155: {  	v22 =	vmulhi.u32 $0x88888889, v20;
	_ =	sdelay $0x1  }
0x156: {  	v22 =	vshrl.u32 v22, $0x3;
	v17 =	vmul.u32 $0xF, v17  }
0x157: {  	v19 =	vadd.s32 v19, v21;
	v21 =	vmul.u32 $0xFFFFFFF1, v22;
	v18 =	vmul.u32 $0xF, v18  }
0x158: {  	v17 =	vadd.s32 v19, v17  }
0x159: {  	[tilespmem:s5+$0x10] =	vst v17;
	v17 =	vadd.s32 v19, v18  }
0x15a: {  	[tilespmem:s18+$0x10] =	vst v17  }
0x15b: {  	v17 =	vld.idx.msk [tilespmem:v22+s25+$0x0], $0xffff  }
0x15c: {  	v18 =	vld.idx.msk [tilespmem:v22+s26+$0x0], $0xffff;
	_ =	sdelay $0x1  }
0x15d: {  	v22 =	vor.u32 s21, v0;
	s21 =	smov.u32 s23  }
0x15e: {  	v19 =	vmulhi.u32 $0x88888889, v22;
	_ =	sdelay $0x1  }
0x15f: {  	v19 =	vshrl.u32 v19, $0x3;
	v17 =	vmul.u32 $0xF, v17  }
0x160: {  	v20 =	vadd.s32 v20, v21;
	v21 =	vmul.u32 $0xFFFFFFF1, v19;
	v18 =	vmul.u32 $0xF, v18  }
0x161: {  	v17 =	vadd.s32 v20, v17  }
0x162: {  	[tilespmem:s5+$0x20] =	vst v17;
	v17 =	vadd.s32 v20, v18  }
0x163: {  	[tilespmem:s18+$0x20] =	vst v17  }
0x164: {  	v18 =	vld.idx.msk [tilespmem:v19+s25+$0x0], $0xffff  }
0x165: {  	v20 =	vld.idx.msk [tilespmem:v19+s26+$0x0], $0xffff  }
0x166: {  	s14 =	sadd.s32 $0xFFFFFF90, s21  }
0x167: {  	v17 =	vor.u32 s14, v0  }
0x168: {  	v19 =	vmulhi.u32 $0x88888889, v17  }
.Ltmp4:
0x169: {  	(pc) =	sbr.rel @p1 .LBB2_5-.Ltmp4, $4  }
0x16a: {  	v19 =	vshrl.u32 v19, $0x3;
	v23 =	vmul.u32 $0xF, v18  }
0x16b: {  	v21 =	vadd.s32 v22, v21;
	v18 =	vmul.u32 $0xFFFFFFF1, v19;
	v20 =	vmul.u32 $0xF, v20  }
0x16c: {  	v22 =	vadd.s32 v21, v23  }
0x16d: {  	s14 =	smov.u32 s22;
	v20 =	vadd.s32 v21, v20;
	[tilespmem:s5+$0x30] =	vst v22  }
0x16e: {  	_ =	sdelay $0x2  }
0x16f: {  	[tilespmem:s18+$0x30] =	vst v20  }
0x170: {  	v20 =	vld.idx.msk [tilespmem:v19+s25+$0x0], $0xffff  }
0x171: {  	s14 =	sadd.s32 $0xFFFFFFA0, s21;
	v19 =	vld.idx.msk [tilespmem:v19+s26+$0x0], $0xffff  }
0x172: {  	v21 =	vor.u32 s14, v0  }
0x173: {  	v22 =	vmulhi.u32 $0x88888889, v21;
	_ =	sdelay $0x1  }
0x174: {  	v22 =	vshrl.u32 v22, $0x3;
	v20 =	vmul.u32 $0xF, v20  }
0x175: {  	v17 =	vadd.s32 v17, v18;
	v18 =	vmul.u32 $0xF, v19  }
0x176: {  	s5 =	sadd.s32 $0x80, s5;
	v19 =	vadd.s32 v17, v20  }
0x177: {  	s18 =	sadd.s32 $0x80, s18;
	v17 =	vadd.s32 v17, v18;
	[tilespmem:s5+$0xFFFFFFC0] =	vst v19  }
0x178: {  	[tilespmem:s18+$0xFFFFFFC0] =	vst v17  }
0x179: {  	v17 =	vld.idx.msk [tilespmem:v22+s25+$0x0], $0xffff  }
0x17a: {  	s23 =	sadd.s32 $0xFFFFFFB0, s21;
	v18 =	vld.idx.msk [tilespmem:v22+s26+$0x0], $0xffff  }
0x17b: {  	v19 =	vor.u32 s23, v0  }
0x17c: {  	v20 =	vmulhi.u32 $0x88888889, v19  }
0x17d: {  	v22 =	vmul.u32 $0xFFFFFFF1, v22  }
0x17e: {  	v20 =	vshrl.u32 v20, $0x3;
	v17 =	vmul.u32 $0xF, v17  }
0x17f: {  	v21 =	vadd.s32 v21, v22;
	v18 =	vmul.u32 $0xF, v18  }
0x180: {  	v17 =	vadd.s32 v21, v17  }
0x181: {  	[tilespmem:s5+$0xFFFFFFD0] =	vst v17;
	v17 =	vadd.s32 v21, v18  }
0x182: {  	[tilespmem:s18+$0xFFFFFFD0] =	vst v17  }
0x183: {  	v17 =	vld.idx.msk [tilespmem:v20+s25+$0x0], $0xffff  }
0x184: {  	s16 =	sadd.s32 $0xFFFFFFC0, s21;
	v18 =	vld.idx.msk [tilespmem:v20+s26+$0x0], $0xffff  }
0x185: {  	v21 =	vor.u32 s16, v0  }
0x186: {  	v22 =	vmulhi.u32 $0x88888889, v21  }
0x187: {  	v20 =	vmul.u32 $0xFFFFFFF1, v20  }
0x188: {  	v22 =	vshrl.u32 v22, $0x3;
	v17 =	vmul.u32 $0xF, v17  }
0x189: {  	v19 =	vadd.s32 v19, v20;
	v18 =	vmul.u32 $0xF, v18  }
0x18a: {  	v17 =	vadd.s32 v19, v17  }
0x18b: {  	[tilespmem:s5+$0xFFFFFFE0] =	vst v17;
	v17 =	vadd.s32 v19, v18  }
0x18c: {  	[tilespmem:s18+$0xFFFFFFE0] =	vst v17  }
0x18d: {  	v17 =	vld.idx.msk [tilespmem:v22+s25+$0x0], $0xffff  }
0x18e: {  	s22 =	sadd.s32 $0xFFFFFFD0, s21;
	v18 =	vld.idx.msk [tilespmem:v22+s26+$0x0], $0xffff  }
0x18f: {  	v19 =	vor.u32 s22, v0  }
0x190: {  	v20 =	vmulhi.u32 $0x88888889, v19  }
0x191: {  	v22 =	vmul.u32 $0xFFFFFFF1, v22  }
0x192: {  	v20 =	vshrl.u32 v20, $0x3;
	v17 =	vmul.u32 $0xF, v17  }
0x193: {  	v21 =	vadd.s32 v21, v22;
	v18 =	vmul.u32 $0xF, v18  }
0x194: {  	v17 =	vadd.s32 v21, v17  }
0x195: {  	[tilespmem:s5+$0xFFFFFFF0] =	vst v17;
	v17 =	vadd.s32 v21, v18  }
0x196: {  	[tilespmem:s18+$0xFFFFFFF0] =	vst v17  }
0x197: {  	v17 =	vld.idx.msk [tilespmem:v20+s25+$0x0], $0xffff  }
0x198: {  	s23 =	sadd.s32 $0xFFFFFFE0, s21;
	v18 =	vld.idx.msk [tilespmem:v20+s26+$0x0], $0xffff  }
0x199: {  	v21 =	vor.u32 s23, v0  }
0x19a: {  	v22 =	vmulhi.u32 $0x88888889, v21  }
0x19b: {  	v20 =	vmul.u32 $0xFFFFFFF1, v20  }
0x19c: {  	v22 =	vshrl.u32 v22, $0x3;
	v17 =	vmul.u32 $0xF, v17  }
0x19d: {  	v19 =	vadd.s32 v19, v20;
	v18 =	vmul.u32 $0xF, v18  }
0x19e: {  	v17 =	vadd.s32 v19, v17  }
0x19f: {  	[tilespmem:s5+$0x0] =	vst v17;
	v17 =	vadd.s32 v19, v18  }
0x1a0: {  	[tilespmem:s18+$0x0] =	vst v17  }
0x1a1: {  	v17 =	vld.idx.msk [tilespmem:v22+s25+$0x0], $0xffff  }
0x1a2: {  	s16 =	sadd.s32 $0xFFFFFFF0, s21;
	v18 =	vld.idx.msk [tilespmem:v22+s26+$0x0], $0xffff  }
0x1a3: {  	v19 =	vor.u32 s16, v0  }
0x1a4: {  	v20 =	vmulhi.u32 $0x88888889, v19  }
0x1a5: {  	v22 =	vmul.u32 $0xFFFFFFF1, v22  }
0x1a6: {  	v20 =	vshrl.u32 v20, $0x3;
	v17 =	vmul.u32 $0xF, v17  }
0x1a7: {  	v21 =	vadd.s32 v21, v22;
	v18 =	vmul.u32 $0xF, v18  }
0x1a8: {  	v17 =	vadd.s32 v21, v17  }
0x1a9: {  	[tilespmem:s5+$0x10] =	vst v17;
	v17 =	vadd.s32 v21, v18  }
0x1aa: {  	[tilespmem:s18+$0x10] =	vst v17  }
0x1ab: {  	v17 =	vld.idx.msk [tilespmem:v20+s25+$0x0], $0xffff  }
0x1ac: {  	v18 =	vld.idx.msk [tilespmem:v20+s26+$0x0], $0xffff  }
0x1ad: {  	v21 =	vor.u32 s21, v0  }
0x1ae: {  	v22 =	vmulhi.u32 $0x88888889, v21  }
0x1af: {  	v20 =	vmul.u32 $0xFFFFFFF1, v20  }
0x1b0: {  	v22 =	vshrl.u32 v22, $0x3;
	v17 =	vmul.u32 $0xF, v17  }
0x1b1: {  	v19 =	vadd.s32 v19, v20;
	v18 =	vmul.u32 $0xF, v18  }
0x1b2: {  	v17 =	vadd.s32 v19, v17  }
0x1b3: {  	[tilespmem:s5+$0x20] =	vst v17;
	v17 =	vadd.s32 v19, v18  }
0x1b4: {  	[tilespmem:s18+$0x20] =	vst v17  }
0x1b5: {  	v17 =	vld.idx.msk [tilespmem:v22+s25+$0x0], $0xffff  }
0x1b6: {  	v18 =	vld.idx.msk [tilespmem:v22+s26+$0x0], $0xffff;
	_ =	sdelay $0x2  }
0x1b7: {  	v19 =	vmul.u32 $0xFFFFFFF1, v22  }
0x1b8: {  	v17 =	vmul.u32 $0xF, v17  }
0x1b9: {  	v19 =	vadd.s32 v21, v19;
	v18 =	vmul.u32 $0xF, v18  }
0x1ba: {  	v17 =	vadd.s32 v19, v17  }
0x1bb: {  	[tilespmem:s5+$0x30] =	vst v17;
	v17 =	vadd.s32 v19, v18  }
0x1bc: {  	[tilespmem:s18+$0x30] =	vst v17  }
0x1bd: {  	[tilespmem:s20], [sflag:$0x1] =	stream.indirect.gather [spmem:s3], $0x1, s19, s15, $0xb8;
	[tilespmem:$0x16328] =	vst v63  }
0x1be: {  	s21 =	simm.s32 $0x15428;
	s18 =	simm.s32 $0x11828  }
0x1bf: {  	[tilespmem:s21], [sflag:$0x1] =	stream.indirect.gather [spmem:s3], $0x1, s18, s15, $0xb8;
	[tilespmem:$0x16328] =	vst v63  }
0x1c0: {  	s22 =	simm.s32 $0x10A28;
	s23 =	simm.s32 $0x14628  }
0x1c1: {  	[tilespmem:s23], [sflag:$0x1] =	stream.indirect.gather [spmem:s3], $0x1, s22, s15, $0xb8;
	[tilespmem:$0x16328] =	vst v63  }
0x1c2: {  	s14 =	simm.s32 $0x11928;
	s16 =	simm.s32 $0x15528  }
0x1c3: {  	[tilespmem:s16], [sflag:$0x1] =	stream.indirect.gather [spmem:s3], $0x1, s14, s15, $0xb8;
	[tilespmem:$0x16328] =	vst v63  }
0x1c4: {  	s18 =	simm.s32 $0x10B28;
	s21 =	simm.s32 $0x14728  }
0x1c5: {  	[tilespmem:s21], [sflag:$0x1] =	stream.indirect.gather [spmem:s3], $0x1, s18, s15, $0xb8;
	[tilespmem:$0x16328] =	vst v63  }
0x1c6: {  	s22 =	simm.s32 $0x11A28;
	s23 =	simm.s32 $0x15628  }
0x1c7: {  	[tilespmem:s23], [sflag:$0x1] =	stream.indirect.gather [spmem:s3], $0x1, s22, s15, $0xb8;
	[tilespmem:$0x16328] =	vst v63  }
0x1c8: {  	s14 =	simm.s32 $0x10C28;
	s16 =	simm.s32 $0x14828  }
0x1c9: {  	[tilespmem:s16], [sflag:$0x1] =	stream.indirect.gather [spmem:s3], $0x1, s14, s15, $0xb8;
	[tilespmem:$0x16328] =	vst v63  }
0x1ca: {  	s18 =	simm.s32 $0x11B28;
	s21 =	simm.s32 $0x15728  }
0x1cb: {  	[tilespmem:s21], [sflag:$0x1] =	stream.indirect.gather [spmem:s3], $0x1, s18, s15, $0xb8;
	[tilespmem:$0x16328] =	vst v63  }
0x1cc: {  	s22 =	simm.s32 $0x10D28;
	s23 =	simm.s32 $0x14928  }
0x1cd: {  	[tilespmem:s23], [sflag:$0x1] =	stream.indirect.gather [spmem:s3], $0x1, s22, s15, $0xb8;
	[tilespmem:$0x16328] =	vst v63  }
0x1ce: {  	s14 =	simm.s32 $0x11C28;
	s16 =	simm.s32 $0x15828  }
0x1cf: {  	[tilespmem:s16], [sflag:$0x1] =	stream.indirect.gather [spmem:s3], $0x1, s14, s15, $0xb8;
	[tilespmem:$0x16328] =	vst v63  }
0x1d0: {  	s18 =	simm.s32 $0x10E28;
	s21 =	simm.s32 $0x14A28  }
0x1d1: {  	[tilespmem:s21], [sflag:$0x1] =	stream.indirect.gather [spmem:s3], $0x1, s18, s15, $0xb8;
	[tilespmem:$0x16328] =	vst v63  }
0x1d2: {  	s22 =	simm.s32 $0x11D28;
	s23 =	simm.s32 $0x15928  }
0x1d3: {  	[tilespmem:s23], [sflag:$0x1] =	stream.indirect.gather [spmem:s3], $0x1, s22, s15, $0xb8;
	[tilespmem:$0x16328] =	vst v63  }
0x1d4: {  	s14 =	simm.s32 $0x10F28;
	s16 =	simm.s32 $0x14B28  }
0x1d5: {  	[tilespmem:s16], [sflag:$0x1] =	stream.indirect.gather [spmem:s3], $0x1, s14, s15, $0xb8;
	[tilespmem:$0x16328] =	vst v63  }
0x1d6: {  	s18 =	simm.s32 $0x11E28;
	s21 =	simm.s32 $0x15A28  }
0x1d7: {  	[tilespmem:s21], [sflag:$0x1] =	stream.indirect.gather [spmem:s3], $0x1, s18, s15, $0xb8;
	[tilespmem:$0x16328] =	vst v63  }
0x1d8: {  	s22 =	simm.s32 $0x11028;
	s23 =	simm.s32 $0x14C28  }
0x1d9: {  	[tilespmem:s23], [sflag:$0x1] =	stream.indirect.gather [spmem:s3], $0x1, s22, s15, $0xb8;
	[tilespmem:$0x16328] =	vst v63  }
0x1da: {  	s14 =	simm.s32 $0x11F28;
	s16 =	simm.s32 $0x15B28  }
0x1db: {  	[tilespmem:s16], [sflag:$0x1] =	stream.indirect.gather [spmem:s3], $0x1, s14, s15, $0xb8;
	[tilespmem:$0x16328] =	vst v63  }
0x1dc: {  	s18 =	simm.s32 $0x11128;
	s21 =	simm.s32 $0x14D28  }
0x1dd: {  	[tilespmem:s21], [sflag:$0x1] =	stream.indirect.gather [spmem:s3], $0x1, s18, s15, $0xb8;
	[tilespmem:$0x16328] =	vst v63  }
0x1de: {  	s22 =	simm.s32 $0x12028;
	s23 =	simm.s32 $0x15C28  }
0x1df: {  	[tilespmem:s23], [sflag:$0x1] =	stream.indirect.gather [spmem:s3], $0x1, s22, s15, $0xb8;
	[tilespmem:$0x16328] =	vst v63  }
0x1e0: {  	s14 =	simm.s32 $0x11228;
	s16 =	simm.s32 $0x14E28  }
0x1e1: {  	[tilespmem:s16], [sflag:$0x1] =	stream.indirect.gather [spmem:s3], $0x1, s14, s15, $0xb8;
	[tilespmem:$0x16328] =	vst v63  }
0x1e2: {  	s18 =	simm.s32 $0x12128;
	s21 =	simm.s32 $0x15D28  }
0x1e3: {  	[tilespmem:s21], [sflag:$0x1] =	stream.indirect.gather [spmem:s3], $0x1, s18, s15, $0xb8;
	[tilespmem:$0x16328] =	vst v63  }
0x1e4: {  	s22 =	simm.s32 $0x11328;
	s23 =	simm.s32 $0x14F28  }
0x1e5: {  	[tilespmem:s23], [sflag:$0x1] =	stream.indirect.gather [spmem:s3], $0x1, s22, s15, $0xb8;
	[tilespmem:$0x16328] =	vst v63  }
0x1e6: {  	s14 =	simm.s32 $0x12228;
	s16 =	simm.s32 $0x15E28  }
0x1e7: {  	[tilespmem:s16], [sflag:$0x1] =	stream.indirect.gather [spmem:s3], $0x1, s14, s15, $0xb8;
	[tilespmem:$0x16328] =	vst v63  }
0x1e8: {  	s18 =	simm.s32 $0x11428;
	s21 =	simm.s32 $0x15028  }
0x1e9: {  	[tilespmem:s21], [sflag:$0x1] =	stream.indirect.gather [spmem:s3], $0x1, s18, s15, $0xb8;
	[tilespmem:$0x16328] =	vst v63  }
0x1ea: {  	s22 =	simm.s32 $0x12328;
	s23 =	simm.s32 $0x15F28  }
0x1eb: {  	[tilespmem:s23], [sflag:$0x1] =	stream.indirect.gather [spmem:s3], $0x1, s22, s15, $0xb8;
	[tilespmem:$0x16328] =	vst v63  }
0x1ec: {  	s14 =	simm.s32 $0x11528;
	s16 =	simm.s32 $0x15128  }
0x1ed: {  	[tilespmem:s16], [sflag:$0x1] =	stream.indirect.gather [spmem:s3], $0x1, s14, s15, $0xb8;
	[tilespmem:$0x16328] =	vst v63  }
0x1ee: {  	s18 =	simm.s32 $0x12428;
	s21 =	simm.s32 $0x16028  }
0x1ef: {  	[tilespmem:s21], [sflag:$0x1] =	stream.indirect.gather [spmem:s3], $0x1, s18, s15, $0xb8;
	[tilespmem:$0x16328] =	vst v63  }
0x1f0: {  	s22 =	simm.s32 $0x11628;
	s23 =	simm.s32 $0x15228  }
0x1f1: {  	[tilespmem:s23], [sflag:$0x1] =	stream.indirect.gather [spmem:s3], $0x1, s22, s15, $0xb8;
	[tilespmem:$0x16328] =	vst v63  }
0x1f2: {  	_ = 	snop  }
0x1f3: {  	[tilespmem:s28], [sflag:$0x1] =	stream.indirect.gather [spmem:s3], $0x1, s1, s15, $0xb8;
	[tilespmem:$0x16328] =	vst v63  }
0x1f4: {  	_ = 	snop  }
0x1f5: {  	[tilespmem:s30], [sflag:$0x1] =	stream.indirect.gather [spmem:s3], $0x1, s29, s15, $0xb8;
	[tilespmem:$0x16328] =	vst v63  }
0x1f6: {  	_ = 	snop  }
0x1f7: {  	[tilespmem:s0], [sflag:$0x1] =	stream.indirect.gather [spmem:s3], $0x1, s31, s15, $0xb8;
	[tilespmem:$0x16328] =	vst v63  }
0x1f8: {  	_ =	swait.ge [sflag:s17], $0x100  }
0x1f9: {  	[sflag:s17] =	ssyncset.done $0x0  }
0x1fa: {  	[sflag:s17] =	ssyncadd.s32 $0xFFFFFF00  }
0x1fb: {  	_ =	swait.ge [sflag:s17], $0x100  }
0x1fc: {  	[sflag:s17] =	ssyncset.done $0x0  }
0x1fd: {  	[sflag:s17] =	ssyncadd.s32 $0xFFFFFF00  }
0x1fe: {  	_ =	swait.ge [sflag:s17], $0x100  }
0x1ff: {  	[sflag:s17] =	ssyncset.done $0x0  }
0x200: {  	[sflag:s17] =	ssyncadd.s32 $0xFFFFFF00  }
0x201: {  	_ =	swait.ge [sflag:s17], $0x100  }
0x202: {  	[sflag:s17] =	ssyncset.done $0x0  }
0x203: {  	[sflag:s17] =	ssyncadd.s32 $0xFFFFFF00  }
0x204: {  	_ =	swait.ge [sflag:s17], $0x100  }
0x205: {  	[sflag:s17] =	ssyncset.done $0x0  }
0x206: {  	[sflag:s17] =	ssyncadd.s32 $0xFFFFFF00  }
0x207: {  	_ =	swait.ge [sflag:s17], $0x100  }
0x208: {  	[sflag:s17] =	ssyncset.done $0x0  }
0x209: {  	[sflag:s17] =	ssyncadd.s32 $0xFFFFFF00  }
0x20a: {  	_ =	swait.ge [sflag:s17], $0x100  }
0x20b: {  	[sflag:s17] =	ssyncset.done $0x0  }
0x20c: {  	[sflag:s17] =	ssyncadd.s32 $0xFFFFFF00  }
0x20d: {  	_ =	swait.ge [sflag:s17], $0x100  }
0x20e: {  	[sflag:s17] =	ssyncset.done $0x0  }
0x20f: {  	[sflag:s17] =	ssyncadd.s32 $0xFFFFFF00  }
0x210: {  	_ =	swait.ge [sflag:s17], $0x100  }
0x211: {  	[sflag:s17] =	ssyncset.done $0x0  }
0x212: {  	[sflag:s17] =	ssyncadd.s32 $0xFFFFFF00  }
0x213: {  	_ =	swait.ge [sflag:s17], $0x100  }
0x214: {  	[sflag:s17] =	ssyncset.done $0x0  }
0x215: {  	[sflag:s17] =	ssyncadd.s32 $0xFFFFFF00  }
0x216: {  	_ =	swait.ge [sflag:s17], $0x100  }
0x217: {  	[sflag:s17] =	ssyncset.done $0x0  }
0x218: {  	[sflag:s17] =	ssyncadd.s32 $0xFFFFFF00  }
0x219: {  	_ =	swait.ge [sflag:s17], $0x100  }
0x21a: {  	[sflag:s17] =	ssyncset.done $0x0  }
0x21b: {  	[sflag:s17] =	ssyncadd.s32 $0xFFFFFF00  }
0x21c: {  	_ =	swait.ge [sflag:s17], $0x100  }
0x21d: {  	[sflag:s17] =	ssyncset.done $0x0  }
0x21e: {  	[sflag:s17] =	ssyncadd.s32 $0xFFFFFF00  }
0x21f: {  	_ =	swait.ge [sflag:s17], $0x100  }
0x220: {  	[sflag:s17] =	ssyncset.done $0x0  }
0x221: {  	[sflag:s17] =	ssyncadd.s32 $0xFFFFFF00  }
0x222: {  	_ =	swait.ge [sflag:s17], $0x100  }
0x223: {  	[sflag:s17] =	ssyncset.done $0x0  }
0x224: {  	[sflag:s17] =	ssyncadd.s32 $0xFFFFFF00  }
0x225: {  	_ =	swait.ge [sflag:s17], $0x100  }
0x226: {  	[sflag:s17] =	ssyncset.done $0x0  }
0x227: {  	[sflag:s17] =	ssyncadd.s32 $0xFFFFFF00  }
0x228: {  	_ =	swait.ge [sflag:s17], $0x100  }
0x229: {  	[sflag:s17] =	ssyncset.done $0x0  }
0x22a: {  	[sflag:s17] =	ssyncadd.s32 $0xFFFFFF00  }
0x22b: {  	_ =	swait.ge [sflag:s17], $0x100  }
0x22c: {  	[sflag:s17] =	ssyncset.done $0x0  }
0x22d: {  	[sflag:s17] =	ssyncadd.s32 $0xFFFFFF00  }
0x22e: {  	_ =	swait.ge [sflag:s17], $0x100  }
0x22f: {  	[sflag:s17] =	ssyncset.done $0x0  }
0x230: {  	[sflag:s17] =	ssyncadd.s32 $0xFFFFFF00  }
0x231: {  	_ =	swait.ge [sflag:s17], $0x100  }
0x232: {  	[sflag:s17] =	ssyncset.done $0x0  }
0x233: {  	[sflag:s17] =	ssyncadd.s32 $0xFFFFFF00  }
0x234: {  	_ =	swait.ge [sflag:s17], $0x100  }
0x235: {  	[sflag:s17] =	ssyncset.done $0x0  }
0x236: {  	[sflag:s17] =	ssyncadd.s32 $0xFFFFFF00  }
0x237: {  	_ =	swait.ge [sflag:s17], $0x100  }
0x238: {  	[sflag:s17] =	ssyncset.done $0x0  }
0x239: {  	[sflag:s17] =	ssyncadd.s32 $0xFFFFFF00  }
0x23a: {  	_ =	swait.ge [sflag:s17], $0x100  }
0x23b: {  	[sflag:s17] =	ssyncset.done $0x0  }
0x23c: {  	[sflag:s17] =	ssyncadd.s32 $0xFFFFFF00  }
0x23d: {  	_ =	swait.ge [sflag:s17], $0x100  }
0x23e: {  	[sflag:s17] =	ssyncset.done $0x0  }
0x23f: {  	[sflag:s17] =	ssyncadd.s32 $0xFFFFFF00  }
0x240: {  	_ =	swait.ge [sflag:s17], $0x100  }
0x241: {  	[sflag:s17] =	ssyncset.done $0x0  }
0x242: {  	[sflag:s17] =	ssyncadd.s32 $0xFFFFFF00  }
0x243: {  	_ =	swait.ge [sflag:s17], $0x100  }
0x244: {  	[sflag:s17] =	ssyncset.done $0x0  }
0x245: {  	[sflag:s17] =	ssyncadd.s32 $0xFFFFFF00  }
0x246: {  	_ =	swait.ge [sflag:s17], $0x100  }
0x247: {  	[sflag:s17] =	ssyncset.done $0x0  }
0x248: {  	[sflag:s17] =	ssyncadd.s32 $0xFFFFFF00  }
0x249: {  	_ =	swait.ge [sflag:s17], $0x100  }
0x24a: {  	[sflag:s17] =	ssyncset.done $0x0  }
0x24b: {  	[sflag:s17] =	ssyncadd.s32 $0xFFFFFF00  }
0x24c: {  	_ =	swait.ge [sflag:s17], $0x100  }
0x24d: {  	[sflag:s17] =	ssyncset.done $0x0  }
0x24e: {  	[sflag:s17] =	ssyncadd.s32 $0xFFFFFF00  }
0x24f: {  	_ =	swait.ge [sflag:s17], $0x100  }
0x250: {  	[sflag:s17] =	ssyncset.done $0x0  }
0x251: {  	s5 =	simm.s32 $0x0;
	[sflag:s17] =	ssyncadd.s32 $0xFFFFFF00  }
0x252: {  	v17 =	vld [tilespmem:s5+$0x14598]  }
0x253: {  	v18 =	vld [tilespmem:s5+$0x15498]  }
0x254: {  	v19 =	vld [tilespmem:s5+$0x14528]  }
0x255: {  	v20 =	vld [tilespmem:s5+$0x15428]  }
0x256: {  	v21 =	vld [tilespmem:s5+$0x14538]  }
0x257: {  	v22 =	vld [tilespmem:s5+$0x12798]  }
0x258: {  	v23 =	vld [tilespmem:s5+$0x15438]  }
0x259: {  	v24 =	vld [tilespmem:s5+$0x14548]  }
0x25a: {  	v25 =	vld [tilespmem:s5+$0x15448]  }
0x25b: {  	v26 =	vld [tilespmem:s5+$0x15458]  }
0x25c: {  	v27 =	vld [tilespmem:s5+$0x15468]  }
0x25d: {  	v28 =	vld [tilespmem:s5+$0x15478];
	v17 =	vmul.f32 $5.000000000e-01, v17;
	v18 =	vmul.f32 $5.000000000e-01, v18  }
0x25e: {  	v29 =	vld [tilespmem:s5+$0x14588]  }
0x25f: {  	v30 =	vld [tilespmem:s5+$0x15488];
	v17 =	vadd.f32 v18, v17  }
0x260: {  	v31 =	vld [tilespmem:s5+$0x12728]  }
0x261: {  	v19 =	vmul.f32 $5.000000000e-01, v19;
	v18 =	vld [tilespmem:s5+$0x14558];
	v17 =	vmul.f32 v17, v22  }
0x262: {  	v21 =	vmul.f32 $5.000000000e-01, v21;
	v23 =	vmul.f32 $5.000000000e-01, v23;
	v22 =	vld [tilespmem:s5+$0x14568]  }
0x263: {  	v24 =	vmul.f32 $5.000000000e-01, v24;
	v25 =	vmul.f32 $5.000000000e-01, v25;
	[tilespmem:s5+$0x13698] =	vst v17;
	v17 =	vld [tilespmem:s5+$0x14578]  }
0x264: {  	v32 =	vld [tilespmem:s5+$0x12738];
	v20 =	vmul.f32 $5.000000000e-01, v20;
	v26 =	vmul.f32 $5.000000000e-01, v26;
	v35 =	vadd.f32 v23, v21  }
0x265: {  	v34 =	vld [tilespmem:s5+$0x12748];
	v23 =	vmul.f32 $5.000000000e-01, v27;
	v36 =	vadd.f32 v25, v24;
	v25 =	vmul.f32 $5.000000000e-01, v28  }
0x266: {  	v20 =	vadd.f32 v20, v19;
	v28 =	vmul.f32 $5.000000000e-01, v29;
	v33 =	vmul.f32 $5.000000000e-01, v18;
	v18 =	vld [tilespmem:s5+$0x12758]  }
0x267: {  	v19 =	vld [tilespmem:s5+$0x12768];
	v29 =	vmul.f32 $5.000000000e-01, v30;
	v22 =	vmul.f32 $5.000000000e-01, v22  }
0x268: {  	v21 =	vld [tilespmem:s5+$0x12778];
	v63 =	vmul.f32 v20, v31;
	v27 =	vmul.f32 $5.000000000e-01, v17  }
0x269: {  	s18 =	simm.s32 $0x80;
	v24 =	vld [tilespmem:s5+$0x12788];
	v17 =	vadd.f32 v26, v33;
	v22 =	vadd.f32 v23, v22;
	v26 =	vmul.f32 v35, v32  }
0x26a: {  	s21 =	simm.s32 $0x400;
	v20 =	vld [tilespmem:s18+$0x14598];
	[tilespmem:s5+$0x13628] =	vst v63;
	v23 =	vadd.f32 v25, v27;
	v25 =	vadd.f32 v29, v28;
	v27 =	vmul.f32 v36, v34  }
.LBB2_7:
0x26b: {  	p1 =	sne.s32 s21, $0x3A00;
	v28 =	vld [tilespmem:s18+$0x15498];
	[tilespmem:s5+$0x13638] =	vst v26;
	v17 =	vmul.f32 v17, v18  }
0x26c: {  	v18 =	vld [tilespmem:s18+$0x14528];
	[tilespmem:s5+$0x13648] =	vst v27;
	v19 =	vmul.f32 v22, v19  }
0x26d: {  	v22 =	vld [tilespmem:s18+$0x15428];
	[tilespmem:s5+$0x13658] =	vst v17;
	v17 =	vmul.f32 v23, v21  }
0x26e: {  	v21 =	vld [tilespmem:s18+$0x14538];
	[tilespmem:s5+$0x13668] =	vst v19;
	v19 =	vmul.f32 v25, v24  }
0x26f: {  	v23 =	vld [tilespmem:s18+$0x12798];
	[tilespmem:s5+$0x13678] =	vst v17  }
0x270: {  	v20 =	vmul.f32 $5.000000000e-01, v20;
	v17 =	vld [tilespmem:s18+$0x15438];
	v24 =	vmul.f32 $5.000000000e-01, v28;
	[tilespmem:s5+$0x13688] =	vst v19;
	s5 =	smov.u32 s18  }
0x271: {  	v18 =	vmul.f32 $5.000000000e-01, v18;
	v19 =	vld [tilespmem:s5+$0x14548]  }
0x272: {  	v22 =	vmul.f32 $5.000000000e-01, v22;
	v25 =	vld [tilespmem:s5+$0x15448];
	v20 =	vadd.f32 v24, v20  }
0x273: {  	v21 =	vmul.f32 $5.000000000e-01, v21;
	v24 =	vld [tilespmem:s5+$0x14558]  }
0x274: {  	v26 =	vadd.f32 v22, v18;
	v18 =	vld [tilespmem:s5+$0x15458];
	v20 =	vmul.f32 v20, v23  }
0x275: {  	v17 =	vmul.f32 $5.000000000e-01, v17;
	v22 =	vld [tilespmem:s5+$0x14568]  }
0x276: {  	v19 =	vmul.f32 $5.000000000e-01, v19;
	v23 =	vld [tilespmem:s5+$0x15468];
	[tilespmem:s5+$0x13698] =	vst v20  }
0x277: {  	v20 =	vadd.f32 v17, v21;
	v17 =	vmul.f32 $5.000000000e-01, v25;
	v21 =	vld [tilespmem:s5+$0x14578]  }
0x278: {  	v24 =	vmul.f32 $5.000000000e-01, v24;
	v25 =	vld [tilespmem:s5+$0x15478]  }
0x279: {  	v27 =	vadd.f32 v17, v19;
	v17 =	vmul.f32 $5.000000000e-01, v18;
	v19 =	vld [tilespmem:s5+$0x14588]  }
0x27a: {  	v18 =	vmul.f32 $5.000000000e-01, v22;
	v28 =	vld [tilespmem:s5+$0x15488]  }
0x27b: {  	v29 =	vld [tilespmem:s5+$0x12728];
	v17 =	vadd.f32 v17, v24;
	v22 =	vmul.f32 $5.000000000e-01, v23  }
0x27c: {  	v24 =	vld [tilespmem:s5+$0x12738];
	v21 =	vmul.f32 $5.000000000e-01, v21  }
0x27d: {  	v30 =	vld [tilespmem:s5+$0x12748];
	v22 =	vadd.f32 v22, v18;
	v23 =	vmul.f32 $5.000000000e-01, v25  }
.Ltmp5:
0x27e: {  	v18 =	vld [tilespmem:s5+$0x12758];
	v25 =	vmul.f32 $5.000000000e-01, v19;
	(pc) =	sbr.rel @p1 .LBB2_7-.Ltmp5, $4  }
0x27f: {  	v19 =	vld [tilespmem:s5+$0x12768];
	v23 =	vadd.f32 v23, v21;
	v28 =	vmul.f32 $5.000000000e-01, v28  }
0x280: {  	v29 =	vmul.f32 v26, v29;
	v21 =	vld [tilespmem:s5+$0x12778]  }
0x281: {  	s18 =	sshra.s32 s21, $0x2;
	v26 =	vmul.f32 v20, v24;
	v25 =	vadd.f32 v28, v25;
	v24 =	vld [tilespmem:s5+$0x12788]  }
0x282: {  	s21 =	sadd.s32 $0x200, s21;
	v20 =	vld [tilespmem:s18+$0x14598];
	[tilespmem:s5+$0x13628] =	vst v29;
	v27 =	vmul.f32 v27, v30  }
0x283: {  	v28 =	vld [tilespmem:s18+$0x15498];
	[tilespmem:s5+$0x13638] =	vst v26;
	v17 =	vmul.f32 v17, v18  }
0x284: {  	v26 =	vld [tilespmem:s18+$0x14528];
	[tilespmem:s5+$0x13648] =	vst v27;
	v19 =	vmul.f32 v22, v19  }
0x285: {  	v18 =	vld [tilespmem:s18+$0x15428];
	[tilespmem:s5+$0x13658] =	vst v17;
	v21 =	vmul.f32 v23, v21  }
0x286: {  	v17 =	vld [tilespmem:s18+$0x14538];
	[tilespmem:s5+$0x13668] =	vst v19;
	v48 =	vmul.f32 v25, v24  }
0x287: {  	v19 =	vld [tilespmem:s18+$0x12798];
	[tilespmem:s5+$0x13678] =	vst v21  }
0x288: {  	v21 =	vld [tilespmem:s18+$0x15438];
	[tilespmem:s5+$0x13688] =	vst v48  }
0x289: {  	v50 =	vld [tilespmem:s18+$0x14548]  }
0x28a: {  	v51 =	vld [tilespmem:s18+$0x15448]  }
0x28b: {  	v52 =	vld [tilespmem:s18+$0x14558]  }
0x28c: {  	v53 =	vld [tilespmem:s18+$0x15458]  }
0x28d: {  	v54 =	vld [tilespmem:s18+$0x14568]  }
0x28e: {  	v27 =	vld [tilespmem:s18+$0x15468]  }
0x28f: {  	v20 =	vmul.f32 $5.000000000e-01, v20;
	v49 =	vmul.f32 $5.000000000e-01, v28;
	v55 =	vld [tilespmem:s18+$0x15478]  }
0x290: {  	v29 =	vld [tilespmem:s18+$0x14588]  }
0x291: {  	v30 =	vld [tilespmem:s18+$0x15488];
	v20 =	vadd.f32 v49, v20  }
0x292: {  	v26 =	vmul.f32 $5.000000000e-01, v26;
	v31 =	vld [tilespmem:s18+$0x12728];
	v18 =	vmul.f32 $5.000000000e-01, v18  }
0x293: {  	v32 =	vld [tilespmem:s18+$0x12738];
	v17 =	vmul.f32 $5.000000000e-01, v17;
	v19 =	vmul.f32 v20, v19  }
0x294: {  	v33 =	vld [tilespmem:s18+$0x12748];
	v21 =	vmul.f32 $5.000000000e-01, v21;
	v23 =	vmul.f32 $5.000000000e-01, v50  }
0x295: {  	v18 =	vadd.f32 v18, v26;
	[tilespmem:s18+$0x13698] =	vst v19;
	v19 =	vld [tilespmem:s18+$0x14578];
	v24 =	vmul.f32 $5.000000000e-01, v51;
	v22 =	vmul.f32 $5.000000000e-01, v52  }
0x296: {  	v58 =	vld [tilespmem:s18+$0x12768];
	v25 =	vmul.f32 $5.000000000e-01, v53;
	v20 =	vmul.f32 $5.000000000e-01, v54  }
0x297: {  	v56 =	vld [tilespmem:s18+$0x12758];
	v57 =	vmul.f32 $5.000000000e-01, v27;
	v18 =	vmul.f32 v18, v31;
	v23 =	vadd.f32 v24, v23  }
0x298: {  	v62 =	vld [tilespmem:s18+$0x12788];
	v59 =	vmul.f32 $5.000000000e-01, v55;
	v61 =	vmul.f32 $5.000000000e-01, v29;
	v17 =	vadd.f32 v21, v17  }
0x299: {  	v60 =	vld [tilespmem:s18+$0x12778];
	v63 =	vmul.f32 $5.000000000e-01, v30;
	v20 =	vadd.f32 v57, v20;
	[tilespmem:s18+$0x13628] =	vst v18;
	v18 =	vmul.f32 v23, v33  }
0x29a: {  	v22 =	vadd.f32 v25, v22;
	v17 =	vmul.f32 v17, v32;
	v19 =	vmul.f32 $5.000000000e-01, v19  }
0x29b: {  	v21 =	vadd.f32 v63, v61;
	[tilespmem:s18+$0x13648] =	vst v18;
	v18 =	vmul.f32 v20, v58  }
0x29c: {  	[tilespmem:s18+$0x13638] =	vst v17;
	v17 =	vmul.f32 v22, v56;
	v19 =	vadd.f32 v59, v19  }
0x29d: {  	[tilespmem:s18+$0x13668] =	vst v18;
	v18 =	vmul.f32 v21, v62  }
0x29e: {  	[tilespmem:s18+$0x13658] =	vst v17;
	v17 =	vmul.f32 v19, v60  }
0x29f: {  	[tilespmem:s18+$0x13688] =	vst v18  }
.Ltmp6:
0x2a0: {  	s23 =	simm.s32 $0x0;
	s14 =	simm.s32 $0x13628;
	[tilespmem:s18+$0x13678] =	vst v17;
	(pc) =	sbr.rel .LBB2_10-.Ltmp6, $4  }
0x2a1: {  	[hbm4b:s10+s23] =	stream.linear.scatter [tilespmem:s14], [sflag:$0x3], $0xF00, $0x38;
	[tilespmem:$0x16328] =	vst v63  }
0x2a2: {  	_ =	swait.ge [sflag:s13], $0xF00  }
0x2a3: {  	[sflag:s13] =	ssyncset.done $0x0  }
0x2a4: {  	[sflag:s13] =	ssyncadd.s32 $0xFFFFF100  }
.LBB2_11:
0x2a5: {  	_ =	sfence.sel $0x180000  }
0x2a6: {  	[bflag:$0x0] =	sbarrier.arrive $0xFFFF  }
0x2a7: {  	_ =	strace $0x90000047  }
0x2a8: {  	s0 =	stileid.u32;
	[bflag:$0x2] =	sbarrier.arrive $0xFFFF  }
0x2a9: {  	p0 =	sne.s32 s0, $0x0;
	s0 =	rddreg [dreg:$0x5]  }
0x2aa: {  	s0 =	sadd.s32 @!p0 $0x100000, s0  }
0x2ab: {  	[sflag:s0] =	ssyncadd.tile.s32 @!p0 $0x1;
	_ =	shalt  }
.Lfunc_end2:
_tile_overlayer_lowered:
.L_overlay_start_2:
0x2ac: {  	(tag) =	ssettag $0x2  }
0x2ad: {  	s0 =	rddreg [dreg:$0x0];
	s2 =	stileid.u32  }
0x2ae: {  	s1 =	rddreg [dreg:$0x1];
	p0 =	sne.s32 s2, $0x0  }
0x2af: {  	s3 =	rddreg [dreg:$0x2];
	[bflag:$0x3] =	sbarrier.arrive $0xFFFF;
	s2 =	simm.s32 @!p0 $0x1C03  }
0x2b0: {  	[timem:s3], [sflag:s2] =	dma.local @!p0 [hbm:s0], s1  }
0x2b1: {  	s0 =	simm.s32 @!p0 $0x3  }
0x2b2: {  	_ =	swait.ge @!p0 [sflag:s0], s1  }
0x2b3: {  	s1 =	ssub.s32 @!p0 $0x0, s1;
	[sflag:s0] =	ssyncset.done @!p0 $0x0  }
0x2b4: {  	[sflag:s0] =	ssyncadd.s32 @!p0 s1  }
0x2b5: {  	[bflag:$0x3] =	sbarrier.arrive $0xFFFF  }
0x2b6: {  	_ =	shalt  }

</sc_bundles>
